<compile_context>
chip_gen: v7x
topology: tpu7x:2x2x1
jax: 0.10.2.dev20260603
libtpu: 0.0.44.dev20260713+nightly
codegen_flags: <defaults>
</compile_context>

<pallas_src>
import functools

import jax
import jax.numpy as jnp
from jax import lax
from jax.experimental import pallas as pl
from jax.experimental.pallas import tpu as pltpu
from jax.experimental.pallas import tpu_sc as plsc

B = 16384
UDIM = 64
MDIM = 64
H1 = 256
H2 = 64

NC = 2
NS = 16
NW = NC * NS
ROWS_PER_W = B // NW
CHUNK = 128
NCHUNK = ROWS_PER_W // CHUNK

RBLK = 8192


def _n4(V, rblk=RBLK):
    quarter = (V + 3) // 4
    return ((quarter + rblk - 1) // rblk) * rblk


def _repack(table, rblk=RBLK):
    V = table.shape[0]
    n4 = _n4(V, rblk)
    Q = n4 // rblk
    last = (V - 1) // rblk
    ut = table.T

    def repack_kernel(a_ref, b_ref, c_ref, d_ref, o_ref):
        ident = (lax.broadcasted_iota(jnp.int32, (UDIM, UDIM), 0)
                 == lax.broadcasted_iota(jnp.int32, (UDIM, UDIM), 1)
                 ).astype(jnp.bfloat16)
        dn = (((0,), (0,)), ((), ()))

        def tr(ref):
            return lax.dot_general(ref[...].astype(jnp.bfloat16), ident, dn,
                                   preferred_element_type=jnp.float32)

        def pack(x, y):
            xu = lax.bitcast_convert_type(x, jnp.uint32)
            yu = lax.bitcast_convert_type(y, jnp.uint32)
            return lax.bitcast_convert_type(xu | (yu >> 16), jnp.float32)

        o_ref[:, :UDIM] = pack(tr(a_ref), tr(b_ref))
        o_ref[:, UDIM:] = pack(tr(c_ref), tr(d_ref))

    return pl.pallas_call(
        repack_kernel,
        grid=(Q,),
        in_specs=[
            pl.BlockSpec((UDIM, rblk),
                         lambda i, j=j: (0, jnp.minimum(j * Q + i, last)))
            for j in range(4)
        ],
        out_specs=pl.BlockSpec((rblk, 128), lambda i: (i, 0)),
        out_shape=jax.ShapeDtypeStruct((n4, 128), jnp.float32),
        compiler_params=pltpu.CompilerParams(
            vmem_limit_bytes=100 * 1024 * 1024),
    )(ut, ut, ut, ut)


def _sc_gather(idx3, packed_table, n4):
    mesh = plsc.VectorSubcoreMesh(core_axis_name="c", subcore_axis_name="s")

    @functools.partial(
        pl.kernel,
        out_type=jax.ShapeDtypeStruct((B, 128), jnp.float32),
        mesh=mesh,
        compiler_params=pltpu.CompilerParams(use_tc_tiling_on_sc=False),
        scratch_types=[
            pltpu.VMEM((NCHUNK, CHUNK), jnp.int32),
            pltpu.VMEM((NCHUNK, CHUNK), jnp.int32),
            pltpu.VMEM((ROWS_PER_W, 128), jnp.float32),
            pltpu.SemaphoreType.DMA,
        ],
    )
    def gather_kernel(idx_hbm, tab_hbm, out_hbm, idx_v, q_v, rows_v, sem):
        wid = lax.axis_index("s") * NC + lax.axis_index("c")
        base = wid * ROWS_PER_W
        pltpu.sync_copy(idx_hbm.at[wid], idx_v)
        for j in range(NCHUNK):
            for k in range(CHUNK // 16):
                s = pl.ds(k * 16, 16)
                v = idx_v[j, s]
                q = v - jnp.where(v >= n4, n4, 0).astype(jnp.int32)
                q = q - jnp.where(q >= n4, n4, 0).astype(jnp.int32)
                q = q - jnp.where(q >= n4, n4, 0).astype(jnp.int32)
                q_v[j, s] = q
        copies = []
        for j in range(NCHUNK):
            copies.append(pltpu.async_copy(
                tab_hbm.at[q_v.at[j]],
                rows_v.at[pl.ds(j * CHUNK, CHUNK)], sem))
        for c in copies:
            c.wait()
        pltpu.sync_copy(rows_v, out_hbm.at[pl.ds(base, ROWS_PER_W)])

    return gather_kernel(idx3, packed_table)


def _tc_mlp(ue2, me2, uid, mid, n4u, n4m, W1, b1, W2, b2, W3, b3):
    BLK = 4096

    def unpack(x2, v, n4, width):
        v64 = jnp.broadcast_to(v, (v.shape[0], width))
        second = v64 >= (2 * n4)
        sel = jnp.where(second, x2[:, width:], x2[:, :width])
        bits = lax.bitcast_convert_type(sel, jnp.uint32)
        lo = (v64 - jnp.where(second, 2 * n4, 0)) >= n4
        u = jnp.where(lo, bits << 16, bits & jnp.uint32(0xFFFF0000))
        return lax.bitcast_convert_type(u, jnp.float32)

    def mlp_kernel(ue_ref, me_ref, uid_ref, mid_ref, wa_ref, wb_ref, b1_ref,
                   w2_ref, b2_ref, w3_ref, b3_ref, o_ref):
        bf = jnp.bfloat16
        ue = unpack(ue_ref[...], uid_ref[...], n4u, UDIM).astype(bf)
        me = unpack(me_ref[...], mid_ref[...], n4m, MDIM).astype(bf)
        h = jnp.dot(ue, wa_ref[...].astype(bf),
                    preferred_element_type=jnp.float32)
        h = h + jnp.dot(me, wb_ref[...].astype(bf),
                        preferred_element_type=jnp.float32)
        h = jnp.maximum(h + b1_ref[...], 0.0).astype(bf)
        h = jnp.dot(h, w2_ref[...].astype(bf),
                    preferred_element_type=jnp.float32)
        h = jnp.maximum(h + b2_ref[...], 0.0).astype(bf)
        o_ref[...] = (jnp.dot(h, w3_ref[...].astype(bf),
                              preferred_element_type=jnp.float32)
                      + b3_ref[...])

    return pl.pallas_call(
        mlp_kernel,
        grid=(B // BLK,),
        in_specs=[
            pl.BlockSpec((BLK, 128), lambda i: (i, 0)),
            pl.BlockSpec((BLK, 128), lambda i: (i, 0)),
            pl.BlockSpec((BLK, 1), lambda i: (i, 0)),
            pl.BlockSpec((BLK, 1), lambda i: (i, 0)),
            pl.BlockSpec((UDIM, H1), lambda i: (0, 0)),
            pl.BlockSpec((MDIM, H1), lambda i: (0, 0)),
            pl.BlockSpec((1, H1), lambda i: (0, 0)),
            pl.BlockSpec((H1, H2), lambda i: (0, 0)),
            pl.BlockSpec((1, H2), lambda i: (0, 0)),
            pl.BlockSpec((H2, 1), lambda i: (0, 0)),
            pl.BlockSpec((1, 1), lambda i: (0, 0)),
        ],
        out_specs=pl.BlockSpec((BLK, 1), lambda i: (i, 0)),
        out_shape=jax.ShapeDtypeStruct((B, 1), jnp.float32),
    )(ue2, me2, uid, mid, W1[:UDIM], W1[UDIM:], b1.reshape(1, H1),
      W2, b2.reshape(1, H2), W3, b3.reshape(1, 1))


def kernel(user_id, movie_title, user_table, movie_table,
           W1, b1, W2, b2, W3, b3):
    uid = user_id.astype(jnp.int32)
    mid = movie_title.astype(jnp.int32)
    n4u = _n4(user_table.shape[0])
    n4m = _n4(movie_table.shape[0], 2048)
    tab_m = _repack(movie_table, 2048)
    tab_u = _repack(user_table)
    me2 = _sc_gather(mid.reshape(NW, NCHUNK, CHUNK), tab_m, n4m)
    ue2 = _sc_gather(uid.reshape(NW, NCHUNK, CHUNK), tab_u, n4u)
    return _tc_mlp(ue2, me2, uid.reshape(B, 1), mid.reshape(B, 1),
                   n4u, n4m, W1, b1, W2, b2, W3, b3)

# --- scband reference (transcript-rebuilt; emitter-appended) ---
"""Pipeline reference for scband-ranking-model-52012053954789 (READ-ONLY COPY).

The authoritative reference and input builder live on the scoring server;
editing this copy changes nothing except your own understanding.
"""

import jax, jax.numpy as jnp
import numpy as np

B = 16384
USER_VOCAB = 1000000
MOVIE_VOCAB = 100000
UDIM = 64
MDIM = 64
H1 = 256
H2 = 64


def setup_inputs(seed: int = 0) -> dict:
    key = jax.random.key(seed)
    ks = jax.random.split(key, 10)
    user_id = jax.random.randint(ks[0], (B,), 0, USER_VOCAB, dtype=jnp.int64 if jax.config.jax_enable_x64 else jnp.int32)
    movie_title = jax.random.randint(ks[1], (B,), 0, MOVIE_VOCAB, dtype=jnp.int64 if jax.config.jax_enable_x64 else jnp.int32)
    # Embedding tables sized (vocab + 1, dim) to mirror StringLookup OOV slot
    user_table = jax.random.normal(ks[2], (USER_VOCAB + 1, UDIM), dtype=jnp.float32) * 0.05
    movie_table = jax.random.normal(ks[3], (MOVIE_VOCAB + 1, MDIM), dtype=jnp.float32) * 0.05
    W1 = jax.random.normal(ks[4], (UDIM + MDIM, H1), dtype=jnp.float32) * (1.0 / np.sqrt(UDIM + MDIM))
    b1 = jnp.zeros((H1,), dtype=jnp.float32)
    W2 = jax.random.normal(ks[5], (H1, H2), dtype=jnp.float32) * (1.0 / np.sqrt(H1))
    b2 = jnp.zeros((H2,), dtype=jnp.float32)
    W3 = jax.random.normal(ks[6], (H2, 1), dtype=jnp.float32) * (1.0 / np.sqrt(H2))
    b3 = jnp.zeros((1,), dtype=jnp.float32)
    return {
        "user_id": user_id,
        "movie_title": movie_title,
        "user_table": user_table,
        "movie_table": movie_table,
        "W1": W1, "b1": b1,
        "W2": W2, "b2": b2,
        "W3": W3, "b3": b3,
    }


def reference(user_id, movie_title, user_table, movie_table, W1, b1, W2, b2, W3, b3):
    # StringLookup + Embedding -> integer indices + table gather
    user_embedding = jnp.take(user_table, user_id, axis=0)      # [B, UDIM]
    movie_embedding = jnp.take(movie_table, movie_title, axis=0)  # [B, MDIM]
    h = jnp.concatenate([user_embedding, movie_embedding], axis=1)  # [B, UDIM+MDIM]
    h = jax.nn.relu(h @ W1 + b1)
    h = jax.nn.relu(h @ W2 + b2)
    out = h @ W3 + b3  # [B, 1]
    return out

if __name__ == "__main__":
    import jax
    _d = setup_inputs()
    print(jax.jit(kernel)(*tuple(_d.values())))

</pallas_src>

<mosaic_0001>
#map = affine_map<(d0, d1) -> (0, 0, 0)>
#map1 = affine_map<(d0, d1) -> (0, 0)>
module attributes {stable_mosaic.version = 14 : i64} {
  func.func @gather_kernel(%arg0: i32, %arg1: i32, %arg2: memref<32x4x128xi32, #tpu.memory_space<hbm>>, %arg3: memref<253952x128xf32, #tpu.memory_space<hbm>>, %arg4: memref<16384x128xf32, #tpu.memory_space<hbm>>, %arg5: memref<4x128xi32, #tpu.memory_space<vmem>>, %arg6: memref<4x128xi32, #tpu.memory_space<vmem>>, %arg7: memref<512x128xf32, #tpu.memory_space<vmem>>, %arg8: memref<!tpu.dma_semaphore, #tpu.memory_space<semaphore_mem>>) attributes {dimension_semantics = [#tpu.dimension_semantics<core_parallel>, #tpu.dimension_semantics<subcore_parallel>], iteration_bounds = array<i64: 2, 16>, scalar_prefetch = 0 : i64, scratch_operands = 4 : i64, tpu.core_type = #tpu.core_type<sc_vector_subcore>, window_params = [{transform_indices = #map}, {transform_indices = #map1}, {transform_indices = #map1}]} {
    %mul3A = arith.constant 2 : i32
    %mul3A_0 = arith.muli %arg1, %mul3A : i32
    %add3A = arith.addi %mul3A_0, %arg0 : i32
    %mul3A_1 = arith.constant 512 : i32
    %mul3A_2 = arith.muli %add3A, %mul3A_1 : i32
    "tpu.region"() ({
      %run_scoped3A = tpu.sem_alloc : memref<!tpu.dma_semaphore, #tpu.memory_space<semaphore_mem>>
      %dma_start3A_1290 = arith.constant 0 : i32
      %dma_start3A_1291 = arith.constant 0 : i32
      %dma_start3A_1292 = tpu.memref_slice %arg2[%add3A, %dma_start3A_1290, %dma_start3A_1291] : memref<32x4x128xi32, #tpu.memory_space<hbm>> -> memref<1x4x128xi32, #tpu.memory_space<hbm>>
      %dma_start3A_1293 = tpu.memref_squeeze %dma_start3A_1292 : memref<1x4x128xi32, #tpu.memory_space<hbm>> -> memref<4x128xi32, #tpu.memory_space<hbm>>
      %dma_start3A_1294 = arith.constant 0 : i32
      %dma_start3A_1295 = arith.constant 0 : i32
      %dma_start3A_1296 = tpu.memref_slice %arg2[%add3A, %dma_start3A_1294, %dma_start3A_1295] : memref<32x4x128xi32, #tpu.memory_space<hbm>> -> memref<1x4x128xi32, #tpu.memory_space<hbm>>
      %dma_start3A_1297 = tpu.memref_squeeze %dma_start3A_1296 : memref<1x4x128xi32, #tpu.memory_space<hbm>> -> memref<4x128xi32, #tpu.memory_space<hbm>>
      tpu.enqueue_dma source(%dma_start3A_1297 : memref<4x128xi32, #tpu.memory_space<hbm>>) target(%arg5 : memref<4x128xi32, #tpu.memory_space<vmem>>) target_semaphore(%run_scoped3A : memref<!tpu.dma_semaphore, #tpu.memory_space<semaphore_mem>>)
      %dma_wait3A_1298 = arith.constant 0 : i32
      %dma_wait3A_1299 = arith.constant 0 : i32
      %dma_wait3A_1300 = tpu.memref_slice %arg2[%add3A, %dma_wait3A_1298, %dma_wait3A_1299] : memref<32x4x128xi32, #tpu.memory_space<hbm>> -> memref<1x4x128xi32, #tpu.memory_space<hbm>>
      %dma_wait3A_1301 = tpu.memref_squeeze %dma_wait3A_1300 : memref<1x4x128xi32, #tpu.memory_space<hbm>> -> memref<4x128xi32, #tpu.memory_space<hbm>>
      %dma_wait3A_1302 = arith.constant 0 : i32
      %dma_wait3A_1303 = arith.constant 0 : i32
      %dma_wait3A_1304 = tpu.memref_slice %arg2[%add3A, %dma_wait3A_1302, %dma_wait3A_1303] : memref<32x4x128xi32, #tpu.memory_space<hbm>> -> memref<1x4x128xi32, #tpu.memory_space<hbm>>
      %dma_wait3A_1305 = tpu.memref_squeeze %dma_wait3A_1304 : memref<1x4x128xi32, #tpu.memory_space<hbm>> -> memref<4x128xi32, #tpu.memory_space<hbm>>
      tpu.wait_dma2 semaphore(%run_scoped3A : memref<!tpu.dma_semaphore, #tpu.memory_space<semaphore_mem>>) src(%dma_wait3A_1305 : memref<4x128xi32, #tpu.memory_space<hbm>>) dst(%arg5 : memref<4x128xi32, #tpu.memory_space<vmem>>)
      tpu.yield
    }) : () -> ()
    %get3A = arith.constant 0 : i32
    %get3A_3 = arith.index_cast %get3A : i32 to index
    %get3A_4 = arith.constant 0 : index
    %get3A_5 = tpu.vector_load %arg5[%get3A_3, %get3A_4] {strides = array<i32>} : memref<4x128xi32, #tpu.memory_space<vmem>>, vector<1x16xi32>,
    %get3A_6 = vector.shape_cast %get3A_5 : vector<1x16xi32> to vector<16xi32>
    %ge3A = arith.constant 253952 : i32
    %ge3A_7 = vector.broadcast %ge3A : i32 to vector<16xi32>
    %ge3A_8 = arith.cmpi sge, %get3A_6, %ge3A_7 : vector<16xi32>
    %jit3A = arith.constant 253952 : i32
    %jit3A_9 = arith.constant 0 : i32
    %broadcast_in_dim3A = vector.broadcast %jit3A : i32 to vector<16xi32>
    %broadcast_in_dim3A_10 = vector.broadcast %jit3A_9 : i32 to vector<16xi32>
    %select_n3A = arith.select %ge3A_8, %broadcast_in_dim3A, %broadcast_in_dim3A_10 : vector<16xi1>, vector<16xi32>
    %sub3A = arith.subi %get3A_6, %select_n3A : vector<16xi32>
    %ge3A_11 = arith.constant 253952 : i32
    %ge3A_12 = vector.broadcast %ge3A_11 : i32 to vector<16xi32>
    %ge3A_13 = arith.cmpi sge, %sub3A, %ge3A_12 : vector<16xi32>
    %jit3A_14 = arith.constant 253952 : i32
    %jit3A_15 = arith.constant 0 : i32
    %broadcast_in_dim3A_16 = vector.broadcast %jit3A_14 : i32 to vector<16xi32>
    %broadcast_in_dim3A_17 = vector.broadcast %jit3A_15 : i32 to vector<16xi32>
    %select_n3A_18 = arith.select %ge3A_13, %broadcast_in_dim3A_16, %broadcast_in_dim3A_17 : vector<16xi1>, vector<16xi32>
    %sub3A_19 = arith.subi %sub3A, %select_n3A_18 : vector<16xi32>
    %ge3A_20 = arith.constant 253952 : i32
    %ge3A_21 = vector.broadcast %ge3A_20 : i32 to vector<16xi32>
    %ge3A_22 = arith.cmpi sge, %sub3A_19, %ge3A_21 : vector<16xi32>
    %jit3A_23 = arith.constant 253952 : i32
    %jit3A_24 = arith.constant 0 : i32
    %broadcast_in_dim3A_25 = vector.broadcast %jit3A_23 : i32 to vector<16xi32>
    %broadcast_in_dim3A_26 = vector.broadcast %jit3A_24 : i32 to vector<16xi32>
    %select_n3A_27 = arith.select %ge3A_22, %broadcast_in_dim3A_25, %broadcast_in_dim3A_26 : vector<16xi1>, vector<16xi32>
    %sub3A_28 = arith.subi %sub3A_19, %select_n3A_27 : vector<16xi32>
    %swap3A = arith.constant 0 : i32
    %swap3A_29 = arith.index_cast %swap3A : i32 to index
    %swap3A_30 = arith.constant 0 : index
    %swap3A_31 = tpu.vector_load %arg6[%swap3A_29, %swap3A_30] {strides = array<i32>} : memref<4x128xi32, #tpu.memory_space<vmem>>, vector<1x16xi32>,
    %swap3A_32 = vector.shape_cast %swap3A_31 : vector<1x16xi32> to vector<16xi32>
    %swap3A_33 = vector.shape_cast %sub3A_28 : vector<16xi32> to vector<1x16xi32>
    tpu.vector_store %arg6[%swap3A_29, %swap3A_30], %swap3A_33 {strides = array<i32>} : memref<4x128xi32, #tpu.memory_space<vmem>>, vector<1x16xi32>,
    %get3A_34 = arith.constant 0 : i32
    %get3A_35 = arith.index_cast %get3A_34 : i32 to index
    %get3A_36 = arith.constant 16 : index
    %get3A_37 = tpu.vector_load %arg5[%get3A_35, %get3A_36] {strides = array<i32>} : memref<4x128xi32, #tpu.memory_space<vmem>>, vector<1x16xi32>,
    %get3A_38 = vector.shape_cast %get3A_37 : vector<1x16xi32> to vector<16xi32>
    %ge3A_39 = arith.constant 253952 : i32
    %ge3A_40 = vector.broadcast %ge3A_39 : i32 to vector<16xi32>
    %ge3A_41 = arith.cmpi sge, %get3A_38, %ge3A_40 : vector<16xi32>
    %jit3A_42 = arith.constant 253952 : i32
    %jit3A_43 = arith.constant 0 : i32
    %broadcast_in_dim3A_44 = vector.broadcast %jit3A_42 : i32 to vector<16xi32>
    %broadcast_in_dim3A_45 = vector.broadcast %jit3A_43 : i32 to vector<16xi32>
    %select_n3A_46 = arith.select %ge3A_41, %broadcast_in_dim3A_44, %broadcast_in_dim3A_45 : vector<16xi1>, vector<16xi32>
    %sub3A_47 = arith.subi %get3A_38, %select_n3A_46 : vector<16xi32>
    %ge3A_48 = arith.constant 253952 : i32
    %ge3A_49 = vector.broadcast %ge3A_48 : i32 to vector<16xi32>
    %ge3A_50 = arith.cmpi sge, %sub3A_47, %ge3A_49 : vector<16xi32>
    %jit3A_51 = arith.constant 253952 : i32
    %jit3A_52 = arith.constant 0 : i32
    %broadcast_in_dim3A_53 = vector.broadcast %jit3A_51 : i32 to vector<16xi32>
    %broadcast_in_dim3A_54 = vector.broadcast %jit3A_52 : i32 to vector<16xi32>
    %select_n3A_55 = arith.select %ge3A_50, %broadcast_in_dim3A_53, %broadcast_in_dim3A_54 : vector<16xi1>, vector<16xi32>
    %sub3A_56 = arith.subi %sub3A_47, %select_n3A_55 : vector<16xi32>
    %ge3A_57 = arith.constant 253952 : i32
    %ge3A_58 = vector.broadcast %ge3A_57 : i32 to vector<16xi32>
    %ge3A_59 = arith.cmpi sge, %sub3A_56, %ge3A_58 : vector<16xi32>
    %jit3A_60 = arith.constant 253952 : i32
    %jit3A_61 = arith.constant 0 : i32
    %broadcast_in_dim3A_62 = vector.broadcast %jit3A_60 : i32 to vector<16xi32>
    %broadcast_in_dim3A_63 = vector.broadcast %jit3A_61 : i32 to vector<16xi32>
    %select_n3A_64 = arith.select %ge3A_59, %broadcast_in_dim3A_62, %broadcast_in_dim3A_63 : vector<16xi1>, vector<16xi32>
    %sub3A_65 = arith.subi %sub3A_56, %select_n3A_64 : vector<16xi32>
    %swap3A_66 = arith.constant 0 : i32
    %swap3A_67 = arith.index_cast %swap3A_66 : i32 to index
    %swap3A_68 = arith.constant 16 : index
    %swap3A_69 = tpu.vector_load %arg6[%swap3A_67, %swap3A_68] {strides = array<i32>} : memref<4x128xi32, #tpu.memory_space<vmem>>, vector<1x16xi32>,
    %swap3A_70 = vector.shape_cast %swap3A_69 : vector<1x16xi32> to vector<16xi32>
    %swap3A_71 = vector.shape_cast %sub3A_65 : vector<16xi32> to vector<1x16xi32>
    tpu.vector_store %arg6[%swap3A_67, %swap3A_68], %swap3A_71 {strides = array<i32>} : memref<4x128xi32, #tpu.memory_space<vmem>>, vector<1x16xi32>,
    %get3A_72 = arith.constant 0 : i32
    %get3A_73 = arith.index_cast %get3A_72 : i32 to index
    %get3A_74 = arith.constant 32 : index
    %get3A_75 = tpu.vector_load %arg5[%get3A_73, %get3A_74] {strides = array<i32>} : memref<4x128xi32, #tpu.memory_space<vmem>>, vector<1x16xi32>,
    %get3A_76 = vector.shape_cast %get3A_75 : vector<1x16xi32> to vector<16xi32>
    %ge3A_77 = arith.constant 253952 : i32
    %ge3A_78 = vector.broadcast %ge3A_77 : i32 to vector<16xi32>
    %ge3A_79 = arith.cmpi sge, %get3A_76, %ge3A_78 : vector<16xi32>
    %jit3A_80 = arith.constant 253952 : i32
    %jit3A_81 = arith.constant 0 : i32
    %broadcast_in_dim3A_82 = vector.broadcast %jit3A_80 : i32 to vector<16xi32>
    %broadcast_in_dim3A_83 = vector.broadcast %jit3A_81 : i32 to vector<16xi32>
    %select_n3A_84 = arith.select %ge3A_79, %broadcast_in_dim3A_82, %broadcast_in_dim3A_83 : vector<16xi1>, vector<16xi32>
    %sub3A_85 = arith.subi %get3A_76, %select_n3A_84 : vector<16xi32>
    %ge3A_86 = arith.constant 253952 : i32
    %ge3A_87 = vector.broadcast %ge3A_86 : i32 to vector<16xi32>
    %ge3A_88 = arith.cmpi sge, %sub3A_85, %ge3A_87 : vector<16xi32>
    %jit3A_89 = arith.constant 253952 : i32
    %jit3A_90 = arith.constant 0 : i32
    %broadcast_in_dim3A_91 = vector.broadcast %jit3A_89 : i32 to vector<16xi32>
    %broadcast_in_dim3A_92 = vector.broadcast %jit3A_90 : i32 to vector<16xi32>
    %select_n3A_93 = arith.select %ge3A_88, %broadcast_in_dim3A_91, %broadcast_in_dim3A_92 : vector<16xi1>, vector<16xi32>
    %sub3A_94 = arith.subi %sub3A_85, %select_n3A_93 : vector<16xi32>
    %ge3A_95 = arith.constant 253952 : i32
    %ge3A_96 = vector.broadcast %ge3A_95 : i32 to vector<16xi32>
    %ge3A_97 = arith.cmpi sge, %sub3A_94, %ge3A_96 : vector<16xi32>
    %jit3A_98 = arith.constant 253952 : i32
    %jit3A_99 = arith.constant 0 : i32
    %broadcast_in_dim3A_100 = vector.broadcast %jit3A_98 : i32 to vector<16xi32>
    %broadcast_in_dim3A_101 = vector.broadcast %jit3A_99 : i32 to vector<16xi32>
    %select_n3A_102 = arith.select %ge3A_97, %broadcast_in_dim3A_100, %broadcast_in_dim3A_101 : vector<16xi1>, vector<16xi32>
    %sub3A_103 = arith.subi %sub3A_94, %select_n3A_102 : vector<16xi32>
    %swap3A_104 = arith.constant 0 : i32
    %swap3A_105 = arith.index_cast %swap3A_104 : i32 to index
    %swap3A_106 = arith.constant 32 : index
    %swap3A_107 = tpu.vector_load %arg6[%swap3A_105, %swap3A_106] {strides = array<i32>} : memref<4x128xi32, #tpu.memory_space<vmem>>, vector<1x16xi32>,
    %swap3A_108 = vector.shape_cast %swap3A_107 : vector<1x16xi32> to vector<16xi32>
    %swap3A_109 = vector.shape_cast %sub3A_103 : vector<16xi32> to vector<1x16xi32>
    tpu.vector_store %arg6[%swap3A_105, %swap3A_106], %swap3A_109 {strides = array<i32>} : memref<4x128xi32, #tpu.memory_space<vmem>>, vector<1x16xi32>,
    %get3A_110 = arith.constant 0 : i32
    %get3A_111 = arith.index_cast %get3A_110 : i32 to index
    %get3A_112 = arith.constant 48 : index
    %get3A_113 = tpu.vector_load %arg5[%get3A_111, %get3A_112] {strides = array<i32>} : memref<4x128xi32, #tpu.memory_space<vmem>>, vector<1x16xi32>,
    %get3A_114 = vector.shape_cast %get3A_113 : vector<1x16xi32> to vector<16xi32>
    %ge3A_115 = arith.constant 253952 : i32
    %ge3A_116 = vector.broadcast %ge3A_115 : i32 to vector<16xi32>
    %ge3A_117 = arith.cmpi sge, %get3A_114, %ge3A_116 : vector<16xi32>
    %jit3A_118 = arith.constant 253952 : i32
    %jit3A_119 = arith.constant 0 : i32
    %broadcast_in_dim3A_120 = vector.broadcast %jit3A_118 : i32 to vector<16xi32>
    %broadcast_in_dim3A_121 = vector.broadcast %jit3A_119 : i32 to vector<16xi32>
    %select_n3A_122 = arith.select %ge3A_117, %broadcast_in_dim3A_120, %broadcast_in_dim3A_121 : vector<16xi1>, vector<16xi32>
    %sub3A_123 = arith.subi %get3A_114, %select_n3A_122 : vector<16xi32>
    %ge3A_124 = arith.constant 253952 : i32
    %ge3A_125 = vector.broadcast %ge3A_124 : i32 to vector<16xi32>
    %ge3A_126 = arith.cmpi sge, %sub3A_123, %ge3A_125 : vector<16xi32>
    %jit3A_127 = arith.constant 253952 : i32
    %jit3A_128 = arith.constant 0 : i32
    %broadcast_in_dim3A_129 = vector.broadcast %jit3A_127 : i32 to vector<16xi32>
    %broadcast_in_dim3A_130 = vector.broadcast %jit3A_128 : i32 to vector<16xi32>
    %select_n3A_131 = arith.select %ge3A_126, %broadcast_in_dim3A_129, %broadcast_in_dim3A_130 : vector<16xi1>, vector<16xi32>
    %sub3A_132 = arith.subi %sub3A_123, %select_n3A_131 : vector<16xi32>
    %ge3A_133 = arith.constant 253952 : i32
    %ge3A_134 = vector.broadcast %ge3A_133 : i32 to vector<16xi32>
    %ge3A_135 = arith.cmpi sge, %sub3A_132, %ge3A_134 : vector<16xi32>
    %jit3A_136 = arith.constant 253952 : i32
    %jit3A_137 = arith.constant 0 : i32
    %broadcast_in_dim3A_138 = vector.broadcast %jit3A_136 : i32 to vector<16xi32>
    %broadcast_in_dim3A_139 = vector.broadcast %jit3A_137 : i32 to vector<16xi32>
    %select_n3A_140 = arith.select %ge3A_135, %broadcast_in_dim3A_138, %broadcast_in_dim3A_139 : vector<16xi1>, vector<16xi32>
    %sub3A_141 = arith.subi %sub3A_132, %select_n3A_140 : vector<16xi32>
    %swap3A_142 = arith.constant 0 : i32
    %swap3A_143 = arith.index_cast %swap3A_142 : i32 to index
    %swap3A_144 = arith.constant 48 : index
    %swap3A_145 = tpu.vector_load %arg6[%swap3A_143, %swap3A_144] {strides = array<i32>} : memref<4x128xi32, #tpu.memory_space<vmem>>, vector<1x16xi32>,
    %swap3A_146 = vector.shape_cast %swap3A_145 : vector<1x16xi32> to vector<16xi32>
    %swap3A_147 = vector.shape_cast %sub3A_141 : vector<16xi32> to vector<1x16xi32>
    tpu.vector_store %arg6[%swap3A_143, %swap3A_144], %swap3A_147 {strides = array<i32>} : memref<4x128xi32, #tpu.memory_space<vmem>>, vector<1x16xi32>,
    %get3A_148 = arith.constant 0 : i32
    %get3A_149 = arith.index_cast %get3A_148 : i32 to index
    %get3A_150 = arith.constant 64 : index
    %get3A_151 = tpu.vector_load %arg5[%get3A_149, %get3A_150] {strides = array<i32>} : memref<4x128xi32, #tpu.memory_space<vmem>>, vector<1x16xi32>,
    %get3A_152 = vector.shape_cast %get3A_151 : vector<1x16xi32> to vector<16xi32>
    %ge3A_153 = arith.constant 253952 : i32
    %ge3A_154 = vector.broadcast %ge3A_153 : i32 to vector<16xi32>
    %ge3A_155 = arith.cmpi sge, %get3A_152, %ge3A_154 : vector<16xi32>
    %jit3A_156 = arith.constant 253952 : i32
    %jit3A_157 = arith.constant 0 : i32
    %broadcast_in_dim3A_158 = vector.broadcast %jit3A_156 : i32 to vector<16xi32>
    %broadcast_in_dim3A_159 = vector.broadcast %jit3A_157 : i32 to vector<16xi32>
    %select_n3A_160 = arith.select %ge3A_155, %broadcast_in_dim3A_158, %broadcast_in_dim3A_159 : vector<16xi1>, vector<16xi32>
    %sub3A_161 = arith.subi %get3A_152, %select_n3A_160 : vector<16xi32>
    %ge3A_162 = arith.constant 253952 : i32
    %ge3A_163 = vector.broadcast %ge3A_162 : i32 to vector<16xi32>
    %ge3A_164 = arith.cmpi sge, %sub3A_161, %ge3A_163 : vector<16xi32>
    %jit3A_165 = arith.constant 253952 : i32
    %jit3A_166 = arith.constant 0 : i32
    %broadcast_in_dim3A_167 = vector.broadcast %jit3A_165 : i32 to vector<16xi32>
    %broadcast_in_dim3A_168 = vector.broadcast %jit3A_166 : i32 to vector<16xi32>
    %select_n3A_169 = arith.select %ge3A_164, %broadcast_in_dim3A_167, %broadcast_in_dim3A_168 : vector<16xi1>, vector<16xi32>
    %sub3A_170 = arith.subi %sub3A_161, %select_n3A_169 : vector<16xi32>
    %ge3A_171 = arith.constant 253952 : i32
    %ge3A_172 = vector.broadcast %ge3A_171 : i32 to vector<16xi32>
    %ge3A_173 = arith.cmpi sge, %sub3A_170, %ge3A_172 : vector<16xi32>
    %jit3A_174 = arith.constant 253952 : i32
    %jit3A_175 = arith.constant 0 : i32
    %broadcast_in_dim3A_176 = vector.broadcast %jit3A_174 : i32 to vector<16xi32>
    %broadcast_in_dim3A_177 = vector.broadcast %jit3A_175 : i32 to vector<16xi32>
    %select_n3A_178 = arith.select %ge3A_173, %broadcast_in_dim3A_176, %broadcast_in_dim3A_177 : vector<16xi1>, vector<16xi32>
    %sub3A_179 = arith.subi %sub3A_170, %select_n3A_178 : vector<16xi32>
    %swap3A_180 = arith.constant 0 : i32
    %swap3A_181 = arith.index_cast %swap3A_180 : i32 to index
    %swap3A_182 = arith.constant 64 : index
    %swap3A_183 = tpu.vector_load %arg6[%swap3A_181, %swap3A_182] {strides = array<i32>} : memref<4x128xi32, #tpu.memory_space<vmem>>, vector<1x16xi32>,
    %swap3A_184 = vector.shape_cast %swap3A_183 : vector<1x16xi32> to vector<16xi32>
    %swap3A_185 = vector.shape_cast %sub3A_179 : vector<16xi32> to vector<1x16xi32>
    tpu.vector_store %arg6[%swap3A_181, %swap3A_182], %swap3A_185 {strides = array<i32>} : memref<4x128xi32, #tpu.memory_space<vmem>>, vector<1x16xi32>,
    %get3A_186 = arith.constant 0 : i32
    %get3A_187 = arith.index_cast %get3A_186 : i32 to index
    %get3A_188 = arith.constant 80 : index
    %get3A_189 = tpu.vector_load %arg5[%get3A_187, %get3A_188] {strides = array<i32>} : memref<4x128xi32, #tpu.memory_space<vmem>>, vector<1x16xi32>,
    %get3A_190 = vector.shape_cast %get3A_189 : vector<1x16xi32> to vector<16xi32>
    %ge3A_191 = arith.constant 253952 : i32
    %ge3A_192 = vector.broadcast %ge3A_191 : i32 to vector<16xi32>
    %ge3A_193 = arith.cmpi sge, %get3A_190, %ge3A_192 : vector<16xi32>
    %jit3A_194 = arith.constant 253952 : i32
    %jit3A_195 = arith.constant 0 : i32
    %broadcast_in_dim3A_196 = vector.broadcast %jit3A_194 : i32 to vector<16xi32>
    %broadcast_in_dim3A_197 = vector.broadcast %jit3A_195 : i32 to vector<16xi32>
    %select_n3A_198 = arith.select %ge3A_193, %broadcast_in_dim3A_196, %broadcast_in_dim3A_197 : vector<16xi1>, vector<16xi32>
    %sub3A_199 = arith.subi %get3A_190, %select_n3A_198 : vector<16xi32>
    %ge3A_200 = arith.constant 253952 : i32
    %ge3A_201 = vector.broadcast %ge3A_200 : i32 to vector<16xi32>
    %ge3A_202 = arith.cmpi sge, %sub3A_199, %ge3A_201 : vector<16xi32>
    %jit3A_203 = arith.constant 253952 : i32
    %jit3A_204 = arith.constant 0 : i32
    %broadcast_in_dim3A_205 = vector.broadcast %jit3A_203 : i32 to vector<16xi32>
    %broadcast_in_dim3A_206 = vector.broadcast %jit3A_204 : i32 to vector<16xi32>
    %select_n3A_207 = arith.select %ge3A_202, %broadcast_in_dim3A_205, %broadcast_in_dim3A_206 : vector<16xi1>, vector<16xi32>
    %sub3A_208 = arith.subi %sub3A_199, %select_n3A_207 : vector<16xi32>
    %ge3A_209 = arith.constant 253952 : i32
    %ge3A_210 = vector.broadcast %ge3A_209 : i32 to vector<16xi32>
    %ge3A_211 = arith.cmpi sge, %sub3A_208, %ge3A_210 : vector<16xi32>
    %jit3A_212 = arith.constant 253952 : i32
    %jit3A_213 = arith.constant 0 : i32
    %broadcast_in_dim3A_214 = vector.broadcast %jit3A_212 : i32 to vector<16xi32>
    %broadcast_in_dim3A_215 = vector.broadcast %jit3A_213 : i32 to vector<16xi32>
    %select_n3A_216 = arith.select %ge3A_211, %broadcast_in_dim3A_214, %broadcast_in_dim3A_215 : vector<16xi1>, vector<16xi32>
    %sub3A_217 = arith.subi %sub3A_208, %select_n3A_216 : vector<16xi32>
    %swap3A_218 = arith.constant 0 : i32
    %swap3A_219 = arith.index_cast %swap3A_218 : i32 to index
    %swap3A_220 = arith.constant 80 : index
    %swap3A_221 = tpu.vector_load %arg6[%swap3A_219, %swap3A_220] {strides = array<i32>} : memref<4x128xi32, #tpu.memory_space<vmem>>, vector<1x16xi32>,
    %swap3A_222 = vector.shape_cast %swap3A_221 : vector<1x16xi32> to vector<16xi32>
    %swap3A_223 = vector.shape_cast %sub3A_217 : vector<16xi32> to vector<1x16xi32>
    tpu.vector_store %arg6[%swap3A_219, %swap3A_220], %swap3A_223 {strides = array<i32>} : memref<4x128xi32, #tpu.memory_space<vmem>>, vector<1x16xi32>,
    %get3A_224 = arith.constant 0 : i32
    %get3A_225 = arith.index_cast %get3A_224 : i32 to index
    %get3A_226 = arith.constant 96 : index
    %get3A_227 = tpu.vector_load %arg5[%get3A_225, %get3A_226] {strides = array<i32>} : memref<4x128xi32, #tpu.memory_space<vmem>>, vector<1x16xi32>,
    %get3A_228 = vector.shape_cast %get3A_227 : vector<1x16xi32> to vector<16xi32>
    %ge3A_229 = arith.constant 253952 : i32
    %ge3A_230 = vector.broadcast %ge3A_229 : i32 to vector<16xi32>
    %ge3A_231 = arith.cmpi sge, %get3A_228, %ge3A_230 : vector<16xi32>
    %jit3A_232 = arith.constant 253952 : i32
    %jit3A_233 = arith.constant 0 : i32
    %broadcast_in_dim3A_234 = vector.broadcast %jit3A_232 : i32 to vector<16xi32>
    %broadcast_in_dim3A_235 = vector.broadcast %jit3A_233 : i32 to vector<16xi32>
    %select_n3A_236 = arith.select %ge3A_231, %broadcast_in_dim3A_234, %broadcast_in_dim3A_235 : vector<16xi1>, vector<16xi32>
    %sub3A_237 = arith.subi %get3A_228, %select_n3A_236 : vector<16xi32>
    %ge3A_238 = arith.constant 253952 : i32
    %ge3A_239 = vector.broadcast %ge3A_238 : i32 to vector<16xi32>
    %ge3A_240 = arith.cmpi sge, %sub3A_237, %ge3A_239 : vector<16xi32>
    %jit3A_241 = arith.constant 253952 : i32
    %jit3A_242 = arith.constant 0 : i32
    %broadcast_in_dim3A_243 = vector.broadcast %jit3A_241 : i32 to vector<16xi32>
    %broadcast_in_dim3A_244 = vector.broadcast %jit3A_242 : i32 to vector<16xi32>
    %select_n3A_245 = arith.select %ge3A_240, %broadcast_in_dim3A_243, %broadcast_in_dim3A_244 : vector<16xi1>, vector<16xi32>
    %sub3A_246 = arith.subi %sub3A_237, %select_n3A_245 : vector<16xi32>
    %ge3A_247 = arith.constant 253952 : i32
    %ge3A_248 = vector.broadcast %ge3A_247 : i32 to vector<16xi32>
    %ge3A_249 = arith.cmpi sge, %sub3A_246, %ge3A_248 : vector<16xi32>
    %jit3A_250 = arith.constant 253952 : i32
    %jit3A_251 = arith.constant 0 : i32
    %broadcast_in_dim3A_252 = vector.broadcast %jit3A_250 : i32 to vector<16xi32>
    %broadcast_in_dim3A_253 = vector.broadcast %jit3A_251 : i32 to vector<16xi32>
    %select_n3A_254 = arith.select %ge3A_249, %broadcast_in_dim3A_252, %broadcast_in_dim3A_253 : vector<16xi1>, vector<16xi32>
    %sub3A_255 = arith.subi %sub3A_246, %select_n3A_254 : vector<16xi32>
    %swap3A_256 = arith.constant 0 : i32
    %swap3A_257 = arith.index_cast %swap3A_256 : i32 to index
    %swap3A_258 = arith.constant 96 : index
    %swap3A_259 = tpu.vector_load %arg6[%swap3A_257, %swap3A_258] {strides = array<i32>} : memref<4x128xi32, #tpu.memory_space<vmem>>, vector<1x16xi32>,
    %swap3A_260 = vector.shape_cast %swap3A_259 : vector<1x16xi32> to vector<16xi32>
    %swap3A_261 = vector.shape_cast %sub3A_255 : vector<16xi32> to vector<1x16xi32>
    tpu.vector_store %arg6[%swap3A_257, %swap3A_258], %swap3A_261 {strides = array<i32>} : memref<4x128xi32, #tpu.memory_space<vmem>>, vector<1x16xi32>,
    %get3A_262 = arith.constant 0 : i32
    %get3A_263 = arith.index_cast %get3A_262 : i32 to index
    %get3A_264 = arith.constant 112 : index
    %get3A_265 = tpu.vector_load %arg5[%get3A_263, %get3A_264] {strides = array<i32>} : memref<4x128xi32, #tpu.memory_space<vmem>>, vector<1x16xi32>,
    %get3A_266 = vector.shape_cast %get3A_265 : vector<1x16xi32> to vector<16xi32>
    %ge3A_267 = arith.constant 253952 : i32
    %ge3A_268 = vector.broadcast %ge3A_267 : i32 to vector<16xi32>
    %ge3A_269 = arith.cmpi sge, %get3A_266, %ge3A_268 : vector<16xi32>
    %jit3A_270 = arith.constant 253952 : i32
    %jit3A_271 = arith.constant 0 : i32
    %broadcast_in_dim3A_272 = vector.broadcast %jit3A_270 : i32 to vector<16xi32>
    %broadcast_in_dim3A_273 = vector.broadcast %jit3A_271 : i32 to vector<16xi32>
    %select_n3A_274 = arith.select %ge3A_269, %broadcast_in_dim3A_272, %broadcast_in_dim3A_273 : vector<16xi1>, vector<16xi32>
    %sub3A_275 = arith.subi %get3A_266, %select_n3A_274 : vector<16xi32>
    %ge3A_276 = arith.constant 253952 : i32
    %ge3A_277 = vector.broadcast %ge3A_276 : i32 to vector<16xi32>
    %ge3A_278 = arith.cmpi sge, %sub3A_275, %ge3A_277 : vector<16xi32>
    %jit3A_279 = arith.constant 253952 : i32
    %jit3A_280 = arith.constant 0 : i32
    %broadcast_in_dim3A_281 = vector.broadcast %jit3A_279 : i32 to vector<16xi32>
    %broadcast_in_dim3A_282 = vector.broadcast %jit3A_280 : i32 to vector<16xi32>
    %select_n3A_283 = arith.select %ge3A_278, %broadcast_in_dim3A_281, %broadcast_in_dim3A_282 : vector<16xi1>, vector<16xi32>
    %sub3A_284 = arith.subi %sub3A_275, %select_n3A_283 : vector<16xi32>
    %ge3A_285 = arith.constant 253952 : i32
    %ge3A_286 = vector.broadcast %ge3A_285 : i32 to vector<16xi32>
    %ge3A_287 = arith.cmpi sge, %sub3A_284, %ge3A_286 : vector<16xi32>
    %jit3A_288 = arith.constant 253952 : i32
    %jit3A_289 = arith.constant 0 : i32
    %broadcast_in_dim3A_290 = vector.broadcast %jit3A_288 : i32 to vector<16xi32>
    %broadcast_in_dim3A_291 = vector.broadcast %jit3A_289 : i32 to vector<16xi32>
    %select_n3A_292 = arith.select %ge3A_287, %broadcast_in_dim3A_290, %broadcast_in_dim3A_291 : vector<16xi1>, vector<16xi32>
    %sub3A_293 = arith.subi %sub3A_284, %select_n3A_292 : vector<16xi32>
    %swap3A_294 = arith.constant 0 : i32
    %swap3A_295 = arith.index_cast %swap3A_294 : i32 to index
    %swap3A_296 = arith.constant 112 : index
    %swap3A_297 = tpu.vector_load %arg6[%swap3A_295, %swap3A_296] {strides = array<i32>} : memref<4x128xi32, #tpu.memory_space<vmem>>, vector<1x16xi32>,
    %swap3A_298 = vector.shape_cast %swap3A_297 : vector<1x16xi32> to vector<16xi32>
    %swap3A_299 = vector.shape_cast %sub3A_293 : vector<16xi32> to vector<1x16xi32>
    tpu.vector_store %arg6[%swap3A_295, %swap3A_296], %swap3A_299 {strides = array<i32>} : memref<4x128xi32, #tpu.memory_space<vmem>>, vector<1x16xi32>,
    %get3A_300 = arith.constant 1 : i32
    %get3A_301 = arith.index_cast %get3A_300 : i32 to index
    %get3A_302 = arith.constant 0 : index
    %get3A_303 = tpu.vector_load %arg5[%get3A_301, %get3A_302] {strides = array<i32>} : memref<4x128xi32, #tpu.memory_space<vmem>>, vector<1x16xi32>,
    %get3A_304 = vector.shape_cast %get3A_303 : vector<1x16xi32> to vector<16xi32>
    %ge3A_305 = arith.constant 253952 : i32
    %ge3A_306 = vector.broadcast %ge3A_305 : i32 to vector<16xi32>
    %ge3A_307 = arith.cmpi sge, %get3A_304, %ge3A_306 : vector<16xi32>
    %jit3A_308 = arith.constant 253952 : i32
    %jit3A_309 = arith.constant 0 : i32
    %broadcast_in_dim3A_310 = vector.broadcast %jit3A_308 : i32 to vector<16xi32>
    %broadcast_in_dim3A_311 = vector.broadcast %jit3A_309 : i32 to vector<16xi32>
    %select_n3A_312 = arith.select %ge3A_307, %broadcast_in_dim3A_310, %broadcast_in_dim3A_311 : vector<16xi1>, vector<16xi32>
    %sub3A_313 = arith.subi %get3A_304, %select_n3A_312 : vector<16xi32>
    %ge3A_314 = arith.constant 253952 : i32
    %ge3A_315 = vector.broadcast %ge3A_314 : i32 to vector<16xi32>
    %ge3A_316 = arith.cmpi sge, %sub3A_313, %ge3A_315 : vector<16xi32>
    %jit3A_317 = arith.constant 253952 : i32
    %jit3A_318 = arith.constant 0 : i32
    %broadcast_in_dim3A_319 = vector.broadcast %jit3A_317 : i32 to vector<16xi32>
    %broadcast_in_dim3A_320 = vector.broadcast %jit3A_318 : i32 to vector<16xi32>
    %select_n3A_321 = arith.select %ge3A_316, %broadcast_in_dim3A_319, %broadcast_in_dim3A_320 : vector<16xi1>, vector<16xi32>
    %sub3A_322 = arith.subi %sub3A_313, %select_n3A_321 : vector<16xi32>
    %ge3A_323 = arith.constant 253952 : i32
    %ge3A_324 = vector.broadcast %ge3A_323 : i32 to vector<16xi32>
    %ge3A_325 = arith.cmpi sge, %sub3A_322, %ge3A_324 : vector<16xi32>
    %jit3A_326 = arith.constant 253952 : i32
    %jit3A_327 = arith.constant 0 : i32
    %broadcast_in_dim3A_328 = vector.broadcast %jit3A_326 : i32 to vector<16xi32>
    %broadcast_in_dim3A_329 = vector.broadcast %jit3A_327 : i32 to vector<16xi32>
    %select_n3A_330 = arith.select %ge3A_325, %broadcast_in_dim3A_328, %broadcast_in_dim3A_329 : vector<16xi1>, vector<16xi32>
    %sub3A_331 = arith.subi %sub3A_322, %select_n3A_330 : vector<16xi32>
    %swap3A_332 = arith.constant 1 : i32
    %swap3A_333 = arith.index_cast %swap3A_332 : i32 to index
    %swap3A_334 = arith.constant 0 : index
    %swap3A_335 = tpu.vector_load %arg6[%swap3A_333, %swap3A_334] {strides = array<i32>} : memref<4x128xi32, #tpu.memory_space<vmem>>, vector<1x16xi32>,
    %swap3A_336 = vector.shape_cast %swap3A_335 : vector<1x16xi32> to vector<16xi32>
    %swap3A_337 = vector.shape_cast %sub3A_331 : vector<16xi32> to vector<1x16xi32>
    tpu.vector_store %arg6[%swap3A_333, %swap3A_334], %swap3A_337 {strides = array<i32>} : memref<4x128xi32, #tpu.memory_space<vmem>>, vector<1x16xi32>,
    %get3A_338 = arith.constant 1 : i32
    %get3A_339 = arith.index_cast %get3A_338 : i32 to index
    %get3A_340 = arith.constant 16 : index
    %get3A_341 = tpu.vector_load %arg5[%get3A_339, %get3A_340] {strides = array<i32>} : memref<4x128xi32, #tpu.memory_space<vmem>>, vector<1x16xi32>,
    %get3A_342 = vector.shape_cast %get3A_341 : vector<1x16xi32> to vector<16xi32>
    %ge3A_343 = arith.constant 253952 : i32
    %ge3A_344 = vector.broadcast %ge3A_343 : i32 to vector<16xi32>
    %ge3A_345 = arith.cmpi sge, %get3A_342, %ge3A_344 : vector<16xi32>
    %jit3A_346 = arith.constant 253952 : i32
    %jit3A_347 = arith.constant 0 : i32
    %broadcast_in_dim3A_348 = vector.broadcast %jit3A_346 : i32 to vector<16xi32>
    %broadcast_in_dim3A_349 = vector.broadcast %jit3A_347 : i32 to vector<16xi32>
    %select_n3A_350 = arith.select %ge3A_345, %broadcast_in_dim3A_348, %broadcast_in_dim3A_349 : vector<16xi1>, vector<16xi32>
    %sub3A_351 = arith.subi %get3A_342, %select_n3A_350 : vector<16xi32>
    %ge3A_352 = arith.constant 253952 : i32
    %ge3A_353 = vector.broadcast %ge3A_352 : i32 to vector<16xi32>
    %ge3A_354 = arith.cmpi sge, %sub3A_351, %ge3A_353 : vector<16xi32>
    %jit3A_355 = arith.constant 253952 : i32
    %jit3A_356 = arith.constant 0 : i32
    %broadcast_in_dim3A_357 = vector.broadcast %jit3A_355 : i32 to vector<16xi32>
    %broadcast_in_dim3A_358 = vector.broadcast %jit3A_356 : i32 to vector<16xi32>
    %select_n3A_359 = arith.select %ge3A_354, %broadcast_in_dim3A_357, %broadcast_in_dim3A_358 : vector<16xi1>, vector<16xi32>
    %sub3A_360 = arith.subi %sub3A_351, %select_n3A_359 : vector<16xi32>
    %ge3A_361 = arith.constant 253952 : i32
    %ge3A_362 = vector.broadcast %ge3A_361 : i32 to vector<16xi32>
    %ge3A_363 = arith.cmpi sge, %sub3A_360, %ge3A_362 : vector<16xi32>
    %jit3A_364 = arith.constant 253952 : i32
    %jit3A_365 = arith.constant 0 : i32
    %broadcast_in_dim3A_366 = vector.broadcast %jit3A_364 : i32 to vector<16xi32>
    %broadcast_in_dim3A_367 = vector.broadcast %jit3A_365 : i32 to vector<16xi32>
    %select_n3A_368 = arith.select %ge3A_363, %broadcast_in_dim3A_366, %broadcast_in_dim3A_367 : vector<16xi1>, vector<16xi32>
    %sub3A_369 = arith.subi %sub3A_360, %select_n3A_368 : vector<16xi32>
    %swap3A_370 = arith.constant 1 : i32
    %swap3A_371 = arith.index_cast %swap3A_370 : i32 to index
    %swap3A_372 = arith.constant 16 : index
    %swap3A_373 = tpu.vector_load %arg6[%swap3A_371, %swap3A_372] {strides = array<i32>} : memref<4x128xi32, #tpu.memory_space<vmem>>, vector<1x16xi32>,
    %swap3A_374 = vector.shape_cast %swap3A_373 : vector<1x16xi32> to vector<16xi32>
    %swap3A_375 = vector.shape_cast %sub3A_369 : vector<16xi32> to vector<1x16xi32>
    tpu.vector_store %arg6[%swap3A_371, %swap3A_372], %swap3A_375 {strides = array<i32>} : memref<4x128xi32, #tpu.memory_space<vmem>>, vector<1x16xi32>,
    %get3A_376 = arith.constant 1 : i32
    %get3A_377 = arith.index_cast %get3A_376 : i32 to index
    %get3A_378 = arith.constant 32 : index
    %get3A_379 = tpu.vector_load %arg5[%get3A_377, %get3A_378] {strides = array<i32>} : memref<4x128xi32, #tpu.memory_space<vmem>>, vector<1x16xi32>,
    %get3A_380 = vector.shape_cast %get3A_379 : vector<1x16xi32> to vector<16xi32>
    %ge3A_381 = arith.constant 253952 : i32
    %ge3A_382 = vector.broadcast %ge3A_381 : i32 to vector<16xi32>
    %ge3A_383 = arith.cmpi sge, %get3A_380, %ge3A_382 : vector<16xi32>
    %jit3A_384 = arith.constant 253952 : i32
    %jit3A_385 = arith.constant 0 : i32
    %broadcast_in_dim3A_386 = vector.broadcast %jit3A_384 : i32 to vector<16xi32>
    %broadcast_in_dim3A_387 = vector.broadcast %jit3A_385 : i32 to vector<16xi32>
    %select_n3A_388 = arith.select %ge3A_383, %broadcast_in_dim3A_386, %broadcast_in_dim3A_387 : vector<16xi1>, vector<16xi32>
    %sub3A_389 = arith.subi %get3A_380, %select_n3A_388 : vector<16xi32>
    %ge3A_390 = arith.constant 253952 : i32
    %ge3A_391 = vector.broadcast %ge3A_390 : i32 to vector<16xi32>
    %ge3A_392 = arith.cmpi sge, %sub3A_389, %ge3A_391 : vector<16xi32>
    %jit3A_393 = arith.constant 253952 : i32
    %jit3A_394 = arith.constant 0 : i32
    %broadcast_in_dim3A_395 = vector.broadcast %jit3A_393 : i32 to vector<16xi32>
    %broadcast_in_dim3A_396 = vector.broadcast %jit3A_394 : i32 to vector<16xi32>
    %select_n3A_397 = arith.select %ge3A_392, %broadcast_in_dim3A_395, %broadcast_in_dim3A_396 : vector<16xi1>, vector<16xi32>
    %sub3A_398 = arith.subi %sub3A_389, %select_n3A_397 : vector<16xi32>
    %ge3A_399 = arith.constant 253952 : i32
    %ge3A_400 = vector.broadcast %ge3A_399 : i32 to vector<16xi32>
    %ge3A_401 = arith.cmpi sge, %sub3A_398, %ge3A_400 : vector<16xi32>
    %jit3A_402 = arith.constant 253952 : i32
    %jit3A_403 = arith.constant 0 : i32
    %broadcast_in_dim3A_404 = vector.broadcast %jit3A_402 : i32 to vector<16xi32>
    %broadcast_in_dim3A_405 = vector.broadcast %jit3A_403 : i32 to vector<16xi32>
    %select_n3A_406 = arith.select %ge3A_401, %broadcast_in_dim3A_404, %broadcast_in_dim3A_405 : vector<16xi1>, vector<16xi32>
    %sub3A_407 = arith.subi %sub3A_398, %select_n3A_406 : vector<16xi32>
    %swap3A_408 = arith.constant 1 : i32
    %swap3A_409 = arith.index_cast %swap3A_408 : i32 to index
    %swap3A_410 = arith.constant 32 : index
    %swap3A_411 = tpu.vector_load %arg6[%swap3A_409, %swap3A_410] {strides = array<i32>} : memref<4x128xi32, #tpu.memory_space<vmem>>, vector<1x16xi32>,
    %swap3A_412 = vector.shape_cast %swap3A_411 : vector<1x16xi32> to vector<16xi32>
    %swap3A_413 = vector.shape_cast %sub3A_407 : vector<16xi32> to vector<1x16xi32>
    tpu.vector_store %arg6[%swap3A_409, %swap3A_410], %swap3A_413 {strides = array<i32>} : memref<4x128xi32, #tpu.memory_space<vmem>>, vector<1x16xi32>,
    %get3A_414 = arith.constant 1 : i32
    %get3A_415 = arith.index_cast %get3A_414 : i32 to index
    %get3A_416 = arith.constant 48 : index
    %get3A_417 = tpu.vector_load %arg5[%get3A_415, %get3A_416] {strides = array<i32>} : memref<4x128xi32, #tpu.memory_space<vmem>>, vector<1x16xi32>,
    %get3A_418 = vector.shape_cast %get3A_417 : vector<1x16xi32> to vector<16xi32>
    %ge3A_419 = arith.constant 253952 : i32
    %ge3A_420 = vector.broadcast %ge3A_419 : i32 to vector<16xi32>
    %ge3A_421 = arith.cmpi sge, %get3A_418, %ge3A_420 : vector<16xi32>
    %jit3A_422 = arith.constant 253952 : i32
    %jit3A_423 = arith.constant 0 : i32
    %broadcast_in_dim3A_424 = vector.broadcast %jit3A_422 : i32 to vector<16xi32>
    %broadcast_in_dim3A_425 = vector.broadcast %jit3A_423 : i32 to vector<16xi32>
    %select_n3A_426 = arith.select %ge3A_421, %broadcast_in_dim3A_424, %broadcast_in_dim3A_425 : vector<16xi1>, vector<16xi32>
    %sub3A_427 = arith.subi %get3A_418, %select_n3A_426 : vector<16xi32>
    %ge3A_428 = arith.constant 253952 : i32
    %ge3A_429 = vector.broadcast %ge3A_428 : i32 to vector<16xi32>
    %ge3A_430 = arith.cmpi sge, %sub3A_427, %ge3A_429 : vector<16xi32>
    %jit3A_431 = arith.constant 253952 : i32
    %jit3A_432 = arith.constant 0 : i32
    %broadcast_in_dim3A_433 = vector.broadcast %jit3A_431 : i32 to vector<16xi32>
    %broadcast_in_dim3A_434 = vector.broadcast %jit3A_432 : i32 to vector<16xi32>
    %select_n3A_435 = arith.select %ge3A_430, %broadcast_in_dim3A_433, %broadcast_in_dim3A_434 : vector<16xi1>, vector<16xi32>
    %sub3A_436 = arith.subi %sub3A_427, %select_n3A_435 : vector<16xi32>
    %ge3A_437 = arith.constant 253952 : i32
    %ge3A_438 = vector.broadcast %ge3A_437 : i32 to vector<16xi32>
    %ge3A_439 = arith.cmpi sge, %sub3A_436, %ge3A_438 : vector<16xi32>
    %jit3A_440 = arith.constant 253952 : i32
    %jit3A_441 = arith.constant 0 : i32
    %broadcast_in_dim3A_442 = vector.broadcast %jit3A_440 : i32 to vector<16xi32>
    %broadcast_in_dim3A_443 = vector.broadcast %jit3A_441 : i32 to vector<16xi32>
    %select_n3A_444 = arith.select %ge3A_439, %broadcast_in_dim3A_442, %broadcast_in_dim3A_443 : vector<16xi1>, vector<16xi32>
    %sub3A_445 = arith.subi %sub3A_436, %select_n3A_444 : vector<16xi32>
    %swap3A_446 = arith.constant 1 : i32
    %swap3A_447 = arith.index_cast %swap3A_446 : i32 to index
    %swap3A_448 = arith.constant 48 : index
    %swap3A_449 = tpu.vector_load %arg6[%swap3A_447, %swap3A_448] {strides = array<i32>} : memref<4x128xi32, #tpu.memory_space<vmem>>, vector<1x16xi32>,
    %swap3A_450 = vector.shape_cast %swap3A_449 : vector<1x16xi32> to vector<16xi32>
    %swap3A_451 = vector.shape_cast %sub3A_445 : vector<16xi32> to vector<1x16xi32>
    tpu.vector_store %arg6[%swap3A_447, %swap3A_448], %swap3A_451 {strides = array<i32>} : memref<4x128xi32, #tpu.memory_space<vmem>>, vector<1x16xi32>,
    %get3A_452 = arith.constant 1 : i32
    %get3A_453 = arith.index_cast %get3A_452 : i32 to index
    %get3A_454 = arith.constant 64 : index
    %get3A_455 = tpu.vector_load %arg5[%get3A_453, %get3A_454] {strides = array<i32>} : memref<4x128xi32, #tpu.memory_space<vmem>>, vector<1x16xi32>,
    %get3A_456 = vector.shape_cast %get3A_455 : vector<1x16xi32> to vector<16xi32>
    %ge3A_457 = arith.constant 253952 : i32
    %ge3A_458 = vector.broadcast %ge3A_457 : i32 to vector<16xi32>
    %ge3A_459 = arith.cmpi sge, %get3A_456, %ge3A_458 : vector<16xi32>
    %jit3A_460 = arith.constant 253952 : i32
    %jit3A_461 = arith.constant 0 : i32
    %broadcast_in_dim3A_462 = vector.broadcast %jit3A_460 : i32 to vector<16xi32>
    %broadcast_in_dim3A_463 = vector.broadcast %jit3A_461 : i32 to vector<16xi32>
    %select_n3A_464 = arith.select %ge3A_459, %broadcast_in_dim3A_462, %broadcast_in_dim3A_463 : vector<16xi1>, vector<16xi32>
    %sub3A_465 = arith.subi %get3A_456, %select_n3A_464 : vector<16xi32>
    %ge3A_466 = arith.constant 253952 : i32
    %ge3A_467 = vector.broadcast %ge3A_466 : i32 to vector<16xi32>
    %ge3A_468 = arith.cmpi sge, %sub3A_465, %ge3A_467 : vector<16xi32>
    %jit3A_469 = arith.constant 253952 : i32
    %jit3A_470 = arith.constant 0 : i32
    %broadcast_in_dim3A_471 = vector.broadcast %jit3A_469 : i32 to vector<16xi32>
    %broadcast_in_dim3A_472 = vector.broadcast %jit3A_470 : i32 to vector<16xi32>
    %select_n3A_473 = arith.select %ge3A_468, %broadcast_in_dim3A_471, %broadcast_in_dim3A_472 : vector<16xi1>, vector<16xi32>
    %sub3A_474 = arith.subi %sub3A_465, %select_n3A_473 : vector<16xi32>
    %ge3A_475 = arith.constant 253952 : i32
    %ge3A_476 = vector.broadcast %ge3A_475 : i32 to vector<16xi32>
    %ge3A_477 = arith.cmpi sge, %sub3A_474, %ge3A_476 : vector<16xi32>
    %jit3A_478 = arith.constant 253952 : i32
    %jit3A_479 = arith.constant 0 : i32
    %broadcast_in_dim3A_480 = vector.broadcast %jit3A_478 : i32 to vector<16xi32>
    %broadcast_in_dim3A_481 = vector.broadcast %jit3A_479 : i32 to vector<16xi32>
    %select_n3A_482 = arith.select %ge3A_477, %broadcast_in_dim3A_480, %broadcast_in_dim3A_481 : vector<16xi1>, vector<16xi32>
    %sub3A_483 = arith.subi %sub3A_474, %select_n3A_482 : vector<16xi32>
    %swap3A_484 = arith.constant 1 : i32
    %swap3A_485 = arith.index_cast %swap3A_484 : i32 to index
    %swap3A_486 = arith.constant 64 : index
    %swap3A_487 = tpu.vector_load %arg6[%swap3A_485, %swap3A_486] {strides = array<i32>} : memref<4x128xi32, #tpu.memory_space<vmem>>, vector<1x16xi32>,
    %swap3A_488 = vector.shape_cast %swap3A_487 : vector<1x16xi32> to vector<16xi32>
    %swap3A_489 = vector.shape_cast %sub3A_483 : vector<16xi32> to vector<1x16xi32>
    tpu.vector_store %arg6[%swap3A_485, %swap3A_486], %swap3A_489 {strides = array<i32>} : memref<4x128xi32, #tpu.memory_space<vmem>>, vector<1x16xi32>,
    %get3A_490 = arith.constant 1 : i32
    %get3A_491 = arith.index_cast %get3A_490 : i32 to index
    %get3A_492 = arith.constant 80 : index
    %get3A_493 = tpu.vector_load %arg5[%get3A_491, %get3A_492] {strides = array<i32>} : memref<4x128xi32, #tpu.memory_space<vmem>>, vector<1x16xi32>,
    %get3A_494 = vector.shape_cast %get3A_493 : vector<1x16xi32> to vector<16xi32>
    %ge3A_495 = arith.constant 253952 : i32
    %ge3A_496 = vector.broadcast %ge3A_495 : i32 to vector<16xi32>
    %ge3A_497 = arith.cmpi sge, %get3A_494, %ge3A_496 : vector<16xi32>
    %jit3A_498 = arith.constant 253952 : i32
    %jit3A_499 = arith.constant 0 : i32
    %broadcast_in_dim3A_500 = vector.broadcast %jit3A_498 : i32 to vector<16xi32>
    %broadcast_in_dim3A_501 = vector.broadcast %jit3A_499 : i32 to vector<16xi32>
    %select_n3A_502 = arith.select %ge3A_497, %broadcast_in_dim3A_500, %broadcast_in_dim3A_501 : vector<16xi1>, vector<16xi32>
    %sub3A_503 = arith.subi %get3A_494, %select_n3A_502 : vector<16xi32>
    %ge3A_504 = arith.constant 253952 : i32
    %ge3A_505 = vector.broadcast %ge3A_504 : i32 to vector<16xi32>
    %ge3A_506 = arith.cmpi sge, %sub3A_503, %ge3A_505 : vector<16xi32>
    %jit3A_507 = arith.constant 253952 : i32
    %jit3A_508 = arith.constant 0 : i32
    %broadcast_in_dim3A_509 = vector.broadcast %jit3A_507 : i32 to vector<16xi32>
    %broadcast_in_dim3A_510 = vector.broadcast %jit3A_508 : i32 to vector<16xi32>
    %select_n3A_511 = arith.select %ge3A_506, %broadcast_in_dim3A_509, %broadcast_in_dim3A_510 : vector<16xi1>, vector<16xi32>
    %sub3A_512 = arith.subi %sub3A_503, %select_n3A_511 : vector<16xi32>
    %ge3A_513 = arith.constant 253952 : i32
    %ge3A_514 = vector.broadcast %ge3A_513 : i32 to vector<16xi32>
    %ge3A_515 = arith.cmpi sge, %sub3A_512, %ge3A_514 : vector<16xi32>
    %jit3A_516 = arith.constant 253952 : i32
    %jit3A_517 = arith.constant 0 : i32
    %broadcast_in_dim3A_518 = vector.broadcast %jit3A_516 : i32 to vector<16xi32>
    %broadcast_in_dim3A_519 = vector.broadcast %jit3A_517 : i32 to vector<16xi32>
    %select_n3A_520 = arith.select %ge3A_515, %broadcast_in_dim3A_518, %broadcast_in_dim3A_519 : vector<16xi1>, vector<16xi32>
    %sub3A_521 = arith.subi %sub3A_512, %select_n3A_520 : vector<16xi32>
    %swap3A_522 = arith.constant 1 : i32
    %swap3A_523 = arith.index_cast %swap3A_522 : i32 to index
    %swap3A_524 = arith.constant 80 : index
    %swap3A_525 = tpu.vector_load %arg6[%swap3A_523, %swap3A_524] {strides = array<i32>} : memref<4x128xi32, #tpu.memory_space<vmem>>, vector<1x16xi32>,
    %swap3A_526 = vector.shape_cast %swap3A_525 : vector<1x16xi32> to vector<16xi32>
    %swap3A_527 = vector.shape_cast %sub3A_521 : vector<16xi32> to vector<1x16xi32>
    tpu.vector_store %arg6[%swap3A_523, %swap3A_524], %swap3A_527 {strides = array<i32>} : memref<4x128xi32, #tpu.memory_space<vmem>>, vector<1x16xi32>,
    %get3A_528 = arith.constant 1 : i32
    %get3A_529 = arith.index_cast %get3A_528 : i32 to index
    %get3A_530 = arith.constant 96 : index
    %get3A_531 = tpu.vector_load %arg5[%get3A_529, %get3A_530] {strides = array<i32>} : memref<4x128xi32, #tpu.memory_space<vmem>>, vector<1x16xi32>,
    %get3A_532 = vector.shape_cast %get3A_531 : vector<1x16xi32> to vector<16xi32>
    %ge3A_533 = arith.constant 253952 : i32
    %ge3A_534 = vector.broadcast %ge3A_533 : i32 to vector<16xi32>
    %ge3A_535 = arith.cmpi sge, %get3A_532, %ge3A_534 : vector<16xi32>
    %jit3A_536 = arith.constant 253952 : i32
    %jit3A_537 = arith.constant 0 : i32
    %broadcast_in_dim3A_538 = vector.broadcast %jit3A_536 : i32 to vector<16xi32>
    %broadcast_in_dim3A_539 = vector.broadcast %jit3A_537 : i32 to vector<16xi32>
    %select_n3A_540 = arith.select %ge3A_535, %broadcast_in_dim3A_538, %broadcast_in_dim3A_539 : vector<16xi1>, vector<16xi32>
    %sub3A_541 = arith.subi %get3A_532, %select_n3A_540 : vector<16xi32>
    %ge3A_542 = arith.constant 253952 : i32
    %ge3A_543 = vector.broadcast %ge3A_542 : i32 to vector<16xi32>
    %ge3A_544 = arith.cmpi sge, %sub3A_541, %ge3A_543 : vector<16xi32>
    %jit3A_545 = arith.constant 253952 : i32
    %jit3A_546 = arith.constant 0 : i32
    %broadcast_in_dim3A_547 = vector.broadcast %jit3A_545 : i32 to vector<16xi32>
    %broadcast_in_dim3A_548 = vector.broadcast %jit3A_546 : i32 to vector<16xi32>
    %select_n3A_549 = arith.select %ge3A_544, %broadcast_in_dim3A_547, %broadcast_in_dim3A_548 : vector<16xi1>, vector<16xi32>
    %sub3A_550 = arith.subi %sub3A_541, %select_n3A_549 : vector<16xi32>
    %ge3A_551 = arith.constant 253952 : i32
    %ge3A_552 = vector.broadcast %ge3A_551 : i32 to vector<16xi32>
    %ge3A_553 = arith.cmpi sge, %sub3A_550, %ge3A_552 : vector<16xi32>
    %jit3A_554 = arith.constant 253952 : i32
    %jit3A_555 = arith.constant 0 : i32
    %broadcast_in_dim3A_556 = vector.broadcast %jit3A_554 : i32 to vector<16xi32>
    %broadcast_in_dim3A_557 = vector.broadcast %jit3A_555 : i32 to vector<16xi32>
    %select_n3A_558 = arith.select %ge3A_553, %broadcast_in_dim3A_556, %broadcast_in_dim3A_557 : vector<16xi1>, vector<16xi32>
    %sub3A_559 = arith.subi %sub3A_550, %select_n3A_558 : vector<16xi32>
    %swap3A_560 = arith.constant 1 : i32
    %swap3A_561 = arith.index_cast %swap3A_560 : i32 to index
    %swap3A_562 = arith.constant 96 : index
    %swap3A_563 = tpu.vector_load %arg6[%swap3A_561, %swap3A_562] {strides = array<i32>} : memref<4x128xi32, #tpu.memory_space<vmem>>, vector<1x16xi32>,
    %swap3A_564 = vector.shape_cast %swap3A_563 : vector<1x16xi32> to vector<16xi32>
    %swap3A_565 = vector.shape_cast %sub3A_559 : vector<16xi32> to vector<1x16xi32>
    tpu.vector_store %arg6[%swap3A_561, %swap3A_562], %swap3A_565 {strides = array<i32>} : memref<4x128xi32, #tpu.memory_space<vmem>>, vector<1x16xi32>,
    %get3A_566 = arith.constant 1 : i32
    %get3A_567 = arith.index_cast %get3A_566 : i32 to index
    %get3A_568 = arith.constant 112 : index
    %get3A_569 = tpu.vector_load %arg5[%get3A_567, %get3A_568] {strides = array<i32>} : memref<4x128xi32, #tpu.memory_space<vmem>>, vector<1x16xi32>,
    %get3A_570 = vector.shape_cast %get3A_569 : vector<1x16xi32> to vector<16xi32>
    %ge3A_571 = arith.constant 253952 : i32
    %ge3A_572 = vector.broadcast %ge3A_571 : i32 to vector<16xi32>
    %ge3A_573 = arith.cmpi sge, %get3A_570, %ge3A_572 : vector<16xi32>
    %jit3A_574 = arith.constant 253952 : i32
    %jit3A_575 = arith.constant 0 : i32
    %broadcast_in_dim3A_576 = vector.broadcast %jit3A_574 : i32 to vector<16xi32>
    %broadcast_in_dim3A_577 = vector.broadcast %jit3A_575 : i32 to vector<16xi32>
    %select_n3A_578 = arith.select %ge3A_573, %broadcast_in_dim3A_576, %broadcast_in_dim3A_577 : vector<16xi1>, vector<16xi32>
    %sub3A_579 = arith.subi %get3A_570, %select_n3A_578 : vector<16xi32>
    %ge3A_580 = arith.constant 253952 : i32
    %ge3A_581 = vector.broadcast %ge3A_580 : i32 to vector<16xi32>
    %ge3A_582 = arith.cmpi sge, %sub3A_579, %ge3A_581 : vector<16xi32>
    %jit3A_583 = arith.constant 253952 : i32
    %jit3A_584 = arith.constant 0 : i32
    %broadcast_in_dim3A_585 = vector.broadcast %jit3A_583 : i32 to vector<16xi32>
    %broadcast_in_dim3A_586 = vector.broadcast %jit3A_584 : i32 to vector<16xi32>
    %select_n3A_587 = arith.select %ge3A_582, %broadcast_in_dim3A_585, %broadcast_in_dim3A_586 : vector<16xi1>, vector<16xi32>
    %sub3A_588 = arith.subi %sub3A_579, %select_n3A_587 : vector<16xi32>
    %ge3A_589 = arith.constant 253952 : i32
    %ge3A_590 = vector.broadcast %ge3A_589 : i32 to vector<16xi32>
    %ge3A_591 = arith.cmpi sge, %sub3A_588, %ge3A_590 : vector<16xi32>
    %jit3A_592 = arith.constant 253952 : i32
    %jit3A_593 = arith.constant 0 : i32
    %broadcast_in_dim3A_594 = vector.broadcast %jit3A_592 : i32 to vector<16xi32>
    %broadcast_in_dim3A_595 = vector.broadcast %jit3A_593 : i32 to vector<16xi32>
    %select_n3A_596 = arith.select %ge3A_591, %broadcast_in_dim3A_594, %broadcast_in_dim3A_595 : vector<16xi1>, vector<16xi32>
    %sub3A_597 = arith.subi %sub3A_588, %select_n3A_596 : vector<16xi32>
    %swap3A_598 = arith.constant 1 : i32
    %swap3A_599 = arith.index_cast %swap3A_598 : i32 to index
    %swap3A_600 = arith.constant 112 : index
    %swap3A_601 = tpu.vector_load %arg6[%swap3A_599, %swap3A_600] {strides = array<i32>} : memref<4x128xi32, #tpu.memory_space<vmem>>, vector<1x16xi32>,
    %swap3A_602 = vector.shape_cast %swap3A_601 : vector<1x16xi32> to vector<16xi32>
    %swap3A_603 = vector.shape_cast %sub3A_597 : vector<16xi32> to vector<1x16xi32>
    tpu.vector_store %arg6[%swap3A_599, %swap3A_600], %swap3A_603 {strides = array<i32>} : memref<4x128xi32, #tpu.memory_space<vmem>>, vector<1x16xi32>,
    %get3A_604 = arith.constant 2 : i32
    %get3A_605 = arith.index_cast %get3A_604 : i32 to index
    %get3A_606 = arith.constant 0 : index
    %get3A_607 = tpu.vector_load %arg5[%get3A_605, %get3A_606] {strides = array<i32>} : memref<4x128xi32, #tpu.memory_space<vmem>>, vector<1x16xi32>,
    %get3A_608 = vector.shape_cast %get3A_607 : vector<1x16xi32> to vector<16xi32>
    %ge3A_609 = arith.constant 253952 : i32
    %ge3A_610 = vector.broadcast %ge3A_609 : i32 to vector<16xi32>
    %ge3A_611 = arith.cmpi sge, %get3A_608, %ge3A_610 : vector<16xi32>
    %jit3A_612 = arith.constant 253952 : i32
    %jit3A_613 = arith.constant 0 : i32
    %broadcast_in_dim3A_614 = vector.broadcast %jit3A_612 : i32 to vector<16xi32>
    %broadcast_in_dim3A_615 = vector.broadcast %jit3A_613 : i32 to vector<16xi32>
    %select_n3A_616 = arith.select %ge3A_611, %broadcast_in_dim3A_614, %broadcast_in_dim3A_615 : vector<16xi1>, vector<16xi32>
    %sub3A_617 = arith.subi %get3A_608, %select_n3A_616 : vector<16xi32>
    %ge3A_618 = arith.constant 253952 : i32
    %ge3A_619 = vector.broadcast %ge3A_618 : i32 to vector<16xi32>
    %ge3A_620 = arith.cmpi sge, %sub3A_617, %ge3A_619 : vector<16xi32>
    %jit3A_621 = arith.constant 253952 : i32
    %jit3A_622 = arith.constant 0 : i32
    %broadcast_in_dim3A_623 = vector.broadcast %jit3A_621 : i32 to vector<16xi32>
    %broadcast_in_dim3A_624 = vector.broadcast %jit3A_622 : i32 to vector<16xi32>
    %select_n3A_625 = arith.select %ge3A_620, %broadcast_in_dim3A_623, %broadcast_in_dim3A_624 : vector<16xi1>, vector<16xi32>
    %sub3A_626 = arith.subi %sub3A_617, %select_n3A_625 : vector<16xi32>
    %ge3A_627 = arith.constant 253952 : i32
    %ge3A_628 = vector.broadcast %ge3A_627 : i32 to vector<16xi32>
    %ge3A_629 = arith.cmpi sge, %sub3A_626, %ge3A_628 : vector<16xi32>
    %jit3A_630 = arith.constant 253952 : i32
    %jit3A_631 = arith.constant 0 : i32
    %broadcast_in_dim3A_632 = vector.broadcast %jit3A_630 : i32 to vector<16xi32>
    %broadcast_in_dim3A_633 = vector.broadcast %jit3A_631 : i32 to vector<16xi32>
    %select_n3A_634 = arith.select %ge3A_629, %broadcast_in_dim3A_632, %broadcast_in_dim3A_633 : vector<16xi1>, vector<16xi32>
    %sub3A_635 = arith.subi %sub3A_626, %select_n3A_634 : vector<16xi32>
    %swap3A_636 = arith.constant 2 : i32
    %swap3A_637 = arith.index_cast %swap3A_636 : i32 to index
    %swap3A_638 = arith.constant 0 : index
    %swap3A_639 = tpu.vector_load %arg6[%swap3A_637, %swap3A_638] {strides = array<i32>} : memref<4x128xi32, #tpu.memory_space<vmem>>, vector<1x16xi32>,
    %swap3A_640 = vector.shape_cast %swap3A_639 : vector<1x16xi32> to vector<16xi32>
    %swap3A_641 = vector.shape_cast %sub3A_635 : vector<16xi32> to vector<1x16xi32>
    tpu.vector_store %arg6[%swap3A_637, %swap3A_638], %swap3A_641 {strides = array<i32>} : memref<4x128xi32, #tpu.memory_space<vmem>>, vector<1x16xi32>,
    %get3A_642 = arith.constant 2 : i32
    %get3A_643 = arith.index_cast %get3A_642 : i32 to index
    %get3A_644 = arith.constant 16 : index
    %get3A_645 = tpu.vector_load %arg5[%get3A_643, %get3A_644] {strides = array<i32>} : memref<4x128xi32, #tpu.memory_space<vmem>>, vector<1x16xi32>,
    %get3A_646 = vector.shape_cast %get3A_645 : vector<1x16xi32> to vector<16xi32>
    %ge3A_647 = arith.constant 253952 : i32
    %ge3A_648 = vector.broadcast %ge3A_647 : i32 to vector<16xi32>
    %ge3A_649 = arith.cmpi sge, %get3A_646, %ge3A_648 : vector<16xi32>
    %jit3A_650 = arith.constant 253952 : i32
    %jit3A_651 = arith.constant 0 : i32
    %broadcast_in_dim3A_652 = vector.broadcast %jit3A_650 : i32 to vector<16xi32>
    %broadcast_in_dim3A_653 = vector.broadcast %jit3A_651 : i32 to vector<16xi32>
    %select_n3A_654 = arith.select %ge3A_649, %broadcast_in_dim3A_652, %broadcast_in_dim3A_653 : vector<16xi1>, vector<16xi32>
    %sub3A_655 = arith.subi %get3A_646, %select_n3A_654 : vector<16xi32>
    %ge3A_656 = arith.constant 253952 : i32
    %ge3A_657 = vector.broadcast %ge3A_656 : i32 to vector<16xi32>
    %ge3A_658 = arith.cmpi sge, %sub3A_655, %ge3A_657 : vector<16xi32>
    %jit3A_659 = arith.constant 253952 : i32
    %jit3A_660 = arith.constant 0 : i32
    %broadcast_in_dim3A_661 = vector.broadcast %jit3A_659 : i32 to vector<16xi32>
    %broadcast_in_dim3A_662 = vector.broadcast %jit3A_660 : i32 to vector<16xi32>
    %select_n3A_663 = arith.select %ge3A_658, %broadcast_in_dim3A_661, %broadcast_in_dim3A_662 : vector<16xi1>, vector<16xi32>
    %sub3A_664 = arith.subi %sub3A_655, %select_n3A_663 : vector<16xi32>
    %ge3A_665 = arith.constant 253952 : i32
    %ge3A_666 = vector.broadcast %ge3A_665 : i32 to vector<16xi32>
    %ge3A_667 = arith.cmpi sge, %sub3A_664, %ge3A_666 : vector<16xi32>
    %jit3A_668 = arith.constant 253952 : i32
    %jit3A_669 = arith.constant 0 : i32
    %broadcast_in_dim3A_670 = vector.broadcast %jit3A_668 : i32 to vector<16xi32>
    %broadcast_in_dim3A_671 = vector.broadcast %jit3A_669 : i32 to vector<16xi32>
    %select_n3A_672 = arith.select %ge3A_667, %broadcast_in_dim3A_670, %broadcast_in_dim3A_671 : vector<16xi1>, vector<16xi32>
    %sub3A_673 = arith.subi %sub3A_664, %select_n3A_672 : vector<16xi32>
    %swap3A_674 = arith.constant 2 : i32
    %swap3A_675 = arith.index_cast %swap3A_674 : i32 to index
    %swap3A_676 = arith.constant 16 : index
    %swap3A_677 = tpu.vector_load %arg6[%swap3A_675, %swap3A_676] {strides = array<i32>} : memref<4x128xi32, #tpu.memory_space<vmem>>, vector<1x16xi32>,
    %swap3A_678 = vector.shape_cast %swap3A_677 : vector<1x16xi32> to vector<16xi32>
    %swap3A_679 = vector.shape_cast %sub3A_673 : vector<16xi32> to vector<1x16xi32>
    tpu.vector_store %arg6[%swap3A_675, %swap3A_676], %swap3A_679 {strides = array<i32>} : memref<4x128xi32, #tpu.memory_space<vmem>>, vector<1x16xi32>,
    %get3A_680 = arith.constant 2 : i32
    %get3A_681 = arith.index_cast %get3A_680 : i32 to index
    %get3A_682 = arith.constant 32 : index
    %get3A_683 = tpu.vector_load %arg5[%get3A_681, %get3A_682] {strides = array<i32>} : memref<4x128xi32, #tpu.memory_space<vmem>>, vector<1x16xi32>,
    %get3A_684 = vector.shape_cast %get3A_683 : vector<1x16xi32> to vector<16xi32>
    %ge3A_685 = arith.constant 253952 : i32
    %ge3A_686 = vector.broadcast %ge3A_685 : i32 to vector<16xi32>
    %ge3A_687 = arith.cmpi sge, %get3A_684, %ge3A_686 : vector<16xi32>
    %jit3A_688 = arith.constant 253952 : i32
    %jit3A_689 = arith.constant 0 : i32
    %broadcast_in_dim3A_690 = vector.broadcast %jit3A_688 : i32 to vector<16xi32>
    %broadcast_in_dim3A_691 = vector.broadcast %jit3A_689 : i32 to vector<16xi32>
    %select_n3A_692 = arith.select %ge3A_687, %broadcast_in_dim3A_690, %broadcast_in_dim3A_691 : vector<16xi1>, vector<16xi32>
    %sub3A_693 = arith.subi %get3A_684, %select_n3A_692 : vector<16xi32>
    %ge3A_694 = arith.constant 253952 : i32
    %ge3A_695 = vector.broadcast %ge3A_694 : i32 to vector<16xi32>
    %ge3A_696 = arith.cmpi sge, %sub3A_693, %ge3A_695 : vector<16xi32>
    %jit3A_697 = arith.constant 253952 : i32
    %jit3A_698 = arith.constant 0 : i32
    %broadcast_in_dim3A_699 = vector.broadcast %jit3A_697 : i32 to vector<16xi32>
    %broadcast_in_dim3A_700 = vector.broadcast %jit3A_698 : i32 to vector<16xi32>
    %select_n3A_701 = arith.select %ge3A_696, %broadcast_in_dim3A_699, %broadcast_in_dim3A_700 : vector<16xi1>, vector<16xi32>
    %sub3A_702 = arith.subi %sub3A_693, %select_n3A_701 : vector<16xi32>
    %ge3A_703 = arith.constant 253952 : i32
    %ge3A_704 = vector.broadcast %ge3A_703 : i32 to vector<16xi32>
    %ge3A_705 = arith.cmpi sge, %sub3A_702, %ge3A_704 : vector<16xi32>
    %jit3A_706 = arith.constant 253952 : i32
    %jit3A_707 = arith.constant 0 : i32
    %broadcast_in_dim3A_708 = vector.broadcast %jit3A_706 : i32 to vector<16xi32>
    %broadcast_in_dim3A_709 = vector.broadcast %jit3A_707 : i32 to vector<16xi32>
    %select_n3A_710 = arith.select %ge3A_705, %broadcast_in_dim3A_708, %broadcast_in_dim3A_709 : vector<16xi1>, vector<16xi32>
    %sub3A_711 = arith.subi %sub3A_702, %select_n3A_710 : vector<16xi32>
    %swap3A_712 = arith.constant 2 : i32
    %swap3A_713 = arith.index_cast %swap3A_712 : i32 to index
    %swap3A_714 = arith.constant 32 : index
    %swap3A_715 = tpu.vector_load %arg6[%swap3A_713, %swap3A_714] {strides = array<i32>} : memref<4x128xi32, #tpu.memory_space<vmem>>, vector<1x16xi32>,
    %swap3A_716 = vector.shape_cast %swap3A_715 : vector<1x16xi32> to vector<16xi32>
    %swap3A_717 = vector.shape_cast %sub3A_711 : vector<16xi32> to vector<1x16xi32>
    tpu.vector_store %arg6[%swap3A_713, %swap3A_714], %swap3A_717 {strides = array<i32>} : memref<4x128xi32, #tpu.memory_space<vmem>>, vector<1x16xi32>,
    %get3A_718 = arith.constant 2 : i32
    %get3A_719 = arith.index_cast %get3A_718 : i32 to index
    %get3A_720 = arith.constant 48 : index
    %get3A_721 = tpu.vector_load %arg5[%get3A_719, %get3A_720] {strides = array<i32>} : memref<4x128xi32, #tpu.memory_space<vmem>>, vector<1x16xi32>,
    %get3A_722 = vector.shape_cast %get3A_721 : vector<1x16xi32> to vector<16xi32>
    %ge3A_723 = arith.constant 253952 : i32
    %ge3A_724 = vector.broadcast %ge3A_723 : i32 to vector<16xi32>
    %ge3A_725 = arith.cmpi sge, %get3A_722, %ge3A_724 : vector<16xi32>
    %jit3A_726 = arith.constant 253952 : i32
    %jit3A_727 = arith.constant 0 : i32
    %broadcast_in_dim3A_728 = vector.broadcast %jit3A_726 : i32 to vector<16xi32>
    %broadcast_in_dim3A_729 = vector.broadcast %jit3A_727 : i32 to vector<16xi32>
    %select_n3A_730 = arith.select %ge3A_725, %broadcast_in_dim3A_728, %broadcast_in_dim3A_729 : vector<16xi1>, vector<16xi32>
    %sub3A_731 = arith.subi %get3A_722, %select_n3A_730 : vector<16xi32>
    %ge3A_732 = arith.constant 253952 : i32
    %ge3A_733 = vector.broadcast %ge3A_732 : i32 to vector<16xi32>
    %ge3A_734 = arith.cmpi sge, %sub3A_731, %ge3A_733 : vector<16xi32>
    %jit3A_735 = arith.constant 253952 : i32
    %jit3A_736 = arith.constant 0 : i32
    %broadcast_in_dim3A_737 = vector.broadcast %jit3A_735 : i32 to vector<16xi32>
    %broadcast_in_dim3A_738 = vector.broadcast %jit3A_736 : i32 to vector<16xi32>
    %select_n3A_739 = arith.select %ge3A_734, %broadcast_in_dim3A_737, %broadcast_in_dim3A_738 : vector<16xi1>, vector<16xi32>
    %sub3A_740 = arith.subi %sub3A_731, %select_n3A_739 : vector<16xi32>
    %ge3A_741 = arith.constant 253952 : i32
    %ge3A_742 = vector.broadcast %ge3A_741 : i32 to vector<16xi32>
    %ge3A_743 = arith.cmpi sge, %sub3A_740, %ge3A_742 : vector<16xi32>
    %jit3A_744 = arith.constant 253952 : i32
    %jit3A_745 = arith.constant 0 : i32
    %broadcast_in_dim3A_746 = vector.broadcast %jit3A_744 : i32 to vector<16xi32>
    %broadcast_in_dim3A_747 = vector.broadcast %jit3A_745 : i32 to vector<16xi32>
    %select_n3A_748 = arith.select %ge3A_743, %broadcast_in_dim3A_746, %broadcast_in_dim3A_747 : vector<16xi1>, vector<16xi32>
    %sub3A_749 = arith.subi %sub3A_740, %select_n3A_748 : vector<16xi32>
    %swap3A_750 = arith.constant 2 : i32
    %swap3A_751 = arith.index_cast %swap3A_750 : i32 to index
    %swap3A_752 = arith.constant 48 : index
    %swap3A_753 = tpu.vector_load %arg6[%swap3A_751, %swap3A_752] {strides = array<i32>} : memref<4x128xi32, #tpu.memory_space<vmem>>, vector<1x16xi32>,
    %swap3A_754 = vector.shape_cast %swap3A_753 : vector<1x16xi32> to vector<16xi32>
    %swap3A_755 = vector.shape_cast %sub3A_749 : vector<16xi32> to vector<1x16xi32>
    tpu.vector_store %arg6[%swap3A_751, %swap3A_752], %swap3A_755 {strides = array<i32>} : memref<4x128xi32, #tpu.memory_space<vmem>>, vector<1x16xi32>,
    %get3A_756 = arith.constant 2 : i32
    %get3A_757 = arith.index_cast %get3A_756 : i32 to index
    %get3A_758 = arith.constant 64 : index
    %get3A_759 = tpu.vector_load %arg5[%get3A_757, %get3A_758] {strides = array<i32>} : memref<4x128xi32, #tpu.memory_space<vmem>>, vector<1x16xi32>,
    %get3A_760 = vector.shape_cast %get3A_759 : vector<1x16xi32> to vector<16xi32>
    %ge3A_761 = arith.constant 253952 : i32
    %ge3A_762 = vector.broadcast %ge3A_761 : i32 to vector<16xi32>
    %ge3A_763 = arith.cmpi sge, %get3A_760, %ge3A_762 : vector<16xi32>
    %jit3A_764 = arith.constant 253952 : i32
    %jit3A_765 = arith.constant 0 : i32
    %broadcast_in_dim3A_766 = vector.broadcast %jit3A_764 : i32 to vector<16xi32>
    %broadcast_in_dim3A_767 = vector.broadcast %jit3A_765 : i32 to vector<16xi32>
    %select_n3A_768 = arith.select %ge3A_763, %broadcast_in_dim3A_766, %broadcast_in_dim3A_767 : vector<16xi1>, vector<16xi32>
    %sub3A_769 = arith.subi %get3A_760, %select_n3A_768 : vector<16xi32>
    %ge3A_770 = arith.constant 253952 : i32
    %ge3A_771 = vector.broadcast %ge3A_770 : i32 to vector<16xi32>
    %ge3A_772 = arith.cmpi sge, %sub3A_769, %ge3A_771 : vector<16xi32>
    %jit3A_773 = arith.constant 253952 : i32
    %jit3A_774 = arith.constant 0 : i32
    %broadcast_in_dim3A_775 = vector.broadcast %jit3A_773 : i32 to vector<16xi32>
    %broadcast_in_dim3A_776 = vector.broadcast %jit3A_774 : i32 to vector<16xi32>
    %select_n3A_777 = arith.select %ge3A_772, %broadcast_in_dim3A_775, %broadcast_in_dim3A_776 : vector<16xi1>, vector<16xi32>
    %sub3A_778 = arith.subi %sub3A_769, %select_n3A_777 : vector<16xi32>
    %ge3A_779 = arith.constant 253952 : i32
    %ge3A_780 = vector.broadcast %ge3A_779 : i32 to vector<16xi32>
    %ge3A_781 = arith.cmpi sge, %sub3A_778, %ge3A_780 : vector<16xi32>
    %jit3A_782 = arith.constant 253952 : i32
    %jit3A_783 = arith.constant 0 : i32
    %broadcast_in_dim3A_784 = vector.broadcast %jit3A_782 : i32 to vector<16xi32>
    %broadcast_in_dim3A_785 = vector.broadcast %jit3A_783 : i32 to vector<16xi32>
    %select_n3A_786 = arith.select %ge3A_781, %broadcast_in_dim3A_784, %broadcast_in_dim3A_785 : vector<16xi1>, vector<16xi32>
    %sub3A_787 = arith.subi %sub3A_778, %select_n3A_786 : vector<16xi32>
    %swap3A_788 = arith.constant 2 : i32
    %swap3A_789 = arith.index_cast %swap3A_788 : i32 to index
    %swap3A_790 = arith.constant 64 : index
    %swap3A_791 = tpu.vector_load %arg6[%swap3A_789, %swap3A_790] {strides = array<i32>} : memref<4x128xi32, #tpu.memory_space<vmem>>, vector<1x16xi32>,
    %swap3A_792 = vector.shape_cast %swap3A_791 : vector<1x16xi32> to vector<16xi32>
    %swap3A_793 = vector.shape_cast %sub3A_787 : vector<16xi32> to vector<1x16xi32>
    tpu.vector_store %arg6[%swap3A_789, %swap3A_790], %swap3A_793 {strides = array<i32>} : memref<4x128xi32, #tpu.memory_space<vmem>>, vector<1x16xi32>,
    %get3A_794 = arith.constant 2 : i32
    %get3A_795 = arith.index_cast %get3A_794 : i32 to index
    %get3A_796 = arith.constant 80 : index
    %get3A_797 = tpu.vector_load %arg5[%get3A_795, %get3A_796] {strides = array<i32>} : memref<4x128xi32, #tpu.memory_space<vmem>>, vector<1x16xi32>,
    %get3A_798 = vector.shape_cast %get3A_797 : vector<1x16xi32> to vector<16xi32>
    %ge3A_799 = arith.constant 253952 : i32
    %ge3A_800 = vector.broadcast %ge3A_799 : i32 to vector<16xi32>
    %ge3A_801 = arith.cmpi sge, %get3A_798, %ge3A_800 : vector<16xi32>
    %jit3A_802 = arith.constant 253952 : i32
    %jit3A_803 = arith.constant 0 : i32
    %broadcast_in_dim3A_804 = vector.broadcast %jit3A_802 : i32 to vector<16xi32>
    %broadcast_in_dim3A_805 = vector.broadcast %jit3A_803 : i32 to vector<16xi32>
    %select_n3A_806 = arith.select %ge3A_801, %broadcast_in_dim3A_804, %broadcast_in_dim3A_805 : vector<16xi1>, vector<16xi32>
    %sub3A_807 = arith.subi %get3A_798, %select_n3A_806 : vector<16xi32>
    %ge3A_808 = arith.constant 253952 : i32
    %ge3A_809 = vector.broadcast %ge3A_808 : i32 to vector<16xi32>
    %ge3A_810 = arith.cmpi sge, %sub3A_807, %ge3A_809 : vector<16xi32>
    %jit3A_811 = arith.constant 253952 : i32
    %jit3A_812 = arith.constant 0 : i32
    %broadcast_in_dim3A_813 = vector.broadcast %jit3A_811 : i32 to vector<16xi32>
    %broadcast_in_dim3A_814 = vector.broadcast %jit3A_812 : i32 to vector<16xi32>
    %select_n3A_815 = arith.select %ge3A_810, %broadcast_in_dim3A_813, %broadcast_in_dim3A_814 : vector<16xi1>, vector<16xi32>
    %sub3A_816 = arith.subi %sub3A_807, %select_n3A_815 : vector<16xi32>
    %ge3A_817 = arith.constant 253952 : i32
    %ge3A_818 = vector.broadcast %ge3A_817 : i32 to vector<16xi32>
    %ge3A_819 = arith.cmpi sge, %sub3A_816, %ge3A_818 : vector<16xi32>
    %jit3A_820 = arith.constant 253952 : i32
    %jit3A_821 = arith.constant 0 : i32
    %broadcast_in_dim3A_822 = vector.broadcast %jit3A_820 : i32 to vector<16xi32>
    %broadcast_in_dim3A_823 = vector.broadcast %jit3A_821 : i32 to vector<16xi32>
    %select_n3A_824 = arith.select %ge3A_819, %broadcast_in_dim3A_822, %broadcast_in_dim3A_823 : vector<16xi1>, vector<16xi32>
    %sub3A_825 = arith.subi %sub3A_816, %select_n3A_824 : vector<16xi32>
    %swap3A_826 = arith.constant 2 : i32
    %swap3A_827 = arith.index_cast %swap3A_826 : i32 to index
    %swap3A_828 = arith.constant 80 : index
    %swap3A_829 = tpu.vector_load %arg6[%swap3A_827, %swap3A_828] {strides = array<i32>} : memref<4x128xi32, #tpu.memory_space<vmem>>, vector<1x16xi32>,
    %swap3A_830 = vector.shape_cast %swap3A_829 : vector<1x16xi32> to vector<16xi32>
    %swap3A_831 = vector.shape_cast %sub3A_825 : vector<16xi32> to vector<1x16xi32>
    tpu.vector_store %arg6[%swap3A_827, %swap3A_828], %swap3A_831 {strides = array<i32>} : memref<4x128xi32, #tpu.memory_space<vmem>>, vector<1x16xi32>,
    %get3A_832 = arith.constant 2 : i32
    %get3A_833 = arith.index_cast %get3A_832 : i32 to index
    %get3A_834 = arith.constant 96 : index
    %get3A_835 = tpu.vector_load %arg5[%get3A_833, %get3A_834] {strides = array<i32>} : memref<4x128xi32, #tpu.memory_space<vmem>>, vector<1x16xi32>,
    %get3A_836 = vector.shape_cast %get3A_835 : vector<1x16xi32> to vector<16xi32>
    %ge3A_837 = arith.constant 253952 : i32
    %ge3A_838 = vector.broadcast %ge3A_837 : i32 to vector<16xi32>
    %ge3A_839 = arith.cmpi sge, %get3A_836, %ge3A_838 : vector<16xi32>
    %jit3A_840 = arith.constant 253952 : i32
    %jit3A_841 = arith.constant 0 : i32
    %broadcast_in_dim3A_842 = vector.broadcast %jit3A_840 : i32 to vector<16xi32>
    %broadcast_in_dim3A_843 = vector.broadcast %jit3A_841 : i32 to vector<16xi32>
    %select_n3A_844 = arith.select %ge3A_839, %broadcast_in_dim3A_842, %broadcast_in_dim3A_843 : vector<16xi1>, vector<16xi32>
    %sub3A_845 = arith.subi %get3A_836, %select_n3A_844 : vector<16xi32>
    %ge3A_846 = arith.constant 253952 : i32
    %ge3A_847 = vector.broadcast %ge3A_846 : i32 to vector<16xi32>
    %ge3A_848 = arith.cmpi sge, %sub3A_845, %ge3A_847 : vector<16xi32>
    %jit3A_849 = arith.constant 253952 : i32
    %jit3A_850 = arith.constant 0 : i32
    %broadcast_in_dim3A_851 = vector.broadcast %jit3A_849 : i32 to vector<16xi32>
    %broadcast_in_dim3A_852 = vector.broadcast %jit3A_850 : i32 to vector<16xi32>
    %select_n3A_853 = arith.select %ge3A_848, %broadcast_in_dim3A_851, %broadcast_in_dim3A_852 : vector<16xi1>, vector<16xi32>
    %sub3A_854 = arith.subi %sub3A_845, %select_n3A_853 : vector<16xi32>
    %ge3A_855 = arith.constant 253952 : i32
    %ge3A_856 = vector.broadcast %ge3A_855 : i32 to vector<16xi32>
    %ge3A_857 = arith.cmpi sge, %sub3A_854, %ge3A_856 : vector<16xi32>
    %jit3A_858 = arith.constant 253952 : i32
    %jit3A_859 = arith.constant 0 : i32
    %broadcast_in_dim3A_860 = vector.broadcast %jit3A_858 : i32 to vector<16xi32>
    %broadcast_in_dim3A_861 = vector.broadcast %jit3A_859 : i32 to vector<16xi32>
    %select_n3A_862 = arith.select %ge3A_857, %broadcast_in_dim3A_860, %broadcast_in_dim3A_861 : vector<16xi1>, vector<16xi32>
    %sub3A_863 = arith.subi %sub3A_854, %select_n3A_862 : vector<16xi32>
    %swap3A_864 = arith.constant 2 : i32
    %swap3A_865 = arith.index_cast %swap3A_864 : i32 to index
    %swap3A_866 = arith.constant 96 : index
    %swap3A_867 = tpu.vector_load %arg6[%swap3A_865, %swap3A_866] {strides = array<i32>} : memref<4x128xi32, #tpu.memory_space<vmem>>, vector<1x16xi32>,
    %swap3A_868 = vector.shape_cast %swap3A_867 : vector<1x16xi32> to vector<16xi32>
    %swap3A_869 = vector.shape_cast %sub3A_863 : vector<16xi32> to vector<1x16xi32>
    tpu.vector_store %arg6[%swap3A_865, %swap3A_866], %swap3A_869 {strides = array<i32>} : memref<4x128xi32, #tpu.memory_space<vmem>>, vector<1x16xi32>,
    %get3A_870 = arith.constant 2 : i32
    %get3A_871 = arith.index_cast %get3A_870 : i32 to index
    %get3A_872 = arith.constant 112 : index
    %get3A_873 = tpu.vector_load %arg5[%get3A_871, %get3A_872] {strides = array<i32>} : memref<4x128xi32, #tpu.memory_space<vmem>>, vector<1x16xi32>,
    %get3A_874 = vector.shape_cast %get3A_873 : vector<1x16xi32> to vector<16xi32>
    %ge3A_875 = arith.constant 253952 : i32
    %ge3A_876 = vector.broadcast %ge3A_875 : i32 to vector<16xi32>
    %ge3A_877 = arith.cmpi sge, %get3A_874, %ge3A_876 : vector<16xi32>
    %jit3A_878 = arith.constant 253952 : i32
    %jit3A_879 = arith.constant 0 : i32
    %broadcast_in_dim3A_880 = vector.broadcast %jit3A_878 : i32 to vector<16xi32>
    %broadcast_in_dim3A_881 = vector.broadcast %jit3A_879 : i32 to vector<16xi32>
    %select_n3A_882 = arith.select %ge3A_877, %broadcast_in_dim3A_880, %broadcast_in_dim3A_881 : vector<16xi1>, vector<16xi32>
    %sub3A_883 = arith.subi %get3A_874, %select_n3A_882 : vector<16xi32>
    %ge3A_884 = arith.constant 253952 : i32
    %ge3A_885 = vector.broadcast %ge3A_884 : i32 to vector<16xi32>
    %ge3A_886 = arith.cmpi sge, %sub3A_883, %ge3A_885 : vector<16xi32>
    %jit3A_887 = arith.constant 253952 : i32
    %jit3A_888 = arith.constant 0 : i32
    %broadcast_in_dim3A_889 = vector.broadcast %jit3A_887 : i32 to vector<16xi32>
    %broadcast_in_dim3A_890 = vector.broadcast %jit3A_888 : i32 to vector<16xi32>
    %select_n3A_891 = arith.select %ge3A_886, %broadcast_in_dim3A_889, %broadcast_in_dim3A_890 : vector<16xi1>, vector<16xi32>
    %sub3A_892 = arith.subi %sub3A_883, %select_n3A_891 : vector<16xi32>
    %ge3A_893 = arith.constant 253952 : i32
    %ge3A_894 = vector.broadcast %ge3A_893 : i32 to vector<16xi32>
    %ge3A_895 = arith.cmpi sge, %sub3A_892, %ge3A_894 : vector<16xi32>
    %jit3A_896 = arith.constant 253952 : i32
    %jit3A_897 = arith.constant 0 : i32
    %broadcast_in_dim3A_898 = vector.broadcast %jit3A_896 : i32 to vector<16xi32>
    %broadcast_in_dim3A_899 = vector.broadcast %jit3A_897 : i32 to vector<16xi32>
    %select_n3A_900 = arith.select %ge3A_895, %broadcast_in_dim3A_898, %broadcast_in_dim3A_899 : vector<16xi1>, vector<16xi32>
    %sub3A_901 = arith.subi %sub3A_892, %select_n3A_900 : vector<16xi32>
    %swap3A_902 = arith.constant 2 : i32
    %swap3A_903 = arith.index_cast %swap3A_902 : i32 to index
    %swap3A_904 = arith.constant 112 : index
    %swap3A_905 = tpu.vector_load %arg6[%swap3A_903, %swap3A_904] {strides = array<i32>} : memref<4x128xi32, #tpu.memory_space<vmem>>, vector<1x16xi32>,
    %swap3A_906 = vector.shape_cast %swap3A_905 : vector<1x16xi32> to vector<16xi32>
    %swap3A_907 = vector.shape_cast %sub3A_901 : vector<16xi32> to vector<1x16xi32>
    tpu.vector_store %arg6[%swap3A_903, %swap3A_904], %swap3A_907 {strides = array<i32>} : memref<4x128xi32, #tpu.memory_space<vmem>>, vector<1x16xi32>,
    %get3A_908 = arith.constant 3 : i32
    %get3A_909 = arith.index_cast %get3A_908 : i32 to index
    %get3A_910 = arith.constant 0 : index
    %get3A_911 = tpu.vector_load %arg5[%get3A_909, %get3A_910] {strides = array<i32>} : memref<4x128xi32, #tpu.memory_space<vmem>>, vector<1x16xi32>,
    %get3A_912 = vector.shape_cast %get3A_911 : vector<1x16xi32> to vector<16xi32>
    %ge3A_913 = arith.constant 253952 : i32
    %ge3A_914 = vector.broadcast %ge3A_913 : i32 to vector<16xi32>
    %ge3A_915 = arith.cmpi sge, %get3A_912, %ge3A_914 : vector<16xi32>
    %jit3A_916 = arith.constant 253952 : i32
    %jit3A_917 = arith.constant 0 : i32
    %broadcast_in_dim3A_918 = vector.broadcast %jit3A_916 : i32 to vector<16xi32>
    %broadcast_in_dim3A_919 = vector.broadcast %jit3A_917 : i32 to vector<16xi32>
    %select_n3A_920 = arith.select %ge3A_915, %broadcast_in_dim3A_918, %broadcast_in_dim3A_919 : vector<16xi1>, vector<16xi32>
    %sub3A_921 = arith.subi %get3A_912, %select_n3A_920 : vector<16xi32>
    %ge3A_922 = arith.constant 253952 : i32
    %ge3A_923 = vector.broadcast %ge3A_922 : i32 to vector<16xi32>
    %ge3A_924 = arith.cmpi sge, %sub3A_921, %ge3A_923 : vector<16xi32>
    %jit3A_925 = arith.constant 253952 : i32
    %jit3A_926 = arith.constant 0 : i32
    %broadcast_in_dim3A_927 = vector.broadcast %jit3A_925 : i32 to vector<16xi32>
    %broadcast_in_dim3A_928 = vector.broadcast %jit3A_926 : i32 to vector<16xi32>
    %select_n3A_929 = arith.select %ge3A_924, %broadcast_in_dim3A_927, %broadcast_in_dim3A_928 : vector<16xi1>, vector<16xi32>
    %sub3A_930 = arith.subi %sub3A_921, %select_n3A_929 : vector<16xi32>
    %ge3A_931 = arith.constant 253952 : i32
    %ge3A_932 = vector.broadcast %ge3A_931 : i32 to vector<16xi32>
    %ge3A_933 = arith.cmpi sge, %sub3A_930, %ge3A_932 : vector<16xi32>
    %jit3A_934 = arith.constant 253952 : i32
    %jit3A_935 = arith.constant 0 : i32
    %broadcast_in_dim3A_936 = vector.broadcast %jit3A_934 : i32 to vector<16xi32>
    %broadcast_in_dim3A_937 = vector.broadcast %jit3A_935 : i32 to vector<16xi32>
    %select_n3A_938 = arith.select %ge3A_933, %broadcast_in_dim3A_936, %broadcast_in_dim3A_937 : vector<16xi1>, vector<16xi32>
    %sub3A_939 = arith.subi %sub3A_930, %select_n3A_938 : vector<16xi32>
    %swap3A_940 = arith.constant 3 : i32
    %swap3A_941 = arith.index_cast %swap3A_940 : i32 to index
    %swap3A_942 = arith.constant 0 : index
    %swap3A_943 = tpu.vector_load %arg6[%swap3A_941, %swap3A_942] {strides = array<i32>} : memref<4x128xi32, #tpu.memory_space<vmem>>, vector<1x16xi32>,
    %swap3A_944 = vector.shape_cast %swap3A_943 : vector<1x16xi32> to vector<16xi32>
    %swap3A_945 = vector.shape_cast %sub3A_939 : vector<16xi32> to vector<1x16xi32>
    tpu.vector_store %arg6[%swap3A_941, %swap3A_942], %swap3A_945 {strides = array<i32>} : memref<4x128xi32, #tpu.memory_space<vmem>>, vector<1x16xi32>,
    %get3A_946 = arith.constant 3 : i32
    %get3A_947 = arith.index_cast %get3A_946 : i32 to index
    %get3A_948 = arith.constant 16 : index
    %get3A_949 = tpu.vector_load %arg5[%get3A_947, %get3A_948] {strides = array<i32>} : memref<4x128xi32, #tpu.memory_space<vmem>>, vector<1x16xi32>,
    %get3A_950 = vector.shape_cast %get3A_949 : vector<1x16xi32> to vector<16xi32>
    %ge3A_951 = arith.constant 253952 : i32
    %ge3A_952 = vector.broadcast %ge3A_951 : i32 to vector<16xi32>
    %ge3A_953 = arith.cmpi sge, %get3A_950, %ge3A_952 : vector<16xi32>
    %jit3A_954 = arith.constant 253952 : i32
    %jit3A_955 = arith.constant 0 : i32
    %broadcast_in_dim3A_956 = vector.broadcast %jit3A_954 : i32 to vector<16xi32>
    %broadcast_in_dim3A_957 = vector.broadcast %jit3A_955 : i32 to vector<16xi32>
    %select_n3A_958 = arith.select %ge3A_953, %broadcast_in_dim3A_956, %broadcast_in_dim3A_957 : vector<16xi1>, vector<16xi32>
    %sub3A_959 = arith.subi %get3A_950, %select_n3A_958 : vector<16xi32>
    %ge3A_960 = arith.constant 253952 : i32
    %ge3A_961 = vector.broadcast %ge3A_960 : i32 to vector<16xi32>
    %ge3A_962 = arith.cmpi sge, %sub3A_959, %ge3A_961 : vector<16xi32>
    %jit3A_963 = arith.constant 253952 : i32
    %jit3A_964 = arith.constant 0 : i32
    %broadcast_in_dim3A_965 = vector.broadcast %jit3A_963 : i32 to vector<16xi32>
    %broadcast_in_dim3A_966 = vector.broadcast %jit3A_964 : i32 to vector<16xi32>
    %select_n3A_967 = arith.select %ge3A_962, %broadcast_in_dim3A_965, %broadcast_in_dim3A_966 : vector<16xi1>, vector<16xi32>
    %sub3A_968 = arith.subi %sub3A_959, %select_n3A_967 : vector<16xi32>
    %ge3A_969 = arith.constant 253952 : i32
    %ge3A_970 = vector.broadcast %ge3A_969 : i32 to vector<16xi32>
    %ge3A_971 = arith.cmpi sge, %sub3A_968, %ge3A_970 : vector<16xi32>
    %jit3A_972 = arith.constant 253952 : i32
    %jit3A_973 = arith.constant 0 : i32
    %broadcast_in_dim3A_974 = vector.broadcast %jit3A_972 : i32 to vector<16xi32>
    %broadcast_in_dim3A_975 = vector.broadcast %jit3A_973 : i32 to vector<16xi32>
    %select_n3A_976 = arith.select %ge3A_971, %broadcast_in_dim3A_974, %broadcast_in_dim3A_975 : vector<16xi1>, vector<16xi32>
    %sub3A_977 = arith.subi %sub3A_968, %select_n3A_976 : vector<16xi32>
    %swap3A_978 = arith.constant 3 : i32
    %swap3A_979 = arith.index_cast %swap3A_978 : i32 to index
    %swap3A_980 = arith.constant 16 : index
    %swap3A_981 = tpu.vector_load %arg6[%swap3A_979, %swap3A_980] {strides = array<i32>} : memref<4x128xi32, #tpu.memory_space<vmem>>, vector<1x16xi32>,
    %swap3A_982 = vector.shape_cast %swap3A_981 : vector<1x16xi32> to vector<16xi32>
    %swap3A_983 = vector.shape_cast %sub3A_977 : vector<16xi32> to vector<1x16xi32>
    tpu.vector_store %arg6[%swap3A_979, %swap3A_980], %swap3A_983 {strides = array<i32>} : memref<4x128xi32, #tpu.memory_space<vmem>>, vector<1x16xi32>,
    %get3A_984 = arith.constant 3 : i32
    %get3A_985 = arith.index_cast %get3A_984 : i32 to index
    %get3A_986 = arith.constant 32 : index
    %get3A_987 = tpu.vector_load %arg5[%get3A_985, %get3A_986] {strides = array<i32>} : memref<4x128xi32, #tpu.memory_space<vmem>>, vector<1x16xi32>,
    %get3A_988 = vector.shape_cast %get3A_987 : vector<1x16xi32> to vector<16xi32>
    %ge3A_989 = arith.constant 253952 : i32
    %ge3A_990 = vector.broadcast %ge3A_989 : i32 to vector<16xi32>
    %ge3A_991 = arith.cmpi sge, %get3A_988, %ge3A_990 : vector<16xi32>
    %jit3A_992 = arith.constant 253952 : i32
    %jit3A_993 = arith.constant 0 : i32
    %broadcast_in_dim3A_994 = vector.broadcast %jit3A_992 : i32 to vector<16xi32>
    %broadcast_in_dim3A_995 = vector.broadcast %jit3A_993 : i32 to vector<16xi32>
    %select_n3A_996 = arith.select %ge3A_991, %broadcast_in_dim3A_994, %broadcast_in_dim3A_995 : vector<16xi1>, vector<16xi32>
    %sub3A_997 = arith.subi %get3A_988, %select_n3A_996 : vector<16xi32>
    %ge3A_998 = arith.constant 253952 : i32
    %ge3A_999 = vector.broadcast %ge3A_998 : i32 to vector<16xi32>
    %ge3A_1000 = arith.cmpi sge, %sub3A_997, %ge3A_999 : vector<16xi32>
    %jit3A_1001 = arith.constant 253952 : i32
    %jit3A_1002 = arith.constant 0 : i32
    %broadcast_in_dim3A_1003 = vector.broadcast %jit3A_1001 : i32 to vector<16xi32>
    %broadcast_in_dim3A_1004 = vector.broadcast %jit3A_1002 : i32 to vector<16xi32>
    %select_n3A_1005 = arith.select %ge3A_1000, %broadcast_in_dim3A_1003, %broadcast_in_dim3A_1004 : vector<16xi1>, vector<16xi32>
    %sub3A_1006 = arith.subi %sub3A_997, %select_n3A_1005 : vector<16xi32>
    %ge3A_1007 = arith.constant 253952 : i32
    %ge3A_1008 = vector.broadcast %ge3A_1007 : i32 to vector<16xi32>
    %ge3A_1009 = arith.cmpi sge, %sub3A_1006, %ge3A_1008 : vector<16xi32>
    %jit3A_1010 = arith.constant 253952 : i32
    %jit3A_1011 = arith.constant 0 : i32
    %broadcast_in_dim3A_1012 = vector.broadcast %jit3A_1010 : i32 to vector<16xi32>
    %broadcast_in_dim3A_1013 = vector.broadcast %jit3A_1011 : i32 to vector<16xi32>
    %select_n3A_1014 = arith.select %ge3A_1009, %broadcast_in_dim3A_1012, %broadcast_in_dim3A_1013 : vector<16xi1>, vector<16xi32>
    %sub3A_1015 = arith.subi %sub3A_1006, %select_n3A_1014 : vector<16xi32>
    %swap3A_1016 = arith.constant 3 : i32
    %swap3A_1017 = arith.index_cast %swap3A_1016 : i32 to index
    %swap3A_1018 = arith.constant 32 : index
    %swap3A_1019 = tpu.vector_load %arg6[%swap3A_1017, %swap3A_1018] {strides = array<i32>} : memref<4x128xi32, #tpu.memory_space<vmem>>, vector<1x16xi32>,
    %swap3A_1020 = vector.shape_cast %swap3A_1019 : vector<1x16xi32> to vector<16xi32>
    %swap3A_1021 = vector.shape_cast %sub3A_1015 : vector<16xi32> to vector<1x16xi32>
    tpu.vector_store %arg6[%swap3A_1017, %swap3A_1018], %swap3A_1021 {strides = array<i32>} : memref<4x128xi32, #tpu.memory_space<vmem>>, vector<1x16xi32>,
    %get3A_1022 = arith.constant 3 : i32
    %get3A_1023 = arith.index_cast %get3A_1022 : i32 to index
    %get3A_1024 = arith.constant 48 : index
    %get3A_1025 = tpu.vector_load %arg5[%get3A_1023, %get3A_1024] {strides = array<i32>} : memref<4x128xi32, #tpu.memory_space<vmem>>, vector<1x16xi32>,
    %get3A_1026 = vector.shape_cast %get3A_1025 : vector<1x16xi32> to vector<16xi32>
    %ge3A_1027 = arith.constant 253952 : i32
    %ge3A_1028 = vector.broadcast %ge3A_1027 : i32 to vector<16xi32>
    %ge3A_1029 = arith.cmpi sge, %get3A_1026, %ge3A_1028 : vector<16xi32>
    %jit3A_1030 = arith.constant 253952 : i32
    %jit3A_1031 = arith.constant 0 : i32
    %broadcast_in_dim3A_1032 = vector.broadcast %jit3A_1030 : i32 to vector<16xi32>
    %broadcast_in_dim3A_1033 = vector.broadcast %jit3A_1031 : i32 to vector<16xi32>
    %select_n3A_1034 = arith.select %ge3A_1029, %broadcast_in_dim3A_1032, %broadcast_in_dim3A_1033 : vector<16xi1>, vector<16xi32>
    %sub3A_1035 = arith.subi %get3A_1026, %select_n3A_1034 : vector<16xi32>
    %ge3A_1036 = arith.constant 253952 : i32
    %ge3A_1037 = vector.broadcast %ge3A_1036 : i32 to vector<16xi32>
    %ge3A_1038 = arith.cmpi sge, %sub3A_1035, %ge3A_1037 : vector<16xi32>
    %jit3A_1039 = arith.constant 253952 : i32
    %jit3A_1040 = arith.constant 0 : i32
    %broadcast_in_dim3A_1041 = vector.broadcast %jit3A_1039 : i32 to vector<16xi32>
    %broadcast_in_dim3A_1042 = vector.broadcast %jit3A_1040 : i32 to vector<16xi32>
    %select_n3A_1043 = arith.select %ge3A_1038, %broadcast_in_dim3A_1041, %broadcast_in_dim3A_1042 : vector<16xi1>, vector<16xi32>
    %sub3A_1044 = arith.subi %sub3A_1035, %select_n3A_1043 : vector<16xi32>
    %ge3A_1045 = arith.constant 253952 : i32
    %ge3A_1046 = vector.broadcast %ge3A_1045 : i32 to vector<16xi32>
    %ge3A_1047 = arith.cmpi sge, %sub3A_1044, %ge3A_1046 : vector<16xi32>
    %jit3A_1048 = arith.constant 253952 : i32
    %jit3A_1049 = arith.constant 0 : i32
    %broadcast_in_dim3A_1050 = vector.broadcast %jit3A_1048 : i32 to vector<16xi32>
    %broadcast_in_dim3A_1051 = vector.broadcast %jit3A_1049 : i32 to vector<16xi32>
    %select_n3A_1052 = arith.select %ge3A_1047, %broadcast_in_dim3A_1050, %broadcast_in_dim3A_1051 : vector<16xi1>, vector<16xi32>
    %sub3A_1053 = arith.subi %sub3A_1044, %select_n3A_1052 : vector<16xi32>
    %swap3A_1054 = arith.constant 3 : i32
    %swap3A_1055 = arith.index_cast %swap3A_1054 : i32 to index
    %swap3A_1056 = arith.constant 48 : index
    %swap3A_1057 = tpu.vector_load %arg6[%swap3A_1055, %swap3A_1056] {strides = array<i32>} : memref<4x128xi32, #tpu.memory_space<vmem>>, vector<1x16xi32>,
    %swap3A_1058 = vector.shape_cast %swap3A_1057 : vector<1x16xi32> to vector<16xi32>
    %swap3A_1059 = vector.shape_cast %sub3A_1053 : vector<16xi32> to vector<1x16xi32>
    tpu.vector_store %arg6[%swap3A_1055, %swap3A_1056], %swap3A_1059 {strides = array<i32>} : memref<4x128xi32, #tpu.memory_space<vmem>>, vector<1x16xi32>,
    %get3A_1060 = arith.constant 3 : i32
    %get3A_1061 = arith.index_cast %get3A_1060 : i32 to index
    %get3A_1062 = arith.constant 64 : index
    %get3A_1063 = tpu.vector_load %arg5[%get3A_1061, %get3A_1062] {strides = array<i32>} : memref<4x128xi32, #tpu.memory_space<vmem>>, vector<1x16xi32>,
    %get3A_1064 = vector.shape_cast %get3A_1063 : vector<1x16xi32> to vector<16xi32>
    %ge3A_1065 = arith.constant 253952 : i32
    %ge3A_1066 = vector.broadcast %ge3A_1065 : i32 to vector<16xi32>
    %ge3A_1067 = arith.cmpi sge, %get3A_1064, %ge3A_1066 : vector<16xi32>
    %jit3A_1068 = arith.constant 253952 : i32
    %jit3A_1069 = arith.constant 0 : i32
    %broadcast_in_dim3A_1070 = vector.broadcast %jit3A_1068 : i32 to vector<16xi32>
    %broadcast_in_dim3A_1071 = vector.broadcast %jit3A_1069 : i32 to vector<16xi32>
    %select_n3A_1072 = arith.select %ge3A_1067, %broadcast_in_dim3A_1070, %broadcast_in_dim3A_1071 : vector<16xi1>, vector<16xi32>
    %sub3A_1073 = arith.subi %get3A_1064, %select_n3A_1072 : vector<16xi32>
    %ge3A_1074 = arith.constant 253952 : i32
    %ge3A_1075 = vector.broadcast %ge3A_1074 : i32 to vector<16xi32>
    %ge3A_1076 = arith.cmpi sge, %sub3A_1073, %ge3A_1075 : vector<16xi32>
    %jit3A_1077 = arith.constant 253952 : i32
    %jit3A_1078 = arith.constant 0 : i32
    %broadcast_in_dim3A_1079 = vector.broadcast %jit3A_1077 : i32 to vector<16xi32>
    %broadcast_in_dim3A_1080 = vector.broadcast %jit3A_1078 : i32 to vector<16xi32>
    %select_n3A_1081 = arith.select %ge3A_1076, %broadcast_in_dim3A_1079, %broadcast_in_dim3A_1080 : vector<16xi1>, vector<16xi32>
    %sub3A_1082 = arith.subi %sub3A_1073, %select_n3A_1081 : vector<16xi32>
    %ge3A_1083 = arith.constant 253952 : i32
    %ge3A_1084 = vector.broadcast %ge3A_1083 : i32 to vector<16xi32>
    %ge3A_1085 = arith.cmpi sge, %sub3A_1082, %ge3A_1084 : vector<16xi32>
    %jit3A_1086 = arith.constant 253952 : i32
    %jit3A_1087 = arith.constant 0 : i32
    %broadcast_in_dim3A_1088 = vector.broadcast %jit3A_1086 : i32 to vector<16xi32>
    %broadcast_in_dim3A_1089 = vector.broadcast %jit3A_1087 : i32 to vector<16xi32>
    %select_n3A_1090 = arith.select %ge3A_1085, %broadcast_in_dim3A_1088, %broadcast_in_dim3A_1089 : vector<16xi1>, vector<16xi32>
    %sub3A_1091 = arith.subi %sub3A_1082, %select_n3A_1090 : vector<16xi32>
    %swap3A_1092 = arith.constant 3 : i32
    %swap3A_1093 = arith.index_cast %swap3A_1092 : i32 to index
    %swap3A_1094 = arith.constant 64 : index
    %swap3A_1095 = tpu.vector_load %arg6[%swap3A_1093, %swap3A_1094] {strides = array<i32>} : memref<4x128xi32, #tpu.memory_space<vmem>>, vector<1x16xi32>,
    %swap3A_1096 = vector.shape_cast %swap3A_1095 : vector<1x16xi32> to vector<16xi32>
    %swap3A_1097 = vector.shape_cast %sub3A_1091 : vector<16xi32> to vector<1x16xi32>
    tpu.vector_store %arg6[%swap3A_1093, %swap3A_1094], %swap3A_1097 {strides = array<i32>} : memref<4x128xi32, #tpu.memory_space<vmem>>, vector<1x16xi32>,
    %get3A_1098 = arith.constant 3 : i32
    %get3A_1099 = arith.index_cast %get3A_1098 : i32 to index
    %get3A_1100 = arith.constant 80 : index
    %get3A_1101 = tpu.vector_load %arg5[%get3A_1099, %get3A_1100] {strides = array<i32>} : memref<4x128xi32, #tpu.memory_space<vmem>>, vector<1x16xi32>,
    %get3A_1102 = vector.shape_cast %get3A_1101 : vector<1x16xi32> to vector<16xi32>
    %ge3A_1103 = arith.constant 253952 : i32
    %ge3A_1104 = vector.broadcast %ge3A_1103 : i32 to vector<16xi32>
    %ge3A_1105 = arith.cmpi sge, %get3A_1102, %ge3A_1104 : vector<16xi32>
    %jit3A_1106 = arith.constant 253952 : i32
    %jit3A_1107 = arith.constant 0 : i32
    %broadcast_in_dim3A_1108 = vector.broadcast %jit3A_1106 : i32 to vector<16xi32>
    %broadcast_in_dim3A_1109 = vector.broadcast %jit3A_1107 : i32 to vector<16xi32>
    %select_n3A_1110 = arith.select %ge3A_1105, %broadcast_in_dim3A_1108, %broadcast_in_dim3A_1109 : vector<16xi1>, vector<16xi32>
    %sub3A_1111 = arith.subi %get3A_1102, %select_n3A_1110 : vector<16xi32>
    %ge3A_1112 = arith.constant 253952 : i32
    %ge3A_1113 = vector.broadcast %ge3A_1112 : i32 to vector<16xi32>
    %ge3A_1114 = arith.cmpi sge, %sub3A_1111, %ge3A_1113 : vector<16xi32>
    %jit3A_1115 = arith.constant 253952 : i32
    %jit3A_1116 = arith.constant 0 : i32
    %broadcast_in_dim3A_1117 = vector.broadcast %jit3A_1115 : i32 to vector<16xi32>
    %broadcast_in_dim3A_1118 = vector.broadcast %jit3A_1116 : i32 to vector<16xi32>
    %select_n3A_1119 = arith.select %ge3A_1114, %broadcast_in_dim3A_1117, %broadcast_in_dim3A_1118 : vector<16xi1>, vector<16xi32>
    %sub3A_1120 = arith.subi %sub3A_1111, %select_n3A_1119 : vector<16xi32>
    %ge3A_1121 = arith.constant 253952 : i32
    %ge3A_1122 = vector.broadcast %ge3A_1121 : i32 to vector<16xi32>
    %ge3A_1123 = arith.cmpi sge, %sub3A_1120, %ge3A_1122 : vector<16xi32>
    %jit3A_1124 = arith.constant 253952 : i32
    %jit3A_1125 = arith.constant 0 : i32
    %broadcast_in_dim3A_1126 = vector.broadcast %jit3A_1124 : i32 to vector<16xi32>
    %broadcast_in_dim3A_1127 = vector.broadcast %jit3A_1125 : i32 to vector<16xi32>
    %select_n3A_1128 = arith.select %ge3A_1123, %broadcast_in_dim3A_1126, %broadcast_in_dim3A_1127 : vector<16xi1>, vector<16xi32>
    %sub3A_1129 = arith.subi %sub3A_1120, %select_n3A_1128 : vector<16xi32>
    %swap3A_1130 = arith.constant 3 : i32
    %swap3A_1131 = arith.index_cast %swap3A_1130 : i32 to index
    %swap3A_1132 = arith.constant 80 : index
    %swap3A_1133 = tpu.vector_load %arg6[%swap3A_1131, %swap3A_1132] {strides = array<i32>} : memref<4x128xi32, #tpu.memory_space<vmem>>, vector<1x16xi32>,
    %swap3A_1134 = vector.shape_cast %swap3A_1133 : vector<1x16xi32> to vector<16xi32>
    %swap3A_1135 = vector.shape_cast %sub3A_1129 : vector<16xi32> to vector<1x16xi32>
    tpu.vector_store %arg6[%swap3A_1131, %swap3A_1132], %swap3A_1135 {strides = array<i32>} : memref<4x128xi32, #tpu.memory_space<vmem>>, vector<1x16xi32>,
    %get3A_1136 = arith.constant 3 : i32
    %get3A_1137 = arith.index_cast %get3A_1136 : i32 to index
    %get3A_1138 = arith.constant 96 : index
    %get3A_1139 = tpu.vector_load %arg5[%get3A_1137, %get3A_1138] {strides = array<i32>} : memref<4x128xi32, #tpu.memory_space<vmem>>, vector<1x16xi32>,
    %get3A_1140 = vector.shape_cast %get3A_1139 : vector<1x16xi32> to vector<16xi32>
    %ge3A_1141 = arith.constant 253952 : i32
    %ge3A_1142 = vector.broadcast %ge3A_1141 : i32 to vector<16xi32>
    %ge3A_1143 = arith.cmpi sge, %get3A_1140, %ge3A_1142 : vector<16xi32>
    %jit3A_1144 = arith.constant 253952 : i32
    %jit3A_1145 = arith.constant 0 : i32
    %broadcast_in_dim3A_1146 = vector.broadcast %jit3A_1144 : i32 to vector<16xi32>
    %broadcast_in_dim3A_1147 = vector.broadcast %jit3A_1145 : i32 to vector<16xi32>
    %select_n3A_1148 = arith.select %ge3A_1143, %broadcast_in_dim3A_1146, %broadcast_in_dim3A_1147 : vector<16xi1>, vector<16xi32>
    %sub3A_1149 = arith.subi %get3A_1140, %select_n3A_1148 : vector<16xi32>
    %ge3A_1150 = arith.constant 253952 : i32
    %ge3A_1151 = vector.broadcast %ge3A_1150 : i32 to vector<16xi32>
    %ge3A_1152 = arith.cmpi sge, %sub3A_1149, %ge3A_1151 : vector<16xi32>
    %jit3A_1153 = arith.constant 253952 : i32
    %jit3A_1154 = arith.constant 0 : i32
    %broadcast_in_dim3A_1155 = vector.broadcast %jit3A_1153 : i32 to vector<16xi32>
    %broadcast_in_dim3A_1156 = vector.broadcast %jit3A_1154 : i32 to vector<16xi32>
    %select_n3A_1157 = arith.select %ge3A_1152, %broadcast_in_dim3A_1155, %broadcast_in_dim3A_1156 : vector<16xi1>, vector<16xi32>
    %sub3A_1158 = arith.subi %sub3A_1149, %select_n3A_1157 : vector<16xi32>
    %ge3A_1159 = arith.constant 253952 : i32
    %ge3A_1160 = vector.broadcast %ge3A_1159 : i32 to vector<16xi32>
    %ge3A_1161 = arith.cmpi sge, %sub3A_1158, %ge3A_1160 : vector<16xi32>
    %jit3A_1162 = arith.constant 253952 : i32
    %jit3A_1163 = arith.constant 0 : i32
    %broadcast_in_dim3A_1164 = vector.broadcast %jit3A_1162 : i32 to vector<16xi32>
    %broadcast_in_dim3A_1165 = vector.broadcast %jit3A_1163 : i32 to vector<16xi32>
    %select_n3A_1166 = arith.select %ge3A_1161, %broadcast_in_dim3A_1164, %broadcast_in_dim3A_1165 : vector<16xi1>, vector<16xi32>
    %sub3A_1167 = arith.subi %sub3A_1158, %select_n3A_1166 : vector<16xi32>
    %swap3A_1168 = arith.constant 3 : i32
    %swap3A_1169 = arith.index_cast %swap3A_1168 : i32 to index
    %swap3A_1170 = arith.constant 96 : index
    %swap3A_1171 = tpu.vector_load %arg6[%swap3A_1169, %swap3A_1170] {strides = array<i32>} : memref<4x128xi32, #tpu.memory_space<vmem>>, vector<1x16xi32>,
    %swap3A_1172 = vector.shape_cast %swap3A_1171 : vector<1x16xi32> to vector<16xi32>
    %swap3A_1173 = vector.shape_cast %sub3A_1167 : vector<16xi32> to vector<1x16xi32>
    tpu.vector_store %arg6[%swap3A_1169, %swap3A_1170], %swap3A_1173 {strides = array<i32>} : memref<4x128xi32, #tpu.memory_space<vmem>>, vector<1x16xi32>,
    %get3A_1174 = arith.constant 3 : i32
    %get3A_1175 = arith.index_cast %get3A_1174 : i32 to index
    %get3A_1176 = arith.constant 112 : index
    %get3A_1177 = tpu.vector_load %arg5[%get3A_1175, %get3A_1176] {strides = array<i32>} : memref<4x128xi32, #tpu.memory_space<vmem>>, vector<1x16xi32>,
    %get3A_1178 = vector.shape_cast %get3A_1177 : vector<1x16xi32> to vector<16xi32>
    %ge3A_1179 = arith.constant 253952 : i32
    %ge3A_1180 = vector.broadcast %ge3A_1179 : i32 to vector<16xi32>
    %ge3A_1181 = arith.cmpi sge, %get3A_1178, %ge3A_1180 : vector<16xi32>
    %jit3A_1182 = arith.constant 253952 : i32
    %jit3A_1183 = arith.constant 0 : i32
    %broadcast_in_dim3A_1184 = vector.broadcast %jit3A_1182 : i32 to vector<16xi32>
    %broadcast_in_dim3A_1185 = vector.broadcast %jit3A_1183 : i32 to vector<16xi32>
    %select_n3A_1186 = arith.select %ge3A_1181, %broadcast_in_dim3A_1184, %broadcast_in_dim3A_1185 : vector<16xi1>, vector<16xi32>
    %sub3A_1187 = arith.subi %get3A_1178, %select_n3A_1186 : vector<16xi32>
    %ge3A_1188 = arith.constant 253952 : i32
    %ge3A_1189 = vector.broadcast %ge3A_1188 : i32 to vector<16xi32>
    %ge3A_1190 = arith.cmpi sge, %sub3A_1187, %ge3A_1189 : vector<16xi32>
    %jit3A_1191 = arith.constant 253952 : i32
    %jit3A_1192 = arith.constant 0 : i32
    %broadcast_in_dim3A_1193 = vector.broadcast %jit3A_1191 : i32 to vector<16xi32>
    %broadcast_in_dim3A_1194 = vector.broadcast %jit3A_1192 : i32 to vector<16xi32>
    %select_n3A_1195 = arith.select %ge3A_1190, %broadcast_in_dim3A_1193, %broadcast_in_dim3A_1194 : vector<16xi1>, vector<16xi32>
    %sub3A_1196 = arith.subi %sub3A_1187, %select_n3A_1195 : vector<16xi32>
    %ge3A_1197 = arith.constant 253952 : i32
    %ge3A_1198 = vector.broadcast %ge3A_1197 : i32 to vector<16xi32>
    %ge3A_1199 = arith.cmpi sge, %sub3A_1196, %ge3A_1198 : vector<16xi32>
    %jit3A_1200 = arith.constant 253952 : i32
    %jit3A_1201 = arith.constant 0 : i32
    %broadcast_in_dim3A_1202 = vector.broadcast %jit3A_1200 : i32 to vector<16xi32>
    %broadcast_in_dim3A_1203 = vector.broadcast %jit3A_1201 : i32 to vector<16xi32>
    %select_n3A_1204 = arith.select %ge3A_1199, %broadcast_in_dim3A_1202, %broadcast_in_dim3A_1203 : vector<16xi1>, vector<16xi32>
    %sub3A_1205 = arith.subi %sub3A_1196, %select_n3A_1204 : vector<16xi32>
    %swap3A_1206 = arith.constant 3 : i32
    %swap3A_1207 = arith.index_cast %swap3A_1206 : i32 to index
    %swap3A_1208 = arith.constant 112 : index
    %swap3A_1209 = tpu.vector_load %arg6[%swap3A_1207, %swap3A_1208] {strides = array<i32>} : memref<4x128xi32, #tpu.memory_space<vmem>>, vector<1x16xi32>,
    %swap3A_1210 = vector.shape_cast %swap3A_1209 : vector<1x16xi32> to vector<16xi32>
    %swap3A_1211 = vector.shape_cast %sub3A_1205 : vector<16xi32> to vector<1x16xi32>
    tpu.vector_store %arg6[%swap3A_1207, %swap3A_1208], %swap3A_1211 {strides = array<i32>} : memref<4x128xi32, #tpu.memory_space<vmem>>, vector<1x16xi32>,
    %dma_start3A = arith.constant 0 : i32
    %dma_start3A_1212 = arith.constant 0 : i32
    %dma_start3A_1213 = arith.constant 0 : i32
    %dma_start3A_1214 = tpu.memref_slice %arg7[%dma_start3A_1212, %dma_start3A_1213] : memref<512x128xf32, #tpu.memory_space<vmem>> -> memref<128x128xf32, #tpu.memory_space<vmem>>
    %dma_start3A_1215 = arith.constant 0 : i32
    %dma_start3A_1216 = tpu.memref_slice %arg6[%dma_start3A, %dma_start3A_1215] : memref<4x128xi32, #tpu.memory_space<vmem>> -> memref<1x128xi32, #tpu.memory_space<vmem>>
    %dma_start3A_1217 = tpu.memref_squeeze %dma_start3A_1216 : memref<1x128xi32, #tpu.memory_space<vmem>> -> memref<128xi32, #tpu.memory_space<vmem>>
    %dma_start3A_1218 = arith.constant 0 : i32
    %dma_start3A_1219 = arith.constant 0 : i32
    %dma_start3A_1220 = tpu.memref_slice %arg3[%dma_start3A_1218, %dma_start3A_1219] : memref<253952x128xf32, #tpu.memory_space<hbm>> -> memref<253952x128xf32, #tpu.memory_space<hbm>>
    tpu.enqueue_indirect_dma source(%dma_start3A_1220 : memref<253952x128xf32, #tpu.memory_space<hbm>>) target(%dma_start3A_1214 : memref<128x128xf32, #tpu.memory_space<vmem>>) offsets(%dma_start3A_1217 : memref<128xi32, #tpu.memory_space<vmem>>) semaphore(%arg8 : memref<!tpu.dma_semaphore, #tpu.memory_space<semaphore_mem>>)
    %dma_start3A_1221 = arith.constant 1 : i32
    %dma_start3A_1222 = arith.constant 128 : i32
    %dma_start3A_1223 = arith.constant 0 : i32
    %dma_start3A_1224 = tpu.memref_slice %arg7[%dma_start3A_1222, %dma_start3A_1223] : memref<512x128xf32, #tpu.memory_space<vmem>> -> memref<128x128xf32, #tpu.memory_space<vmem>>
    %dma_start3A_1225 = arith.constant 0 : i32
    %dma_start3A_1226 = tpu.memref_slice %arg6[%dma_start3A_1221, %dma_start3A_1225] : memref<4x128xi32, #tpu.memory_space<vmem>> -> memref<1x128xi32, #tpu.memory_space<vmem>>
    %dma_start3A_1227 = tpu.memref_squeeze %dma_start3A_1226 : memref<1x128xi32, #tpu.memory_space<vmem>> -> memref<128xi32, #tpu.memory_space<vmem>>
    %dma_start3A_1228 = arith.constant 0 : i32
    %dma_start3A_1229 = arith.constant 0 : i32
    %dma_start3A_1230 = tpu.memref_slice %arg3[%dma_start3A_1228, %dma_start3A_1229] : memref<253952x128xf32, #tpu.memory_space<hbm>> -> memref<253952x128xf32, #tpu.memory_space<hbm>>
    tpu.enqueue_indirect_dma source(%dma_start3A_1230 : memref<253952x128xf32, #tpu.memory_space<hbm>>) target(%dma_start3A_1224 : memref<128x128xf32, #tpu.memory_space<vmem>>) offsets(%dma_start3A_1227 : memref<128xi32, #tpu.memory_space<vmem>>) semaphore(%arg8 : memref<!tpu.dma_semaphore, #tpu.memory_space<semaphore_mem>>)
    %dma_start3A_1231 = arith.constant 2 : i32
    %dma_start3A_1232 = arith.constant 256 : i32
    %dma_start3A_1233 = arith.constant 0 : i32
    %dma_start3A_1234 = tpu.memref_slice %arg7[%dma_start3A_1232, %dma_start3A_1233] : memref<512x128xf32, #tpu.memory_space<vmem>> -> memref<128x128xf32, #tpu.memory_space<vmem>>
    %dma_start3A_1235 = arith.constant 0 : i32
    %dma_start3A_1236 = tpu.memref_slice %arg6[%dma_start3A_1231, %dma_start3A_1235] : memref<4x128xi32, #tpu.memory_space<vmem>> -> memref<1x128xi32, #tpu.memory_space<vmem>>
    %dma_start3A_1237 = tpu.memref_squeeze %dma_start3A_1236 : memref<1x128xi32, #tpu.memory_space<vmem>> -> memref<128xi32, #tpu.memory_space<vmem>>
    %dma_start3A_1238 = arith.constant 0 : i32
    %dma_start3A_1239 = arith.constant 0 : i32
    %dma_start3A_1240 = tpu.memref_slice %arg3[%dma_start3A_1238, %dma_start3A_1239] : memref<253952x128xf32, #tpu.memory_space<hbm>> -> memref<253952x128xf32, #tpu.memory_space<hbm>>
    tpu.enqueue_indirect_dma source(%dma_start3A_1240 : memref<253952x128xf32, #tpu.memory_space<hbm>>) target(%dma_start3A_1234 : memref<128x128xf32, #tpu.memory_space<vmem>>) offsets(%dma_start3A_1237 : memref<128xi32, #tpu.memory_space<vmem>>) semaphore(%arg8 : memref<!tpu.dma_semaphore, #tpu.memory_space<semaphore_mem>>)
    %dma_start3A_1241 = arith.constant 3 : i32
    %dma_start3A_1242 = arith.constant 384 : i32
    %dma_start3A_1243 = arith.constant 0 : i32
    %dma_start3A_1244 = tpu.memref_slice %arg7[%dma_start3A_1242, %dma_start3A_1243] : memref<512x128xf32, #tpu.memory_space<vmem>> -> memref<128x128xf32, #tpu.memory_space<vmem>>
    %dma_start3A_1245 = arith.constant 0 : i32
    %dma_start3A_1246 = tpu.memref_slice %arg6[%dma_start3A_1241, %dma_start3A_1245] : memref<4x128xi32, #tpu.memory_space<vmem>> -> memref<1x128xi32, #tpu.memory_space<vmem>>
    %dma_start3A_1247 = tpu.memref_squeeze %dma_start3A_1246 : memref<1x128xi32, #tpu.memory_space<vmem>> -> memref<128xi32, #tpu.memory_space<vmem>>
    %dma_start3A_1248 = arith.constant 0 : i32
    %dma_start3A_1249 = arith.constant 0 : i32
    %dma_start3A_1250 = tpu.memref_slice %arg3[%dma_start3A_1248, %dma_start3A_1249] : memref<253952x128xf32, #tpu.memory_space<hbm>> -> memref<253952x128xf32, #tpu.memory_space<hbm>>
    tpu.enqueue_indirect_dma source(%dma_start3A_1250 : memref<253952x128xf32, #tpu.memory_space<hbm>>) target(%dma_start3A_1244 : memref<128x128xf32, #tpu.memory_space<vmem>>) offsets(%dma_start3A_1247 : memref<128xi32, #tpu.memory_space<vmem>>) semaphore(%arg8 : memref<!tpu.dma_semaphore, #tpu.memory_space<semaphore_mem>>)
    %dma_wait3A = arith.constant 0 : i32
    %dma_wait3A_1251 = arith.constant 0 : i32
    %dma_wait3A_1252 = arith.constant 0 : i32
    %dma_wait3A_1253 = tpu.memref_slice %arg7[%dma_wait3A_1251, %dma_wait3A_1252] : memref<512x128xf32, #tpu.memory_space<vmem>> -> memref<128x128xf32, #tpu.memory_space<vmem>>
    %dma_wait3A_1254 = arith.constant 0 : i32
    %dma_wait3A_1255 = tpu.memref_slice %arg6[%dma_wait3A, %dma_wait3A_1254] : memref<4x128xi32, #tpu.memory_space<vmem>> -> memref<1x128xi32, #tpu.memory_space<vmem>>
    %dma_wait3A_1256 = tpu.memref_squeeze %dma_wait3A_1255 : memref<1x128xi32, #tpu.memory_space<vmem>> -> memref<128xi32, #tpu.memory_space<vmem>>
    %dma_wait3A_1257 = arith.constant 0 : i32
    %dma_wait3A_1258 = arith.constant 0 : i32
    %dma_wait3A_1259 = tpu.memref_slice %arg3[%dma_wait3A_1257, %dma_wait3A_1258] : memref<253952x128xf32, #tpu.memory_space<hbm>> -> memref<253952x128xf32, #tpu.memory_space<hbm>>
    tpu.wait_indirect_dma semaphore(%arg8 : memref<!tpu.dma_semaphore, #tpu.memory_space<semaphore_mem>>) src(%dma_wait3A_1259 : memref<253952x128xf32, #tpu.memory_space<hbm>>) dst(%dma_wait3A_1253 : memref<128x128xf32, #tpu.memory_space<vmem>>)
    %dma_wait3A_1260 = arith.constant 1 : i32
    %dma_wait3A_1261 = arith.constant 128 : i32
    %dma_wait3A_1262 = arith.constant 0 : i32
    %dma_wait3A_1263 = tpu.memref_slice %arg7[%dma_wait3A_1261, %dma_wait3A_1262] : memref<512x128xf32, #tpu.memory_space<vmem>> -> memref<128x128xf32, #tpu.memory_space<vmem>>
    %dma_wait3A_1264 = arith.constant 0 : i32
    %dma_wait3A_1265 = tpu.memref_slice %arg6[%dma_wait3A_1260, %dma_wait3A_1264] : memref<4x128xi32, #tpu.memory_space<vmem>> -> memref<1x128xi32, #tpu.memory_space<vmem>>
    %dma_wait3A_1266 = tpu.memref_squeeze %dma_wait3A_1265 : memref<1x128xi32, #tpu.memory_space<vmem>> -> memref<128xi32, #tpu.memory_space<vmem>>
    %dma_wait3A_1267 = arith.constant 0 : i32
    %dma_wait3A_1268 = arith.constant 0 : i32
    %dma_wait3A_1269 = tpu.memref_slice %arg3[%dma_wait3A_1267, %dma_wait3A_1268] : memref<253952x128xf32, #tpu.memory_space<hbm>> -> memref<253952x128xf32, #tpu.memory_space<hbm>>
    tpu.wait_indirect_dma semaphore(%arg8 : memref<!tpu.dma_semaphore, #tpu.memory_space<semaphore_mem>>) src(%dma_wait3A_1269 : memref<253952x128xf32, #tpu.memory_space<hbm>>) dst(%dma_wait3A_1263 : memref<128x128xf32, #tpu.memory_space<vmem>>)
    %dma_wait3A_1270 = arith.constant 2 : i32
    %dma_wait3A_1271 = arith.constant 256 : i32
    %dma_wait3A_1272 = arith.constant 0 : i32
    %dma_wait3A_1273 = tpu.memref_slice %arg7[%dma_wait3A_1271, %dma_wait3A_1272] : memref<512x128xf32, #tpu.memory_space<vmem>> -> memref<128x128xf32, #tpu.memory_space<vmem>>
    %dma_wait3A_1274 = arith.constant 0 : i32
    %dma_wait3A_1275 = tpu.memref_slice %arg6[%dma_wait3A_1270, %dma_wait3A_1274] : memref<4x128xi32, #tpu.memory_space<vmem>> -> memref<1x128xi32, #tpu.memory_space<vmem>>
    %dma_wait3A_1276 = tpu.memref_squeeze %dma_wait3A_1275 : memref<1x128xi32, #tpu.memory_space<vmem>> -> memref<128xi32, #tpu.memory_space<vmem>>
    %dma_wait3A_1277 = arith.constant 0 : i32
    %dma_wait3A_1278 = arith.constant 0 : i32
    %dma_wait3A_1279 = tpu.memref_slice %arg3[%dma_wait3A_1277, %dma_wait3A_1278] : memref<253952x128xf32, #tpu.memory_space<hbm>> -> memref<253952x128xf32, #tpu.memory_space<hbm>>
    tpu.wait_indirect_dma semaphore(%arg8 : memref<!tpu.dma_semaphore, #tpu.memory_space<semaphore_mem>>) src(%dma_wait3A_1279 : memref<253952x128xf32, #tpu.memory_space<hbm>>) dst(%dma_wait3A_1273 : memref<128x128xf32, #tpu.memory_space<vmem>>)
    %dma_wait3A_1280 = arith.constant 3 : i32
    %dma_wait3A_1281 = arith.constant 384 : i32
    %dma_wait3A_1282 = arith.constant 0 : i32
    %dma_wait3A_1283 = tpu.memref_slice %arg7[%dma_wait3A_1281, %dma_wait3A_1282] : memref<512x128xf32, #tpu.memory_space<vmem>> -> memref<128x128xf32, #tpu.memory_space<vmem>>
    %dma_wait3A_1284 = arith.constant 0 : i32
    %dma_wait3A_1285 = tpu.memref_slice %arg6[%dma_wait3A_1280, %dma_wait3A_1284] : memref<4x128xi32, #tpu.memory_space<vmem>> -> memref<1x128xi32, #tpu.memory_space<vmem>>
    %dma_wait3A_1286 = tpu.memref_squeeze %dma_wait3A_1285 : memref<1x128xi32, #tpu.memory_space<vmem>> -> memref<128xi32, #tpu.memory_space<vmem>>
    %dma_wait3A_1287 = arith.constant 0 : i32
    %dma_wait3A_1288 = arith.constant 0 : i32
    %dma_wait3A_1289 = tpu.memref_slice %arg3[%dma_wait3A_1287, %dma_wait3A_1288] : memref<253952x128xf32, #tpu.memory_space<hbm>> -> memref<253952x128xf32, #tpu.memory_space<hbm>>
    tpu.wait_indirect_dma semaphore(%arg8 : memref<!tpu.dma_semaphore, #tpu.memory_space<semaphore_mem>>) src(%dma_wait3A_1289 : memref<253952x128xf32, #tpu.memory_space<hbm>>) dst(%dma_wait3A_1283 : memref<128x128xf32, #tpu.memory_space<vmem>>)
    "tpu.region"() ({
      %run_scoped3A = tpu.sem_alloc : memref<!tpu.dma_semaphore, #tpu.memory_space<semaphore_mem>>
      %dma_start3A_1290 = arith.constant 0 : i32
      %dma_start3A_1291 = tpu.memref_slice %arg4[%mul3A_2, %dma_start3A_1290] : memref<16384x128xf32, #tpu.memory_space<hbm>> -> memref<512x128xf32, #tpu.memory_space<hbm>>
      %dma_start3A_1292 = arith.constant 0 : i32
      %dma_start3A_1293 = tpu.memref_slice %arg4[%mul3A_2, %dma_start3A_1292] : memref<16384x128xf32, #tpu.memory_space<hbm>> -> memref<512x128xf32, #tpu.memory_space<hbm>>
      tpu.enqueue_dma source(%arg7 : memref<512x128xf32, #tpu.memory_space<vmem>>) target(%dma_start3A_1293 : memref<512x128xf32, #tpu.memory_space<hbm>>) target_semaphore(%run_scoped3A : memref<!tpu.dma_semaphore, #tpu.memory_space<semaphore_mem>>)
      %dma_wait3A_1294 = arith.constant 0 : i32
      %dma_wait3A_1295 = tpu.memref_slice %arg4[%mul3A_2, %dma_wait3A_1294] : memref<16384x128xf32, #tpu.memory_space<hbm>> -> memref<512x128xf32, #tpu.memory_space<hbm>>
      %dma_wait3A_1296 = arith.constant 0 : i32
      %dma_wait3A_1297 = tpu.memref_slice %arg4[%mul3A_2, %dma_wait3A_1296] : memref<16384x128xf32, #tpu.memory_space<hbm>> -> memref<512x128xf32, #tpu.memory_space<hbm>>
      tpu.wait_dma2 semaphore(%run_scoped3A : memref<!tpu.dma_semaphore, #tpu.memory_space<semaphore_mem>>) src(%arg7 : memref<512x128xf32, #tpu.memory_space<vmem>>) dst(%dma_wait3A_1297 : memref<512x128xf32, #tpu.memory_space<hbm>>)
      tpu.yield
    }) : () -> ()
    return
  }
}

#map = affine_map<(d0, d1) -> (0, 0, 0)>
#map1 = affine_map<(d0, d1) -> (0, 0)>
module attributes {stable_mosaic.version = 14 : i64} {
  func.func @gather_kernel(%arg0: i32, %arg1: i32, %arg2: memref<32x4x128xi32, #tpu.memory_space<hbm>>, %arg3: memref<26624x128xf32, #tpu.memory_space<hbm>>, %arg4: memref<16384x128xf32, #tpu.memory_space<hbm>>, %arg5: memref<4x128xi32, #tpu.memory_space<vmem>>, %arg6: memref<4x128xi32, #tpu.memory_space<vmem>>, %arg7: memref<512x128xf32, #tpu.memory_space<vmem>>, %arg8: memref<!tpu.dma_semaphore, #tpu.memory_space<semaphore_mem>>) attributes {dimension_semantics = [#tpu.dimension_semantics<core_parallel>, #tpu.dimension_semantics<subcore_parallel>], iteration_bounds = array<i64: 2, 16>, scalar_prefetch = 0 : i64, scratch_operands = 4 : i64, tpu.core_type = #tpu.core_type<sc_vector_subcore>, window_params = [{transform_indices = #map}, {transform_indices = #map1}, {transform_indices = #map1}]} {
    %mul3A = arith.constant 2 : i32
    %mul3A_0 = arith.muli %arg1, %mul3A : i32
    %add3A = arith.addi %mul3A_0, %arg0 : i32
    %mul3A_1 = arith.constant 512 : i32
    %mul3A_2 = arith.muli %add3A, %mul3A_1 : i32
    "tpu.region"() ({
      %run_scoped3A = tpu.sem_alloc : memref<!tpu.dma_semaphore, #tpu.memory_space<semaphore_mem>>
      %dma_start3A_1290 = arith.constant 0 : i32
      %dma_start3A_1291 = arith.constant 0 : i32
      %dma_start3A_1292 = tpu.memref_slice %arg2[%add3A, %dma_start3A_1290, %dma_start3A_1291] : memref<32x4x128xi32, #tpu.memory_space<hbm>> -> memref<1x4x128xi32, #tpu.memory_space<hbm>>
      %dma_start3A_1293 = tpu.memref_squeeze %dma_start3A_1292 : memref<1x4x128xi32, #tpu.memory_space<hbm>> -> memref<4x128xi32, #tpu.memory_space<hbm>>
      %dma_start3A_1294 = arith.constant 0 : i32
      %dma_start3A_1295 = arith.constant 0 : i32
      %dma_start3A_1296 = tpu.memref_slice %arg2[%add3A, %dma_start3A_1294, %dma_start3A_1295] : memref<32x4x128xi32, #tpu.memory_space<hbm>> -> memref<1x4x128xi32, #tpu.memory_space<hbm>>
      %dma_start3A_1297 = tpu.memref_squeeze %dma_start3A_1296 : memref<1x4x128xi32, #tpu.memory_space<hbm>> -> memref<4x128xi32, #tpu.memory_space<hbm>>
      tpu.enqueue_dma source(%dma_start3A_1297 : memref<4x128xi32, #tpu.memory_space<hbm>>) target(%arg5 : memref<4x128xi32, #tpu.memory_space<vmem>>) target_semaphore(%run_scoped3A : memref<!tpu.dma_semaphore, #tpu.memory_space<semaphore_mem>>)
      %dma_wait3A_1298 = arith.constant 0 : i32
      %dma_wait3A_1299 = arith.constant 0 : i32
      %dma_wait3A_1300 = tpu.memref_slice %arg2[%add3A, %dma_wait3A_1298, %dma_wait3A_1299] : memref<32x4x128xi32, #tpu.memory_space<hbm>> -> memref<1x4x128xi32, #tpu.memory_space<hbm>>
      %dma_wait3A_1301 = tpu.memref_squeeze %dma_wait3A_1300 : memref<1x4x128xi32, #tpu.memory_space<hbm>> -> memref<4x128xi32, #tpu.memory_space<hbm>>
      %dma_wait3A_1302 = arith.constant 0 : i32
      %dma_wait3A_1303 = arith.constant 0 : i32
      %dma_wait3A_1304 = tpu.memref_slice %arg2[%add3A, %dma_wait3A_1302, %dma_wait3A_1303] : memref<32x4x128xi32, #tpu.memory_space<hbm>> -> memref<1x4x128xi32, #tpu.memory_space<hbm>>
      %dma_wait3A_1305 = tpu.memref_squeeze %dma_wait3A_1304 : memref<1x4x128xi32, #tpu.memory_space<hbm>> -> memref<4x128xi32, #tpu.memory_space<hbm>>
      tpu.wait_dma2 semaphore(%run_scoped3A : memref<!tpu.dma_semaphore, #tpu.memory_space<semaphore_mem>>) src(%dma_wait3A_1305 : memref<4x128xi32, #tpu.memory_space<hbm>>) dst(%arg5 : memref<4x128xi32, #tpu.memory_space<vmem>>)
      tpu.yield
    }) : () -> ()
    %get3A = arith.constant 0 : i32
    %get3A_3 = arith.index_cast %get3A : i32 to index
    %get3A_4 = arith.constant 0 : index
    %get3A_5 = tpu.vector_load %arg5[%get3A_3, %get3A_4] {strides = array<i32>} : memref<4x128xi32, #tpu.memory_space<vmem>>, vector<1x16xi32>,
    %get3A_6 = vector.shape_cast %get3A_5 : vector<1x16xi32> to vector<16xi32>
    %ge3A = arith.constant 26624 : i32
    %ge3A_7 = vector.broadcast %ge3A : i32 to vector<16xi32>
    %ge3A_8 = arith.cmpi sge, %get3A_6, %ge3A_7 : vector<16xi32>
    %jit3A = arith.constant 26624 : i32
    %jit3A_9 = arith.constant 0 : i32
    %broadcast_in_dim3A = vector.broadcast %jit3A : i32 to vector<16xi32>
    %broadcast_in_dim3A_10 = vector.broadcast %jit3A_9 : i32 to vector<16xi32>
    %select_n3A = arith.select %ge3A_8, %broadcast_in_dim3A, %broadcast_in_dim3A_10 : vector<16xi1>, vector<16xi32>
    %sub3A = arith.subi %get3A_6, %select_n3A : vector<16xi32>
    %ge3A_11 = arith.constant 26624 : i32
    %ge3A_12 = vector.broadcast %ge3A_11 : i32 to vector<16xi32>
    %ge3A_13 = arith.cmpi sge, %sub3A, %ge3A_12 : vector<16xi32>
    %jit3A_14 = arith.constant 26624 : i32
    %jit3A_15 = arith.constant 0 : i32
    %broadcast_in_dim3A_16 = vector.broadcast %jit3A_14 : i32 to vector<16xi32>
    %broadcast_in_dim3A_17 = vector.broadcast %jit3A_15 : i32 to vector<16xi32>
    %select_n3A_18 = arith.select %ge3A_13, %broadcast_in_dim3A_16, %broadcast_in_dim3A_17 : vector<16xi1>, vector<16xi32>
    %sub3A_19 = arith.subi %sub3A, %select_n3A_18 : vector<16xi32>
    %ge3A_20 = arith.constant 26624 : i32
    %ge3A_21 = vector.broadcast %ge3A_20 : i32 to vector<16xi32>
    %ge3A_22 = arith.cmpi sge, %sub3A_19, %ge3A_21 : vector<16xi32>
    %jit3A_23 = arith.constant 26624 : i32
    %jit3A_24 = arith.constant 0 : i32
    %broadcast_in_dim3A_25 = vector.broadcast %jit3A_23 : i32 to vector<16xi32>
    %broadcast_in_dim3A_26 = vector.broadcast %jit3A_24 : i32 to vector<16xi32>
    %select_n3A_27 = arith.select %ge3A_22, %broadcast_in_dim3A_25, %broadcast_in_dim3A_26 : vector<16xi1>, vector<16xi32>
    %sub3A_28 = arith.subi %sub3A_19, %select_n3A_27 : vector<16xi32>
    %swap3A = arith.constant 0 : i32
    %swap3A_29 = arith.index_cast %swap3A : i32 to index
    %swap3A_30 = arith.constant 0 : index
    %swap3A_31 = tpu.vector_load %arg6[%swap3A_29, %swap3A_30] {strides = array<i32>} : memref<4x128xi32, #tpu.memory_space<vmem>>, vector<1x16xi32>,
    %swap3A_32 = vector.shape_cast %swap3A_31 : vector<1x16xi32> to vector<16xi32>
    %swap3A_33 = vector.shape_cast %sub3A_28 : vector<16xi32> to vector<1x16xi32>
    tpu.vector_store %arg6[%swap3A_29, %swap3A_30], %swap3A_33 {strides = array<i32>} : memref<4x128xi32, #tpu.memory_space<vmem>>, vector<1x16xi32>,
    %get3A_34 = arith.constant 0 : i32
    %get3A_35 = arith.index_cast %get3A_34 : i32 to index
    %get3A_36 = arith.constant 16 : index
    %get3A_37 = tpu.vector_load %arg5[%get3A_35, %get3A_36] {strides = array<i32>} : memref<4x128xi32, #tpu.memory_space<vmem>>, vector<1x16xi32>,
    %get3A_38 = vector.shape_cast %get3A_37 : vector<1x16xi32> to vector<16xi32>
    %ge3A_39 = arith.constant 26624 : i32
    %ge3A_40 = vector.broadcast %ge3A_39 : i32 to vector<16xi32>
    %ge3A_41 = arith.cmpi sge, %get3A_38, %ge3A_40 : vector<16xi32>
    %jit3A_42 = arith.constant 26624 : i32
    %jit3A_43 = arith.constant 0 : i32
    %broadcast_in_dim3A_44 = vector.broadcast %jit3A_42 : i32 to vector<16xi32>
    %broadcast_in_dim3A_45 = vector.broadcast %jit3A_43 : i32 to vector<16xi32>
    %select_n3A_46 = arith.select %ge3A_41, %broadcast_in_dim3A_44, %broadcast_in_dim3A_45 : vector<16xi1>, vector<16xi32>
    %sub3A_47 = arith.subi %get3A_38, %select_n3A_46 : vector<16xi32>
    %ge3A_48 = arith.constant 26624 : i32
    %ge3A_49 = vector.broadcast %ge3A_48 : i32 to vector<16xi32>
    %ge3A_50 = arith.cmpi sge, %sub3A_47, %ge3A_49 : vector<16xi32>
    %jit3A_51 = arith.constant 26624 : i32
    %jit3A_52 = arith.constant 0 : i32
    %broadcast_in_dim3A_53 = vector.broadcast %jit3A_51 : i32 to vector<16xi32>
    %broadcast_in_dim3A_54 = vector.broadcast %jit3A_52 : i32 to vector<16xi32>
    %select_n3A_55 = arith.select %ge3A_50, %broadcast_in_dim3A_53, %broadcast_in_dim3A_54 : vector<16xi1>, vector<16xi32>
    %sub3A_56 = arith.subi %sub3A_47, %select_n3A_55 : vector<16xi32>
    %ge3A_57 = arith.constant 26624 : i32
    %ge3A_58 = vector.broadcast %ge3A_57 : i32 to vector<16xi32>
    %ge3A_59 = arith.cmpi sge, %sub3A_56, %ge3A_58 : vector<16xi32>
    %jit3A_60 = arith.constant 26624 : i32
    %jit3A_61 = arith.constant 0 : i32
    %broadcast_in_dim3A_62 = vector.broadcast %jit3A_60 : i32 to vector<16xi32>
    %broadcast_in_dim3A_63 = vector.broadcast %jit3A_61 : i32 to vector<16xi32>
    %select_n3A_64 = arith.select %ge3A_59, %broadcast_in_dim3A_62, %broadcast_in_dim3A_63 : vector<16xi1>, vector<16xi32>
    %sub3A_65 = arith.subi %sub3A_56, %select_n3A_64 : vector<16xi32>
    %swap3A_66 = arith.constant 0 : i32
    %swap3A_67 = arith.index_cast %swap3A_66 : i32 to index
    %swap3A_68 = arith.constant 16 : index
    %swap3A_69 = tpu.vector_load %arg6[%swap3A_67, %swap3A_68] {strides = array<i32>} : memref<4x128xi32, #tpu.memory_space<vmem>>, vector<1x16xi32>,
    %swap3A_70 = vector.shape_cast %swap3A_69 : vector<1x16xi32> to vector<16xi32>
    %swap3A_71 = vector.shape_cast %sub3A_65 : vector<16xi32> to vector<1x16xi32>
    tpu.vector_store %arg6[%swap3A_67, %swap3A_68], %swap3A_71 {strides = array<i32>} : memref<4x128xi32, #tpu.memory_space<vmem>>, vector<1x16xi32>,
    %get3A_72 = arith.constant 0 : i32
    %get3A_73 = arith.index_cast %get3A_72 : i32 to index
    %get3A_74 = arith.constant 32 : index
    %get3A_75 = tpu.vector_load %arg5[%get3A_73, %get3A_74] {strides = array<i32>} : memref<4x128xi32, #tpu.memory_space<vmem>>, vector<1x16xi32>,
    %get3A_76 = vector.shape_cast %get3A_75 : vector<1x16xi32> to vector<16xi32>
    %ge3A_77 = arith.constant 26624 : i32
    %ge3A_78 = vector.broadcast %ge3A_77 : i32 to vector<16xi32>
    %ge3A_79 = arith.cmpi sge, %get3A_76, %ge3A_78 : vector<16xi32>
    %jit3A_80 = arith.constant 26624 : i32
    %jit3A_81 = arith.constant 0 : i32
    %broadcast_in_dim3A_82 = vector.broadcast %jit3A_80 : i32 to vector<16xi32>
    %broadcast_in_dim3A_83 = vector.broadcast %jit3A_81 : i32 to vector<16xi32>
    %select_n3A_84 = arith.select %ge3A_79, %broadcast_in_dim3A_82, %broadcast_in_dim3A_83 : vector<16xi1>, vector<16xi32>
    %sub3A_85 = arith.subi %get3A_76, %select_n3A_84 : vector<16xi32>
    %ge3A_86 = arith.constant 26624 : i32
    %ge3A_87 = vector.broadcast %ge3A_86 : i32 to vector<16xi32>
    %ge3A_88 = arith.cmpi sge, %sub3A_85, %ge3A_87 : vector<16xi32>
    %jit3A_89 = arith.constant 26624 : i32
    %jit3A_90 = arith.constant 0 : i32
    %broadcast_in_dim3A_91 = vector.broadcast %jit3A_89 : i32 to vector<16xi32>
    %broadcast_in_dim3A_92 = vector.broadcast %jit3A_90 : i32 to vector<16xi32>
    %select_n3A_93 = arith.select %ge3A_88, %broadcast_in_dim3A_91, %broadcast_in_dim3A_92 : vector<16xi1>, vector<16xi32>
    %sub3A_94 = arith.subi %sub3A_85, %select_n3A_93 : vector<16xi32>
    %ge3A_95 = arith.constant 26624 : i32
    %ge3A_96 = vector.broadcast %ge3A_95 : i32 to vector<16xi32>
    %ge3A_97 = arith.cmpi sge, %sub3A_94, %ge3A_96 : vector<16xi32>
    %jit3A_98 = arith.constant 26624 : i32
    %jit3A_99 = arith.constant 0 : i32
    %broadcast_in_dim3A_100 = vector.broadcast %jit3A_98 : i32 to vector<16xi32>
    %broadcast_in_dim3A_101 = vector.broadcast %jit3A_99 : i32 to vector<16xi32>
    %select_n3A_102 = arith.select %ge3A_97, %broadcast_in_dim3A_100, %broadcast_in_dim3A_101 : vector<16xi1>, vector<16xi32>
    %sub3A_103 = arith.subi %sub3A_94, %select_n3A_102 : vector<16xi32>
    %swap3A_104 = arith.constant 0 : i32
    %swap3A_105 = arith.index_cast %swap3A_104 : i32 to index
    %swap3A_106 = arith.constant 32 : index
    %swap3A_107 = tpu.vector_load %arg6[%swap3A_105, %swap3A_106] {strides = array<i32>} : memref<4x128xi32, #tpu.memory_space<vmem>>, vector<1x16xi32>,
    %swap3A_108 = vector.shape_cast %swap3A_107 : vector<1x16xi32> to vector<16xi32>
    %swap3A_109 = vector.shape_cast %sub3A_103 : vector<16xi32> to vector<1x16xi32>
    tpu.vector_store %arg6[%swap3A_105, %swap3A_106], %swap3A_109 {strides = array<i32>} : memref<4x128xi32, #tpu.memory_space<vmem>>, vector<1x16xi32>,
    %get3A_110 = arith.constant 0 : i32
    %get3A_111 = arith.index_cast %get3A_110 : i32 to index
    %get3A_112 = arith.constant 48 : index
    %get3A_113 = tpu.vector_load %arg5[%get3A_111, %get3A_112] {strides = array<i32>} : memref<4x128xi32, #tpu.memory_space<vmem>>, vector<1x16xi32>,
    %get3A_114 = vector.shape_cast %get3A_113 : vector<1x16xi32> to vector<16xi32>
    %ge3A_115 = arith.constant 26624 : i32
    %ge3A_116 = vector.broadcast %ge3A_115 : i32 to vector<16xi32>
    %ge3A_117 = arith.cmpi sge, %get3A_114, %ge3A_116 : vector<16xi32>
    %jit3A_118 = arith.constant 26624 : i32
    %jit3A_119 = arith.constant 0 : i32
    %broadcast_in_dim3A_120 = vector.broadcast %jit3A_118 : i32 to vector<16xi32>
    %broadcast_in_dim3A_121 = vector.broadcast %jit3A_119 : i32 to vector<16xi32>
    %select_n3A_122 = arith.select %ge3A_117, %broadcast_in_dim3A_120, %broadcast_in_dim3A_121 : vector<16xi1>, vector<16xi32>
    %sub3A_123 = arith.subi %get3A_114, %select_n3A_122 : vector<16xi32>
    %ge3A_124 = arith.constant 26624 : i32
    %ge3A_125 = vector.broadcast %ge3A_124 : i32 to vector<16xi32>
    %ge3A_126 = arith.cmpi sge, %sub3A_123, %ge3A_125 : vector<16xi32>
    %jit3A_127 = arith.constant 26624 : i32
    %jit3A_128 = arith.constant 0 : i32
    %broadcast_in_dim3A_129 = vector.broadcast %jit3A_127 : i32 to vector<16xi32>
    %broadcast_in_dim3A_130 = vector.broadcast %jit3A_128 : i32 to vector<16xi32>
    %select_n3A_131 = arith.select %ge3A_126, %broadcast_in_dim3A_129, %broadcast_in_dim3A_130 : vector<16xi1>, vector<16xi32>
    %sub3A_132 = arith.subi %sub3A_123, %select_n3A_131 : vector<16xi32>
    %ge3A_133 = arith.constant 26624 : i32
    %ge3A_134 = vector.broadcast %ge3A_133 : i32 to vector<16xi32>
    %ge3A_135 = arith.cmpi sge, %sub3A_132, %ge3A_134 : vector<16xi32>
    %jit3A_136 = arith.constant 26624 : i32
    %jit3A_137 = arith.constant 0 : i32
    %broadcast_in_dim3A_138 = vector.broadcast %jit3A_136 : i32 to vector<16xi32>
    %broadcast_in_dim3A_139 = vector.broadcast %jit3A_137 : i32 to vector<16xi32>
    %select_n3A_140 = arith.select %ge3A_135, %broadcast_in_dim3A_138, %broadcast_in_dim3A_139 : vector<16xi1>, vector<16xi32>
    %sub3A_141 = arith.subi %sub3A_132, %select_n3A_140 : vector<16xi32>
    %swap3A_142 = arith.constant 0 : i32
    %swap3A_143 = arith.index_cast %swap3A_142 : i32 to index
    %swap3A_144 = arith.constant 48 : index
    %swap3A_145 = tpu.vector_load %arg6[%swap3A_143, %swap3A_144] {strides = array<i32>} : memref<4x128xi32, #tpu.memory_space<vmem>>, vector<1x16xi32>,
    %swap3A_146 = vector.shape_cast %swap3A_145 : vector<1x16xi32> to vector<16xi32>
    %swap3A_147 = vector.shape_cast %sub3A_141 : vector<16xi32> to vector<1x16xi32>
    tpu.vector_store %arg6[%swap3A_143, %swap3A_144], %swap3A_147 {strides = array<i32>} : memref<4x128xi32, #tpu.memory_space<vmem>>, vector<1x16xi32>,
    %get3A_148 = arith.constant 0 : i32
    %get3A_149 = arith.index_cast %get3A_148 : i32 to index
    %get3A_150 = arith.constant 64 : index
    %get3A_151 = tpu.vector_load %arg5[%get3A_149, %get3A_150] {strides = array<i32>} : memref<4x128xi32, #tpu.memory_space<vmem>>, vector<1x16xi32>,
    %get3A_152 = vector.shape_cast %get3A_151 : vector<1x16xi32> to vector<16xi32>
    %ge3A_153 = arith.constant 26624 : i32
    %ge3A_154 = vector.broadcast %ge3A_153 : i32 to vector<16xi32>
    %ge3A_155 = arith.cmpi sge, %get3A_152, %ge3A_154 : vector<16xi32>
    %jit3A_156 = arith.constant 26624 : i32
    %jit3A_157 = arith.constant 0 : i32
    %broadcast_in_dim3A_158 = vector.broadcast %jit3A_156 : i32 to vector<16xi32>
    %broadcast_in_dim3A_159 = vector.broadcast %jit3A_157 : i32 to vector<16xi32>
    %select_n3A_160 = arith.select %ge3A_155, %broadcast_in_dim3A_158, %broadcast_in_dim3A_159 : vector<16xi1>, vector<16xi32>
    %sub3A_161 = arith.subi %get3A_152, %select_n3A_160 : vector<16xi32>
    %ge3A_162 = arith.constant 26624 : i32
    %ge3A_163 = vector.broadcast %ge3A_162 : i32 to vector<16xi32>
    %ge3A_164 = arith.cmpi sge, %sub3A_161, %ge3A_163 : vector<16xi32>
    %jit3A_165 = arith.constant 26624 : i32
    %jit3A_166 = arith.constant 0 : i32
    %broadcast_in_dim3A_167 = vector.broadcast %jit3A_165 : i32 to vector<16xi32>
    %broadcast_in_dim3A_168 = vector.broadcast %jit3A_166 : i32 to vector<16xi32>
    %select_n3A_169 = arith.select %ge3A_164, %broadcast_in_dim3A_167, %broadcast_in_dim3A_168 : vector<16xi1>, vector<16xi32>
    %sub3A_170 = arith.subi %sub3A_161, %select_n3A_169 : vector<16xi32>
    %ge3A_171 = arith.constant 26624 : i32
    %ge3A_172 = vector.broadcast %ge3A_171 : i32 to vector<16xi32>
    %ge3A_173 = arith.cmpi sge, %sub3A_170, %ge3A_172 : vector<16xi32>
    %jit3A_174 = arith.constant 26624 : i32
    %jit3A_175 = arith.constant 0 : i32
    %broadcast_in_dim3A_176 = vector.broadcast %jit3A_174 : i32 to vector<16xi32>
    %broadcast_in_dim3A_177 = vector.broadcast %jit3A_175 : i32 to vector<16xi32>
    %select_n3A_178 = arith.select %ge3A_173, %broadcast_in_dim3A_176, %broadcast_in_dim3A_177 : vector<16xi1>, vector<16xi32>
    %sub3A_179 = arith.subi %sub3A_170, %select_n3A_178 : vector<16xi32>
    %swap3A_180 = arith.constant 0 : i32
    %swap3A_181 = arith.index_cast %swap3A_180 : i32 to index
    %swap3A_182 = arith.constant 64 : index
    %swap3A_183 = tpu.vector_load %arg6[%swap3A_181, %swap3A_182] {strides = array<i32>} : memref<4x128xi32, #tpu.memory_space<vmem>>, vector<1x16xi32>,
    %swap3A_184 = vector.shape_cast %swap3A_183 : vector<1x16xi32> to vector<16xi32>
    %swap3A_185 = vector.shape_cast %sub3A_179 : vector<16xi32> to vector<1x16xi32>
    tpu.vector_store %arg6[%swap3A_181, %swap3A_182], %swap3A_185 {strides = array<i32>} : memref<4x128xi32, #tpu.memory_space<vmem>>, vector<1x16xi32>,
    %get3A_186 = arith.constant 0 : i32
    %get3A_187 = arith.index_cast %get3A_186 : i32 to index
    %get3A_188 = arith.constant 80 : index
    %get3A_189 = tpu.vector_load %arg5[%get3A_187, %get3A_188] {strides = array<i32>} : memref<4x128xi32, #tpu.memory_space<vmem>>, vector<1x16xi32>,
    %get3A_190 = vector.shape_cast %get3A_189 : vector<1x16xi32> to vector<16xi32>
    %ge3A_191 = arith.constant 26624 : i32
    %ge3A_192 = vector.broadcast %ge3A_191 : i32 to vector<16xi32>
    %ge3A_193 = arith.cmpi sge, %get3A_190, %ge3A_192 : vector<16xi32>
    %jit3A_194 = arith.constant 26624 : i32
    %jit3A_195 = arith.constant 0 : i32
    %broadcast_in_dim3A_196 = vector.broadcast %jit3A_194 : i32 to vector<16xi32>
    %broadcast_in_dim3A_197 = vector.broadcast %jit3A_195 : i32 to vector<16xi32>
    %select_n3A_198 = arith.select %ge3A_193, %broadcast_in_dim3A_196, %broadcast_in_dim3A_197 : vector<16xi1>, vector<16xi32>
    %sub3A_199 = arith.subi %get3A_190, %select_n3A_198 : vector<16xi32>
    %ge3A_200 = arith.constant 26624 : i32
    %ge3A_201 = vector.broadcast %ge3A_200 : i32 to vector<16xi32>
    %ge3A_202 = arith.cmpi sge, %sub3A_199, %ge3A_201 : vector<16xi32>
    %jit3A_203 = arith.constant 26624 : i32
    %jit3A_204 = arith.constant 0 : i32
    %broadcast_in_dim3A_205 = vector.broadcast %jit3A_203 : i32 to vector<16xi32>
    %broadcast_in_dim3A_206 = vector.broadcast %jit3A_204 : i32 to vector<16xi32>
    %select_n3A_207 = arith.select %ge3A_202, %broadcast_in_dim3A_205, %broadcast_in_dim3A_206 : vector<16xi1>, vector<16xi32>
    %sub3A_208 = arith.subi %sub3A_199, %select_n3A_207 : vector<16xi32>
    %ge3A_209 = arith.constant 26624 : i32
    %ge3A_210 = vector.broadcast %ge3A_209 : i32 to vector<16xi32>
    %ge3A_211 = arith.cmpi sge, %sub3A_208, %ge3A_210 : vector<16xi32>
    %jit3A_212 = arith.constant 26624 : i32
    %jit3A_213 = arith.constant 0 : i32
    %broadcast_in_dim3A_214 = vector.broadcast %jit3A_212 : i32 to vector<16xi32>
    %broadcast_in_dim3A_215 = vector.broadcast %jit3A_213 : i32 to vector<16xi32>
    %select_n3A_216 = arith.select %ge3A_211, %broadcast_in_dim3A_214, %broadcast_in_dim3A_215 : vector<16xi1>, vector<16xi32>
    %sub3A_217 = arith.subi %sub3A_208, %select_n3A_216 : vector<16xi32>
    %swap3A_218 = arith.constant 0 : i32
    %swap3A_219 = arith.index_cast %swap3A_218 : i32 to index
    %swap3A_220 = arith.constant 80 : index
    %swap3A_221 = tpu.vector_load %arg6[%swap3A_219, %swap3A_220] {strides = array<i32>} : memref<4x128xi32, #tpu.memory_space<vmem>>, vector<1x16xi32>,
    %swap3A_222 = vector.shape_cast %swap3A_221 : vector<1x16xi32> to vector<16xi32>
    %swap3A_223 = vector.shape_cast %sub3A_217 : vector<16xi32> to vector<1x16xi32>
    tpu.vector_store %arg6[%swap3A_219, %swap3A_220], %swap3A_223 {strides = array<i32>} : memref<4x128xi32, #tpu.memory_space<vmem>>, vector<1x16xi32>,
    %get3A_224 = arith.constant 0 : i32
    %get3A_225 = arith.index_cast %get3A_224 : i32 to index
    %get3A_226 = arith.constant 96 : index
    %get3A_227 = tpu.vector_load %arg5[%get3A_225, %get3A_226] {strides = array<i32>} : memref<4x128xi32, #tpu.memory_space<vmem>>, vector<1x16xi32>,
    %get3A_228 = vector.shape_cast %get3A_227 : vector<1x16xi32> to vector<16xi32>
    %ge3A_229 = arith.constant 26624 : i32
    %ge3A_230 = vector.broadcast %ge3A_229 : i32 to vector<16xi32>
    %ge3A_231 = arith.cmpi sge, %get3A_228, %ge3A_230 : vector<16xi32>
    %jit3A_232 = arith.constant 26624 : i32
    %jit3A_233 = arith.constant 0 : i32
    %broadcast_in_dim3A_234 = vector.broadcast %jit3A_232 : i32 to vector<16xi32>
    %broadcast_in_dim3A_235 = vector.broadcast %jit3A_233 : i32 to vector<16xi32>
    %select_n3A_236 = arith.select %ge3A_231, %broadcast_in_dim3A_234, %broadcast_in_dim3A_235 : vector<16xi1>, vector<16xi32>
    %sub3A_237 = arith.subi %get3A_228, %select_n3A_236 : vector<16xi32>
    %ge3A_238 = arith.constant 26624 : i32
    %ge3A_239 = vector.broadcast %ge3A_238 : i32 to vector<16xi32>
    %ge3A_240 = arith.cmpi sge, %sub3A_237, %ge3A_239 : vector<16xi32>
    %jit3A_241 = arith.constant 26624 : i32
    %jit3A_242 = arith.constant 0 : i32
    %broadcast_in_dim3A_243 = vector.broadcast %jit3A_241 : i32 to vector<16xi32>
    %broadcast_in_dim3A_244 = vector.broadcast %jit3A_242 : i32 to vector<16xi32>
    %select_n3A_245 = arith.select %ge3A_240, %broadcast_in_dim3A_243, %broadcast_in_dim3A_244 : vector<16xi1>, vector<16xi32>
    %sub3A_246 = arith.subi %sub3A_237, %select_n3A_245 : vector<16xi32>
    %ge3A_247 = arith.constant 26624 : i32
    %ge3A_248 = vector.broadcast %ge3A_247 : i32 to vector<16xi32>
    %ge3A_249 = arith.cmpi sge, %sub3A_246, %ge3A_248 : vector<16xi32>
    %jit3A_250 = arith.constant 26624 : i32
    %jit3A_251 = arith.constant 0 : i32
    %broadcast_in_dim3A_252 = vector.broadcast %jit3A_250 : i32 to vector<16xi32>
    %broadcast_in_dim3A_253 = vector.broadcast %jit3A_251 : i32 to vector<16xi32>
    %select_n3A_254 = arith.select %ge3A_249, %broadcast_in_dim3A_252, %broadcast_in_dim3A_253 : vector<16xi1>, vector<16xi32>
    %sub3A_255 = arith.subi %sub3A_246, %select_n3A_254 : vector<16xi32>
    %swap3A_256 = arith.constant 0 : i32
    %swap3A_257 = arith.index_cast %swap3A_256 : i32 to index
    %swap3A_258 = arith.constant 96 : index
    %swap3A_259 = tpu.vector_load %arg6[%swap3A_257, %swap3A_258] {strides = array<i32>} : memref<4x128xi32, #tpu.memory_space<vmem>>, vector<1x16xi32>,
    %swap3A_260 = vector.shape_cast %swap3A_259 : vector<1x16xi32> to vector<16xi32>
    %swap3A_261 = vector.shape_cast %sub3A_255 : vector<16xi32> to vector<1x16xi32>
    tpu.vector_store %arg6[%swap3A_257, %swap3A_258], %swap3A_261 {strides = array<i32>} : memref<4x128xi32, #tpu.memory_space<vmem>>, vector<1x16xi32>,
    %get3A_262 = arith.constant 0 : i32
    %get3A_263 = arith.index_cast %get3A_262 : i32 to index
    %get3A_264 = arith.constant 112 : index
    %get3A_265 = tpu.vector_load %arg5[%get3A_263, %get3A_264] {strides = array<i32>} : memref<4x128xi32, #tpu.memory_space<vmem>>, vector<1x16xi32>,
    %get3A_266 = vector.shape_cast %get3A_265 : vector<1x16xi32> to vector<16xi32>
    %ge3A_267 = arith.constant 26624 : i32
    %ge3A_268 = vector.broadcast %ge3A_267 : i32 to vector<16xi32>
    %ge3A_269 = arith.cmpi sge, %get3A_266, %ge3A_268 : vector<16xi32>
    %jit3A_270 = arith.constant 26624 : i32
    %jit3A_271 = arith.constant 0 : i32
    %broadcast_in_dim3A_272 = vector.broadcast %jit3A_270 : i32 to vector<16xi32>
    %broadcast_in_dim3A_273 = vector.broadcast %jit3A_271 : i32 to vector<16xi32>
    %select_n3A_274 = arith.select %ge3A_269, %broadcast_in_dim3A_272, %broadcast_in_dim3A_273 : vector<16xi1>, vector<16xi32>
    %sub3A_275 = arith.subi %get3A_266, %select_n3A_274 : vector<16xi32>
    %ge3A_276 = arith.constant 26624 : i32
    %ge3A_277 = vector.broadcast %ge3A_276 : i32 to vector<16xi32>
    %ge3A_278 = arith.cmpi sge, %sub3A_275, %ge3A_277 : vector<16xi32>
    %jit3A_279 = arith.constant 26624 : i32
    %jit3A_280 = arith.constant 0 : i32
    %broadcast_in_dim3A_281 = vector.broadcast %jit3A_279 : i32 to vector<16xi32>
    %broadcast_in_dim3A_282 = vector.broadcast %jit3A_280 : i32 to vector<16xi32>
    %select_n3A_283 = arith.select %ge3A_278, %broadcast_in_dim3A_281, %broadcast_in_dim3A_282 : vector<16xi1>, vector<16xi32>
    %sub3A_284 = arith.subi %sub3A_275, %select_n3A_283 : vector<16xi32>
    %ge3A_285 = arith.constant 26624 : i32
    %ge3A_286 = vector.broadcast %ge3A_285 : i32 to vector<16xi32>
    %ge3A_287 = arith.cmpi sge, %sub3A_284, %ge3A_286 : vector<16xi32>
    %jit3A_288 = arith.constant 26624 : i32
    %jit3A_289 = arith.constant 0 : i32
    %broadcast_in_dim3A_290 = vector.broadcast %jit3A_288 : i32 to vector<16xi32>
    %broadcast_in_dim3A_291 = vector.broadcast %jit3A_289 : i32 to vector<16xi32>
    %select_n3A_292 = arith.select %ge3A_287, %broadcast_in_dim3A_290, %broadcast_in_dim3A_291 : vector<16xi1>, vector<16xi32>
    %sub3A_293 = arith.subi %sub3A_284, %select_n3A_292 : vector<16xi32>
    %swap3A_294 = arith.constant 0 : i32
    %swap3A_295 = arith.index_cast %swap3A_294 : i32 to index
    %swap3A_296 = arith.constant 112 : index
    %swap3A_297 = tpu.vector_load %arg6[%swap3A_295, %swap3A_296] {strides = array<i32>} : memref<4x128xi32, #tpu.memory_space<vmem>>, vector<1x16xi32>,
    %swap3A_298 = vector.shape_cast %swap3A_297 : vector<1x16xi32> to vector<16xi32>
    %swap3A_299 = vector.shape_cast %sub3A_293 : vector<16xi32> to vector<1x16xi32>
    tpu.vector_store %arg6[%swap3A_295, %swap3A_296], %swap3A_299 {strides = array<i32>} : memref<4x128xi32, #tpu.memory_space<vmem>>, vector<1x16xi32>,
    %get3A_300 = arith.constant 1 : i32
    %get3A_301 = arith.index_cast %get3A_300 : i32 to index
    %get3A_302 = arith.constant 0 : index
    %get3A_303 = tpu.vector_load %arg5[%get3A_301, %get3A_302] {strides = array<i32>} : memref<4x128xi32, #tpu.memory_space<vmem>>, vector<1x16xi32>,
    %get3A_304 = vector.shape_cast %get3A_303 : vector<1x16xi32> to vector<16xi32>
    %ge3A_305 = arith.constant 26624 : i32
    %ge3A_306 = vector.broadcast %ge3A_305 : i32 to vector<16xi32>
    %ge3A_307 = arith.cmpi sge, %get3A_304, %ge3A_306 : vector<16xi32>
    %jit3A_308 = arith.constant 26624 : i32
    %jit3A_309 = arith.constant 0 : i32
    %broadcast_in_dim3A_310 = vector.broadcast %jit3A_308 : i32 to vector<16xi32>
    %broadcast_in_dim3A_311 = vector.broadcast %jit3A_309 : i32 to vector<16xi32>
    %select_n3A_312 = arith.select %ge3A_307, %broadcast_in_dim3A_310, %broadcast_in_dim3A_311 : vector<16xi1>, vector<16xi32>
    %sub3A_313 = arith.subi %get3A_304, %select_n3A_312 : vector<16xi32>
    %ge3A_314 = arith.constant 26624 : i32
    %ge3A_315 = vector.broadcast %ge3A_314 : i32 to vector<16xi32>
    %ge3A_316 = arith.cmpi sge, %sub3A_313, %ge3A_315 : vector<16xi32>
    %jit3A_317 = arith.constant 26624 : i32
    %jit3A_318 = arith.constant 0 : i32
    %broadcast_in_dim3A_319 = vector.broadcast %jit3A_317 : i32 to vector<16xi32>
    %broadcast_in_dim3A_320 = vector.broadcast %jit3A_318 : i32 to vector<16xi32>
    %select_n3A_321 = arith.select %ge3A_316, %broadcast_in_dim3A_319, %broadcast_in_dim3A_320 : vector<16xi1>, vector<16xi32>
    %sub3A_322 = arith.subi %sub3A_313, %select_n3A_321 : vector<16xi32>
    %ge3A_323 = arith.constant 26624 : i32
    %ge3A_324 = vector.broadcast %ge3A_323 : i32 to vector<16xi32>
    %ge3A_325 = arith.cmpi sge, %sub3A_322, %ge3A_324 : vector<16xi32>
    %jit3A_326 = arith.constant 26624 : i32
    %jit3A_327 = arith.constant 0 : i32
    %broadcast_in_dim3A_328 = vector.broadcast %jit3A_326 : i32 to vector<16xi32>
    %broadcast_in_dim3A_329 = vector.broadcast %jit3A_327 : i32 to vector<16xi32>
    %select_n3A_330 = arith.select %ge3A_325, %broadcast_in_dim3A_328, %broadcast_in_dim3A_329 : vector<16xi1>, vector<16xi32>
    %sub3A_331 = arith.subi %sub3A_322, %select_n3A_330 : vector<16xi32>
    %swap3A_332 = arith.constant 1 : i32
    %swap3A_333 = arith.index_cast %swap3A_332 : i32 to index
    %swap3A_334 = arith.constant 0 : index
    %swap3A_335 = tpu.vector_load %arg6[%swap3A_333, %swap3A_334] {strides = array<i32>} : memref<4x128xi32, #tpu.memory_space<vmem>>, vector<1x16xi32>,
    %swap3A_336 = vector.shape_cast %swap3A_335 : vector<1x16xi32> to vector<16xi32>
    %swap3A_337 = vector.shape_cast %sub3A_331 : vector<16xi32> to vector<1x16xi32>
    tpu.vector_store %arg6[%swap3A_333, %swap3A_334], %swap3A_337 {strides = array<i32>} : memref<4x128xi32, #tpu.memory_space<vmem>>, vector<1x16xi32>,
    %get3A_338 = arith.constant 1 : i32
    %get3A_339 = arith.index_cast %get3A_338 : i32 to index
    %get3A_340 = arith.constant 16 : index
    %get3A_341 = tpu.vector_load %arg5[%get3A_339, %get3A_340] {strides = array<i32>} : memref<4x128xi32, #tpu.memory_space<vmem>>, vector<1x16xi32>,
    %get3A_342 = vector.shape_cast %get3A_341 : vector<1x16xi32> to vector<16xi32>
    %ge3A_343 = arith.constant 26624 : i32
    %ge3A_344 = vector.broadcast %ge3A_343 : i32 to vector<16xi32>
    %ge3A_345 = arith.cmpi sge, %get3A_342, %ge3A_344 : vector<16xi32>
    %jit3A_346 = arith.constant 26624 : i32
    %jit3A_347 = arith.constant 0 : i32
    %broadcast_in_dim3A_348 = vector.broadcast %jit3A_346 : i32 to vector<16xi32>
    %broadcast_in_dim3A_349 = vector.broadcast %jit3A_347 : i32 to vector<16xi32>
    %select_n3A_350 = arith.select %ge3A_345, %broadcast_in_dim3A_348, %broadcast_in_dim3A_349 : vector<16xi1>, vector<16xi32>
    %sub3A_351 = arith.subi %get3A_342, %select_n3A_350 : vector<16xi32>
    %ge3A_352 = arith.constant 26624 : i32
    %ge3A_353 = vector.broadcast %ge3A_352 : i32 to vector<16xi32>
    %ge3A_354 = arith.cmpi sge, %sub3A_351, %ge3A_353 : vector<16xi32>
    %jit3A_355 = arith.constant 26624 : i32
    %jit3A_356 = arith.constant 0 : i32
    %broadcast_in_dim3A_357 = vector.broadcast %jit3A_355 : i32 to vector<16xi32>
    %broadcast_in_dim3A_358 = vector.broadcast %jit3A_356 : i32 to vector<16xi32>
    %select_n3A_359 = arith.select %ge3A_354, %broadcast_in_dim3A_357, %broadcast_in_dim3A_358 : vector<16xi1>, vector<16xi32>
    %sub3A_360 = arith.subi %sub3A_351, %select_n3A_359 : vector<16xi32>
    %ge3A_361 = arith.constant 26624 : i32
    %ge3A_362 = vector.broadcast %ge3A_361 : i32 to vector<16xi32>
    %ge3A_363 = arith.cmpi sge, %sub3A_360, %ge3A_362 : vector<16xi32>
    %jit3A_364 = arith.constant 26624 : i32
    %jit3A_365 = arith.constant 0 : i32
    %broadcast_in_dim3A_366 = vector.broadcast %jit3A_364 : i32 to vector<16xi32>
    %broadcast_in_dim3A_367 = vector.broadcast %jit3A_365 : i32 to vector<16xi32>
    %select_n3A_368 = arith.select %ge3A_363, %broadcast_in_dim3A_366, %broadcast_in_dim3A_367 : vector<16xi1>, vector<16xi32>
    %sub3A_369 = arith.subi %sub3A_360, %select_n3A_368 : vector<16xi32>
    %swap3A_370 = arith.constant 1 : i32
    %swap3A_371 = arith.index_cast %swap3A_370 : i32 to index
    %swap3A_372 = arith.constant 16 : index
    %swap3A_373 = tpu.vector_load %arg6[%swap3A_371, %swap3A_372] {strides = array<i32>} : memref<4x128xi32, #tpu.memory_space<vmem>>, vector<1x16xi32>,
    %swap3A_374 = vector.shape_cast %swap3A_373 : vector<1x16xi32> to vector<16xi32>
    %swap3A_375 = vector.shape_cast %sub3A_369 : vector<16xi32> to vector<1x16xi32>
    tpu.vector_store %arg6[%swap3A_371, %swap3A_372], %swap3A_375 {strides = array<i32>} : memref<4x128xi32, #tpu.memory_space<vmem>>, vector<1x16xi32>,
    %get3A_376 = arith.constant 1 : i32
    %get3A_377 = arith.index_cast %get3A_376 : i32 to index
    %get3A_378 = arith.constant 32 : index
    %get3A_379 = tpu.vector_load %arg5[%get3A_377, %get3A_378] {strides = array<i32>} : memref<4x128xi32, #tpu.memory_space<vmem>>, vector<1x16xi32>,
    %get3A_380 = vector.shape_cast %get3A_379 : vector<1x16xi32> to vector<16xi32>
    %ge3A_381 = arith.constant 26624 : i32
    %ge3A_382 = vector.broadcast %ge3A_381 : i32 to vector<16xi32>
    %ge3A_383 = arith.cmpi sge, %get3A_380, %ge3A_382 : vector<16xi32>
    %jit3A_384 = arith.constant 26624 : i32
    %jit3A_385 = arith.constant 0 : i32
    %broadcast_in_dim3A_386 = vector.broadcast %jit3A_384 : i32 to vector<16xi32>
    %broadcast_in_dim3A_387 = vector.broadcast %jit3A_385 : i32 to vector<16xi32>
    %select_n3A_388 = arith.select %ge3A_383, %broadcast_in_dim3A_386, %broadcast_in_dim3A_387 : vector<16xi1>, vector<16xi32>
    %sub3A_389 = arith.subi %get3A_380, %select_n3A_388 : vector<16xi32>
    %ge3A_390 = arith.constant 26624 : i32
    %ge3A_391 = vector.broadcast %ge3A_390 : i32 to vector<16xi32>
    %ge3A_392 = arith.cmpi sge, %sub3A_389, %ge3A_391 : vector<16xi32>
    %jit3A_393 = arith.constant 26624 : i32
    %jit3A_394 = arith.constant 0 : i32
    %broadcast_in_dim3A_395 = vector.broadcast %jit3A_393 : i32 to vector<16xi32>
    %broadcast_in_dim3A_396 = vector.broadcast %jit3A_394 : i32 to vector<16xi32>
    %select_n3A_397 = arith.select %ge3A_392, %broadcast_in_dim3A_395, %broadcast_in_dim3A_396 : vector<16xi1>, vector<16xi32>
    %sub3A_398 = arith.subi %sub3A_389, %select_n3A_397 : vector<16xi32>
    %ge3A_399 = arith.constant 26624 : i32
    %ge3A_400 = vector.broadcast %ge3A_399 : i32 to vector<16xi32>
    %ge3A_401 = arith.cmpi sge, %sub3A_398, %ge3A_400 : vector<16xi32>
    %jit3A_402 = arith.constant 26624 : i32
    %jit3A_403 = arith.constant 0 : i32
    %broadcast_in_dim3A_404 = vector.broadcast %jit3A_402 : i32 to vector<16xi32>
    %broadcast_in_dim3A_405 = vector.broadcast %jit3A_403 : i32 to vector<16xi32>
    %select_n3A_406 = arith.select %ge3A_401, %broadcast_in_dim3A_404, %broadcast_in_dim3A_405 : vector<16xi1>, vector<16xi32>
    %sub3A_407 = arith.subi %sub3A_398, %select_n3A_406 : vector<16xi32>
    %swap3A_408 = arith.constant 1 : i32
    %swap3A_409 = arith.index_cast %swap3A_408 : i32 to index
    %swap3A_410 = arith.constant 32 : index
    %swap3A_411 = tpu.vector_load %arg6[%swap3A_409, %swap3A_410] {strides = array<i32>} : memref<4x128xi32, #tpu.memory_space<vmem>>, vector<1x16xi32>,
    %swap3A_412 = vector.shape_cast %swap3A_411 : vector<1x16xi32> to vector<16xi32>
    %swap3A_413 = vector.shape_cast %sub3A_407 : vector<16xi32> to vector<1x16xi32>
    tpu.vector_store %arg6[%swap3A_409, %swap3A_410], %swap3A_413 {strides = array<i32>} : memref<4x128xi32, #tpu.memory_space<vmem>>, vector<1x16xi32>,
    %get3A_414 = arith.constant 1 : i32
    %get3A_415 = arith.index_cast %get3A_414 : i32 to index
    %get3A_416 = arith.constant 48 : index
    %get3A_417 = tpu.vector_load %arg5[%get3A_415, %get3A_416] {strides = array<i32>} : memref<4x128xi32, #tpu.memory_space<vmem>>, vector<1x16xi32>,
    %get3A_418 = vector.shape_cast %get3A_417 : vector<1x16xi32> to vector<16xi32>
    %ge3A_419 = arith.constant 26624 : i32
    %ge3A_420 = vector.broadcast %ge3A_419 : i32 to vector<16xi32>
    %ge3A_421 = arith.cmpi sge, %get3A_418, %ge3A_420 : vector<16xi32>
    %jit3A_422 = arith.constant 26624 : i32
    %jit3A_423 = arith.constant 0 : i32
    %broadcast_in_dim3A_424 = vector.broadcast %jit3A_422 : i32 to vector<16xi32>
    %broadcast_in_dim3A_425 = vector.broadcast %jit3A_423 : i32 to vector<16xi32>
    %select_n3A_426 = arith.select %ge3A_421, %broadcast_in_dim3A_424, %broadcast_in_dim3A_425 : vector<16xi1>, vector<16xi32>
    %sub3A_427 = arith.subi %get3A_418, %select_n3A_426 : vector<16xi32>
    %ge3A_428 = arith.constant 26624 : i32
    %ge3A_429 = vector.broadcast %ge3A_428 : i32 to vector<16xi32>
    %ge3A_430 = arith.cmpi sge, %sub3A_427, %ge3A_429 : vector<16xi32>
    %jit3A_431 = arith.constant 26624 : i32
    %jit3A_432 = arith.constant 0 : i32
    %broadcast_in_dim3A_433 = vector.broadcast %jit3A_431 : i32 to vector<16xi32>
    %broadcast_in_dim3A_434 = vector.broadcast %jit3A_432 : i32 to vector<16xi32>
    %select_n3A_435 = arith.select %ge3A_430, %broadcast_in_dim3A_433, %broadcast_in_dim3A_434 : vector<16xi1>, vector<16xi32>
    %sub3A_436 = arith.subi %sub3A_427, %select_n3A_435 : vector<16xi32>
    %ge3A_437 = arith.constant 26624 : i32
    %ge3A_438 = vector.broadcast %ge3A_437 : i32 to vector<16xi32>
    %ge3A_439 = arith.cmpi sge, %sub3A_436, %ge3A_438 : vector<16xi32>
    %jit3A_440 = arith.constant 26624 : i32
    %jit3A_441 = arith.constant 0 : i32
    %broadcast_in_dim3A_442 = vector.broadcast %jit3A_440 : i32 to vector<16xi32>
    %broadcast_in_dim3A_443 = vector.broadcast %jit3A_441 : i32 to vector<16xi32>
    %select_n3A_444 = arith.select %ge3A_439, %broadcast_in_dim3A_442, %broadcast_in_dim3A_443 : vector<16xi1>, vector<16xi32>
    %sub3A_445 = arith.subi %sub3A_436, %select_n3A_444 : vector<16xi32>
    %swap3A_446 = arith.constant 1 : i32
    %swap3A_447 = arith.index_cast %swap3A_446 : i32 to index
    %swap3A_448 = arith.constant 48 : index
    %swap3A_449 = tpu.vector_load %arg6[%swap3A_447, %swap3A_448] {strides = array<i32>} : memref<4x128xi32, #tpu.memory_space<vmem>>, vector<1x16xi32>,
    %swap3A_450 = vector.shape_cast %swap3A_449 : vector<1x16xi32> to vector<16xi32>
    %swap3A_451 = vector.shape_cast %sub3A_445 : vector<16xi32> to vector<1x16xi32>
    tpu.vector_store %arg6[%swap3A_447, %swap3A_448], %swap3A_451 {strides = array<i32>} : memref<4x128xi32, #tpu.memory_space<vmem>>, vector<1x16xi32>,
    %get3A_452 = arith.constant 1 : i32
    %get3A_453 = arith.index_cast %get3A_452 : i32 to index
    %get3A_454 = arith.constant 64 : index
    %get3A_455 = tpu.vector_load %arg5[%get3A_453, %get3A_454] {strides = array<i32>} : memref<4x128xi32, #tpu.memory_space<vmem>>, vector<1x16xi32>,
    %get3A_456 = vector.shape_cast %get3A_455 : vector<1x16xi32> to vector<16xi32>
    %ge3A_457 = arith.constant 26624 : i32
    %ge3A_458 = vector.broadcast %ge3A_457 : i32 to vector<16xi32>
    %ge3A_459 = arith.cmpi sge, %get3A_456, %ge3A_458 : vector<16xi32>
    %jit3A_460 = arith.constant 26624 : i32
    %jit3A_461 = arith.constant 0 : i32
    %broadcast_in_dim3A_462 = vector.broadcast %jit3A_460 : i32 to vector<16xi32>
    %broadcast_in_dim3A_463 = vector.broadcast %jit3A_461 : i32 to vector<16xi32>
    %select_n3A_464 = arith.select %ge3A_459, %broadcast_in_dim3A_462, %broadcast_in_dim3A_463 : vector<16xi1>, vector<16xi32>
    %sub3A_465 = arith.subi %get3A_456, %select_n3A_464 : vector<16xi32>
    %ge3A_466 = arith.constant 26624 : i32
    %ge3A_467 = vector.broadcast %ge3A_466 : i32 to vector<16xi32>
    %ge3A_468 = arith.cmpi sge, %sub3A_465, %ge3A_467 : vector<16xi32>
    %jit3A_469 = arith.constant 26624 : i32
    %jit3A_470 = arith.constant 0 : i32
    %broadcast_in_dim3A_471 = vector.broadcast %jit3A_469 : i32 to vector<16xi32>
    %broadcast_in_dim3A_472 = vector.broadcast %jit3A_470 : i32 to vector<16xi32>
    %select_n3A_473 = arith.select %ge3A_468, %broadcast_in_dim3A_471, %broadcast_in_dim3A_472 : vector<16xi1>, vector<16xi32>
    %sub3A_474 = arith.subi %sub3A_465, %select_n3A_473 : vector<16xi32>
    %ge3A_475 = arith.constant 26624 : i32
    %ge3A_476 = vector.broadcast %ge3A_475 : i32 to vector<16xi32>
    %ge3A_477 = arith.cmpi sge, %sub3A_474, %ge3A_476 : vector<16xi32>
    %jit3A_478 = arith.constant 26624 : i32
    %jit3A_479 = arith.constant 0 : i32
    %broadcast_in_dim3A_480 = vector.broadcast %jit3A_478 : i32 to vector<16xi32>
    %broadcast_in_dim3A_481 = vector.broadcast %jit3A_479 : i32 to vector<16xi32>
    %select_n3A_482 = arith.select %ge3A_477, %broadcast_in_dim3A_480, %broadcast_in_dim3A_481 : vector<16xi1>, vector<16xi32>
    %sub3A_483 = arith.subi %sub3A_474, %select_n3A_482 : vector<16xi32>
    %swap3A_484 = arith.constant 1 : i32
    %swap3A_485 = arith.index_cast %swap3A_484 : i32 to index
    %swap3A_486 = arith.constant 64 : index
    %swap3A_487 = tpu.vector_load %arg6[%swap3A_485, %swap3A_486] {strides = array<i32>} : memref<4x128xi32, #tpu.memory_space<vmem>>, vector<1x16xi32>,
    %swap3A_488 = vector.shape_cast %swap3A_487 : vector<1x16xi32> to vector<16xi32>
    %swap3A_489 = vector.shape_cast %sub3A_483 : vector<16xi32> to vector<1x16xi32>
    tpu.vector_store %arg6[%swap3A_485, %swap3A_486], %swap3A_489 {strides = array<i32>} : memref<4x128xi32, #tpu.memory_space<vmem>>, vector<1x16xi32>,
    %get3A_490 = arith.constant 1 : i32
    %get3A_491 = arith.index_cast %get3A_490 : i32 to index
    %get3A_492 = arith.constant 80 : index
    %get3A_493 = tpu.vector_load %arg5[%get3A_491, %get3A_492] {strides = array<i32>} : memref<4x128xi32, #tpu.memory_space<vmem>>, vector<1x16xi32>,
    %get3A_494 = vector.shape_cast %get3A_493 : vector<1x16xi32> to vector<16xi32>
    %ge3A_495 = arith.constant 26624 : i32
    %ge3A_496 = vector.broadcast %ge3A_495 : i32 to vector<16xi32>
    %ge3A_497 = arith.cmpi sge, %get3A_494, %ge3A_496 : vector<16xi32>
    %jit3A_498 = arith.constant 26624 : i32
    %jit3A_499 = arith.constant 0 : i32
    %broadcast_in_dim3A_500 = vector.broadcast %jit3A_498 : i32 to vector<16xi32>
    %broadcast_in_dim3A_501 = vector.broadcast %jit3A_499 : i32 to vector<16xi32>
    %select_n3A_502 = arith.select %ge3A_497, %broadcast_in_dim3A_500, %broadcast_in_dim3A_501 : vector<16xi1>, vector<16xi32>
    %sub3A_503 = arith.subi %get3A_494, %select_n3A_502 : vector<16xi32>
    %ge3A_504 = arith.constant 26624 : i32
    %ge3A_505 = vector.broadcast %ge3A_504 : i32 to vector<16xi32>
    %ge3A_506 = arith.cmpi sge, %sub3A_503, %ge3A_505 : vector<16xi32>
    %jit3A_507 = arith.constant 26624 : i32
    %jit3A_508 = arith.constant 0 : i32
    %broadcast_in_dim3A_509 = vector.broadcast %jit3A_507 : i32 to vector<16xi32>
    %broadcast_in_dim3A_510 = vector.broadcast %jit3A_508 : i32 to vector<16xi32>
    %select_n3A_511 = arith.select %ge3A_506, %broadcast_in_dim3A_509, %broadcast_in_dim3A_510 : vector<16xi1>, vector<16xi32>
    %sub3A_512 = arith.subi %sub3A_503, %select_n3A_511 : vector<16xi32>
    %ge3A_513 = arith.constant 26624 : i32
    %ge3A_514 = vector.broadcast %ge3A_513 : i32 to vector<16xi32>
    %ge3A_515 = arith.cmpi sge, %sub3A_512, %ge3A_514 : vector<16xi32>
    %jit3A_516 = arith.constant 26624 : i32
    %jit3A_517 = arith.constant 0 : i32
    %broadcast_in_dim3A_518 = vector.broadcast %jit3A_516 : i32 to vector<16xi32>
    %broadcast_in_dim3A_519 = vector.broadcast %jit3A_517 : i32 to vector<16xi32>
    %select_n3A_520 = arith.select %ge3A_515, %broadcast_in_dim3A_518, %broadcast_in_dim3A_519 : vector<16xi1>, vector<16xi32>
    %sub3A_521 = arith.subi %sub3A_512, %select_n3A_520 : vector<16xi32>
    %swap3A_522 = arith.constant 1 : i32
    %swap3A_523 = arith.index_cast %swap3A_522 : i32 to index
    %swap3A_524 = arith.constant 80 : index
    %swap3A_525 = tpu.vector_load %arg6[%swap3A_523, %swap3A_524] {strides = array<i32>} : memref<4x128xi32, #tpu.memory_space<vmem>>, vector<1x16xi32>,
    %swap3A_526 = vector.shape_cast %swap3A_525 : vector<1x16xi32> to vector<16xi32>
    %swap3A_527 = vector.shape_cast %sub3A_521 : vector<16xi32> to vector<1x16xi32>
    tpu.vector_store %arg6[%swap3A_523, %swap3A_524], %swap3A_527 {strides = array<i32>} : memref<4x128xi32, #tpu.memory_space<vmem>>, vector<1x16xi32>,
    %get3A_528 = arith.constant 1 : i32
    %get3A_529 = arith.index_cast %get3A_528 : i32 to index
    %get3A_530 = arith.constant 96 : index
    %get3A_531 = tpu.vector_load %arg5[%get3A_529, %get3A_530] {strides = array<i32>} : memref<4x128xi32, #tpu.memory_space<vmem>>, vector<1x16xi32>,
    %get3A_532 = vector.shape_cast %get3A_531 : vector<1x16xi32> to vector<16xi32>
    %ge3A_533 = arith.constant 26624 : i32
    %ge3A_534 = vector.broadcast %ge3A_533 : i32 to vector<16xi32>
    %ge3A_535 = arith.cmpi sge, %get3A_532, %ge3A_534 : vector<16xi32>
    %jit3A_536 = arith.constant 26624 : i32
    %jit3A_537 = arith.constant 0 : i32
    %broadcast_in_dim3A_538 = vector.broadcast %jit3A_536 : i32 to vector<16xi32>
    %broadcast_in_dim3A_539 = vector.broadcast %jit3A_537 : i32 to vector<16xi32>
    %select_n3A_540 = arith.select %ge3A_535, %broadcast_in_dim3A_538, %broadcast_in_dim3A_539 : vector<16xi1>, vector<16xi32>
    %sub3A_541 = arith.subi %get3A_532, %select_n3A_540 : vector<16xi32>
    %ge3A_542 = arith.constant 26624 : i32
    %ge3A_543 = vector.broadcast %ge3A_542 : i32 to vector<16xi32>
    %ge3A_544 = arith.cmpi sge, %sub3A_541, %ge3A_543 : vector<16xi32>
    %jit3A_545 = arith.constant 26624 : i32
    %jit3A_546 = arith.constant 0 : i32
    %broadcast_in_dim3A_547 = vector.broadcast %jit3A_545 : i32 to vector<16xi32>
    %broadcast_in_dim3A_548 = vector.broadcast %jit3A_546 : i32 to vector<16xi32>
    %select_n3A_549 = arith.select %ge3A_544, %broadcast_in_dim3A_547, %broadcast_in_dim3A_548 : vector<16xi1>, vector<16xi32>
    %sub3A_550 = arith.subi %sub3A_541, %select_n3A_549 : vector<16xi32>
    %ge3A_551 = arith.constant 26624 : i32
    %ge3A_552 = vector.broadcast %ge3A_551 : i32 to vector<16xi32>
    %ge3A_553 = arith.cmpi sge, %sub3A_550, %ge3A_552 : vector<16xi32>
    %jit3A_554 = arith.constant 26624 : i32
    %jit3A_555 = arith.constant 0 : i32
    %broadcast_in_dim3A_556 = vector.broadcast %jit3A_554 : i32 to vector<16xi32>
    %broadcast_in_dim3A_557 = vector.broadcast %jit3A_555 : i32 to vector<16xi32>
    %select_n3A_558 = arith.select %ge3A_553, %broadcast_in_dim3A_556, %broadcast_in_dim3A_557 : vector<16xi1>, vector<16xi32>
    %sub3A_559 = arith.subi %sub3A_550, %select_n3A_558 : vector<16xi32>
    %swap3A_560 = arith.constant 1 : i32
    %swap3A_561 = arith.index_cast %swap3A_560 : i32 to index
    %swap3A_562 = arith.constant 96 : index
    %swap3A_563 = tpu.vector_load %arg6[%swap3A_561, %swap3A_562] {strides = array<i32>} : memref<4x128xi32, #tpu.memory_space<vmem>>, vector<1x16xi32>,
    %swap3A_564 = vector.shape_cast %swap3A_563 : vector<1x16xi32> to vector<16xi32>
    %swap3A_565 = vector.shape_cast %sub3A_559 : vector<16xi32> to vector<1x16xi32>
    tpu.vector_store %arg6[%swap3A_561, %swap3A_562], %swap3A_565 {strides = array<i32>} : memref<4x128xi32, #tpu.memory_space<vmem>>, vector<1x16xi32>,
    %get3A_566 = arith.constant 1 : i32
    %get3A_567 = arith.index_cast %get3A_566 : i32 to index
    %get3A_568 = arith.constant 112 : index
    %get3A_569 = tpu.vector_load %arg5[%get3A_567, %get3A_568] {strides = array<i32>} : memref<4x128xi32, #tpu.memory_space<vmem>>, vector<1x16xi32>,
    %get3A_570 = vector.shape_cast %get3A_569 : vector<1x16xi32> to vector<16xi32>
    %ge3A_571 = arith.constant 26624 : i32
    %ge3A_572 = vector.broadcast %ge3A_571 : i32 to vector<16xi32>
    %ge3A_573 = arith.cmpi sge, %get3A_570, %ge3A_572 : vector<16xi32>
    %jit3A_574 = arith.constant 26624 : i32
    %jit3A_575 = arith.constant 0 : i32
    %broadcast_in_dim3A_576 = vector.broadcast %jit3A_574 : i32 to vector<16xi32>
    %broadcast_in_dim3A_577 = vector.broadcast %jit3A_575 : i32 to vector<16xi32>
    %select_n3A_578 = arith.select %ge3A_573, %broadcast_in_dim3A_576, %broadcast_in_dim3A_577 : vector<16xi1>, vector<16xi32>
    %sub3A_579 = arith.subi %get3A_570, %select_n3A_578 : vector<16xi32>
    %ge3A_580 = arith.constant 26624 : i32
    %ge3A_581 = vector.broadcast %ge3A_580 : i32 to vector<16xi32>
    %ge3A_582 = arith.cmpi sge, %sub3A_579, %ge3A_581 : vector<16xi32>
    %jit3A_583 = arith.constant 26624 : i32
    %jit3A_584 = arith.constant 0 : i32
    %broadcast_in_dim3A_585 = vector.broadcast %jit3A_583 : i32 to vector<16xi32>
    %broadcast_in_dim3A_586 = vector.broadcast %jit3A_584 : i32 to vector<16xi32>
    %select_n3A_587 = arith.select %ge3A_582, %broadcast_in_dim3A_585, %broadcast_in_dim3A_586 : vector<16xi1>, vector<16xi32>
    %sub3A_588 = arith.subi %sub3A_579, %select_n3A_587 : vector<16xi32>
    %ge3A_589 = arith.constant 26624 : i32
    %ge3A_590 = vector.broadcast %ge3A_589 : i32 to vector<16xi32>
    %ge3A_591 = arith.cmpi sge, %sub3A_588, %ge3A_590 : vector<16xi32>
    %jit3A_592 = arith.constant 26624 : i32
    %jit3A_593 = arith.constant 0 : i32
    %broadcast_in_dim3A_594 = vector.broadcast %jit3A_592 : i32 to vector<16xi32>
    %broadcast_in_dim3A_595 = vector.broadcast %jit3A_593 : i32 to vector<16xi32>
    %select_n3A_596 = arith.select %ge3A_591, %broadcast_in_dim3A_594, %broadcast_in_dim3A_595 : vector<16xi1>, vector<16xi32>
    %sub3A_597 = arith.subi %sub3A_588, %select_n3A_596 : vector<16xi32>
    %swap3A_598 = arith.constant 1 : i32
    %swap3A_599 = arith.index_cast %swap3A_598 : i32 to index
    %swap3A_600 = arith.constant 112 : index
    %swap3A_601 = tpu.vector_load %arg6[%swap3A_599, %swap3A_600] {strides = array<i32>} : memref<4x128xi32, #tpu.memory_space<vmem>>, vector<1x16xi32>,
    %swap3A_602 = vector.shape_cast %swap3A_601 : vector<1x16xi32> to vector<16xi32>
    %swap3A_603 = vector.shape_cast %sub3A_597 : vector<16xi32> to vector<1x16xi32>
    tpu.vector_store %arg6[%swap3A_599, %swap3A_600], %swap3A_603 {strides = array<i32>} : memref<4x128xi32, #tpu.memory_space<vmem>>, vector<1x16xi32>,
    %get3A_604 = arith.constant 2 : i32
    %get3A_605 = arith.index_cast %get3A_604 : i32 to index
    %get3A_606 = arith.constant 0 : index
    %get3A_607 = tpu.vector_load %arg5[%get3A_605, %get3A_606] {strides = array<i32>} : memref<4x128xi32, #tpu.memory_space<vmem>>, vector<1x16xi32>,
    %get3A_608 = vector.shape_cast %get3A_607 : vector<1x16xi32> to vector<16xi32>
    %ge3A_609 = arith.constant 26624 : i32
    %ge3A_610 = vector.broadcast %ge3A_609 : i32 to vector<16xi32>
    %ge3A_611 = arith.cmpi sge, %get3A_608, %ge3A_610 : vector<16xi32>
    %jit3A_612 = arith.constant 26624 : i32
    %jit3A_613 = arith.constant 0 : i32
    %broadcast_in_dim3A_614 = vector.broadcast %jit3A_612 : i32 to vector<16xi32>
    %broadcast_in_dim3A_615 = vector.broadcast %jit3A_613 : i32 to vector<16xi32>
    %select_n3A_616 = arith.select %ge3A_611, %broadcast_in_dim3A_614, %broadcast_in_dim3A_615 : vector<16xi1>, vector<16xi32>
    %sub3A_617 = arith.subi %get3A_608, %select_n3A_616 : vector<16xi32>
    %ge3A_618 = arith.constant 26624 : i32
    %ge3A_619 = vector.broadcast %ge3A_618 : i32 to vector<16xi32>
    %ge3A_620 = arith.cmpi sge, %sub3A_617, %ge3A_619 : vector<16xi32>
    %jit3A_621 = arith.constant 26624 : i32
    %jit3A_622 = arith.constant 0 : i32
    %broadcast_in_dim3A_623 = vector.broadcast %jit3A_621 : i32 to vector<16xi32>
    %broadcast_in_dim3A_624 = vector.broadcast %jit3A_622 : i32 to vector<16xi32>
    %select_n3A_625 = arith.select %ge3A_620, %broadcast_in_dim3A_623, %broadcast_in_dim3A_624 : vector<16xi1>, vector<16xi32>
    %sub3A_626 = arith.subi %sub3A_617, %select_n3A_625 : vector<16xi32>
    %ge3A_627 = arith.constant 26624 : i32
    %ge3A_628 = vector.broadcast %ge3A_627 : i32 to vector<16xi32>
    %ge3A_629 = arith.cmpi sge, %sub3A_626, %ge3A_628 : vector<16xi32>
    %jit3A_630 = arith.constant 26624 : i32
    %jit3A_631 = arith.constant 0 : i32
    %broadcast_in_dim3A_632 = vector.broadcast %jit3A_630 : i32 to vector<16xi32>
    %broadcast_in_dim3A_633 = vector.broadcast %jit3A_631 : i32 to vector<16xi32>
    %select_n3A_634 = arith.select %ge3A_629, %broadcast_in_dim3A_632, %broadcast_in_dim3A_633 : vector<16xi1>, vector<16xi32>
    %sub3A_635 = arith.subi %sub3A_626, %select_n3A_634 : vector<16xi32>
    %swap3A_636 = arith.constant 2 : i32
    %swap3A_637 = arith.index_cast %swap3A_636 : i32 to index
    %swap3A_638 = arith.constant 0 : index
    %swap3A_639 = tpu.vector_load %arg6[%swap3A_637, %swap3A_638] {strides = array<i32>} : memref<4x128xi32, #tpu.memory_space<vmem>>, vector<1x16xi32>,
    %swap3A_640 = vector.shape_cast %swap3A_639 : vector<1x16xi32> to vector<16xi32>
    %swap3A_641 = vector.shape_cast %sub3A_635 : vector<16xi32> to vector<1x16xi32>
    tpu.vector_store %arg6[%swap3A_637, %swap3A_638], %swap3A_641 {strides = array<i32>} : memref<4x128xi32, #tpu.memory_space<vmem>>, vector<1x16xi32>,
    %get3A_642 = arith.constant 2 : i32
    %get3A_643 = arith.index_cast %get3A_642 : i32 to index
    %get3A_644 = arith.constant 16 : index
    %get3A_645 = tpu.vector_load %arg5[%get3A_643, %get3A_644] {strides = array<i32>} : memref<4x128xi32, #tpu.memory_space<vmem>>, vector<1x16xi32>,
    %get3A_646 = vector.shape_cast %get3A_645 : vector<1x16xi32> to vector<16xi32>
    %ge3A_647 = arith.constant 26624 : i32
    %ge3A_648 = vector.broadcast %ge3A_647 : i32 to vector<16xi32>
    %ge3A_649 = arith.cmpi sge, %get3A_646, %ge3A_648 : vector<16xi32>
    %jit3A_650 = arith.constant 26624 : i32
    %jit3A_651 = arith.constant 0 : i32
    %broadcast_in_dim3A_652 = vector.broadcast %jit3A_650 : i32 to vector<16xi32>
    %broadcast_in_dim3A_653 = vector.broadcast %jit3A_651 : i32 to vector<16xi32>
    %select_n3A_654 = arith.select %ge3A_649, %broadcast_in_dim3A_652, %broadcast_in_dim3A_653 : vector<16xi1>, vector<16xi32>
    %sub3A_655 = arith.subi %get3A_646, %select_n3A_654 : vector<16xi32>
    %ge3A_656 = arith.constant 26624 : i32
    %ge3A_657 = vector.broadcast %ge3A_656 : i32 to vector<16xi32>
    %ge3A_658 = arith.cmpi sge, %sub3A_655, %ge3A_657 : vector<16xi32>
    %jit3A_659 = arith.constant 26624 : i32
    %jit3A_660 = arith.constant 0 : i32
    %broadcast_in_dim3A_661 = vector.broadcast %jit3A_659 : i32 to vector<16xi32>
    %broadcast_in_dim3A_662 = vector.broadcast %jit3A_660 : i32 to vector<16xi32>
    %select_n3A_663 = arith.select %ge3A_658, %broadcast_in_dim3A_661, %broadcast_in_dim3A_662 : vector<16xi1>, vector<16xi32>
    %sub3A_664 = arith.subi %sub3A_655, %select_n3A_663 : vector<16xi32>
    %ge3A_665 = arith.constant 26624 : i32
    %ge3A_666 = vector.broadcast %ge3A_665 : i32 to vector<16xi32>
    %ge3A_667 = arith.cmpi sge, %sub3A_664, %ge3A_666 : vector<16xi32>
    %jit3A_668 = arith.constant 26624 : i32
    %jit3A_669 = arith.constant 0 : i32
    %broadcast_in_dim3A_670 = vector.broadcast %jit3A_668 : i32 to vector<16xi32>
    %broadcast_in_dim3A_671 = vector.broadcast %jit3A_669 : i32 to vector<16xi32>
    %select_n3A_672 = arith.select %ge3A_667, %broadcast_in_dim3A_670, %broadcast_in_dim3A_671 : vector<16xi1>, vector<16xi32>
    %sub3A_673 = arith.subi %sub3A_664, %select_n3A_672 : vector<16xi32>
    %swap3A_674 = arith.constant 2 : i32
    %swap3A_675 = arith.index_cast %swap3A_674 : i32 to index
    %swap3A_676 = arith.constant 16 : index
    %swap3A_677 = tpu.vector_load %arg6[%swap3A_675, %swap3A_676] {strides = array<i32>} : memref<4x128xi32, #tpu.memory_space<vmem>>, vector<1x16xi32>,
    %swap3A_678 = vector.shape_cast %swap3A_677 : vector<1x16xi32> to vector<16xi32>
    %swap3A_679 = vector.shape_cast %sub3A_673 : vector<16xi32> to vector<1x16xi32>
    tpu.vector_store %arg6[%swap3A_675, %swap3A_676], %swap3A_679 {strides = array<i32>} : memref<4x128xi32, #tpu.memory_space<vmem>>, vector<1x16xi32>,
    %get3A_680 = arith.constant 2 : i32
    %get3A_681 = arith.index_cast %get3A_680 : i32 to index
    %get3A_682 = arith.constant 32 : index
    %get3A_683 = tpu.vector_load %arg5[%get3A_681, %get3A_682] {strides = array<i32>} : memref<4x128xi32, #tpu.memory_space<vmem>>, vector<1x16xi32>,
    %get3A_684 = vector.shape_cast %get3A_683 : vector<1x16xi32> to vector<16xi32>
    %ge3A_685 = arith.constant 26624 : i32
    %ge3A_686 = vector.broadcast %ge3A_685 : i32 to vector<16xi32>
    %ge3A_687 = arith.cmpi sge, %get3A_684, %ge3A_686 : vector<16xi32>
    %jit3A_688 = arith.constant 26624 : i32
    %jit3A_689 = arith.constant 0 : i32
    %broadcast_in_dim3A_690 = vector.broadcast %jit3A_688 : i32 to vector<16xi32>
    %broadcast_in_dim3A_691 = vector.broadcast %jit3A_689 : i32 to vector<16xi32>
    %select_n3A_692 = arith.select %ge3A_687, %broadcast_in_dim3A_690, %broadcast_in_dim3A_691 : vector<16xi1>, vector<16xi32>
    %sub3A_693 = arith.subi %get3A_684, %select_n3A_692 : vector<16xi32>
    %ge3A_694 = arith.constant 26624 : i32
    %ge3A_695 = vector.broadcast %ge3A_694 : i32 to vector<16xi32>
    %ge3A_696 = arith.cmpi sge, %sub3A_693, %ge3A_695 : vector<16xi32>
    %jit3A_697 = arith.constant 26624 : i32
    %jit3A_698 = arith.constant 0 : i32
    %broadcast_in_dim3A_699 = vector.broadcast %jit3A_697 : i32 to vector<16xi32>
    %broadcast_in_dim3A_700 = vector.broadcast %jit3A_698 : i32 to vector<16xi32>
    %select_n3A_701 = arith.select %ge3A_696, %broadcast_in_dim3A_699, %broadcast_in_dim3A_700 : vector<16xi1>, vector<16xi32>
    %sub3A_702 = arith.subi %sub3A_693, %select_n3A_701 : vector<16xi32>
    %ge3A_703 = arith.constant 26624 : i32
    %ge3A_704 = vector.broadcast %ge3A_703 : i32 to vector<16xi32>
    %ge3A_705 = arith.cmpi sge, %sub3A_702, %ge3A_704 : vector<16xi32>
    %jit3A_706 = arith.constant 26624 : i32
    %jit3A_707 = arith.constant 0 : i32
    %broadcast_in_dim3A_708 = vector.broadcast %jit3A_706 : i32 to vector<16xi32>
    %broadcast_in_dim3A_709 = vector.broadcast %jit3A_707 : i32 to vector<16xi32>
    %select_n3A_710 = arith.select %ge3A_705, %broadcast_in_dim3A_708, %broadcast_in_dim3A_709 : vector<16xi1>, vector<16xi32>
    %sub3A_711 = arith.subi %sub3A_702, %select_n3A_710 : vector<16xi32>
    %swap3A_712 = arith.constant 2 : i32
    %swap3A_713 = arith.index_cast %swap3A_712 : i32 to index
    %swap3A_714 = arith.constant 32 : index
    %swap3A_715 = tpu.vector_load %arg6[%swap3A_713, %swap3A_714] {strides = array<i32>} : memref<4x128xi32, #tpu.memory_space<vmem>>, vector<1x16xi32>,
    %swap3A_716 = vector.shape_cast %swap3A_715 : vector<1x16xi32> to vector<16xi32>
    %swap3A_717 = vector.shape_cast %sub3A_711 : vector<16xi32> to vector<1x16xi32>
    tpu.vector_store %arg6[%swap3A_713, %swap3A_714], %swap3A_717 {strides = array<i32>} : memref<4x128xi32, #tpu.memory_space<vmem>>, vector<1x16xi32>,
    %get3A_718 = arith.constant 2 : i32
    %get3A_719 = arith.index_cast %get3A_718 : i32 to index
    %get3A_720 = arith.constant 48 : index
    %get3A_721 = tpu.vector_load %arg5[%get3A_719, %get3A_720] {strides = array<i32>} : memref<4x128xi32, #tpu.memory_space<vmem>>, vector<1x16xi32>,
    %get3A_722 = vector.shape_cast %get3A_721 : vector<1x16xi32> to vector<16xi32>
    %ge3A_723 = arith.constant 26624 : i32
    %ge3A_724 = vector.broadcast %ge3A_723 : i32 to vector<16xi32>
    %ge3A_725 = arith.cmpi sge, %get3A_722, %ge3A_724 : vector<16xi32>
    %jit3A_726 = arith.constant 26624 : i32
    %jit3A_727 = arith.constant 0 : i32
    %broadcast_in_dim3A_728 = vector.broadcast %jit3A_726 : i32 to vector<16xi32>
    %broadcast_in_dim3A_729 = vector.broadcast %jit3A_727 : i32 to vector<16xi32>
    %select_n3A_730 = arith.select %ge3A_725, %broadcast_in_dim3A_728, %broadcast_in_dim3A_729 : vector<16xi1>, vector<16xi32>
    %sub3A_731 = arith.subi %get3A_722, %select_n3A_730 : vector<16xi32>
    %ge3A_732 = arith.constant 26624 : i32
    %ge3A_733 = vector.broadcast %ge3A_732 : i32 to vector<16xi32>
    %ge3A_734 = arith.cmpi sge, %sub3A_731, %ge3A_733 : vector<16xi32>
    %jit3A_735 = arith.constant 26624 : i32
    %jit3A_736 = arith.constant 0 : i32
    %broadcast_in_dim3A_737 = vector.broadcast %jit3A_735 : i32 to vector<16xi32>
    %broadcast_in_dim3A_738 = vector.broadcast %jit3A_736 : i32 to vector<16xi32>
    %select_n3A_739 = arith.select %ge3A_734, %broadcast_in_dim3A_737, %broadcast_in_dim3A_738 : vector<16xi1>, vector<16xi32>
    %sub3A_740 = arith.subi %sub3A_731, %select_n3A_739 : vector<16xi32>
    %ge3A_741 = arith.constant 26624 : i32
    %ge3A_742 = vector.broadcast %ge3A_741 : i32 to vector<16xi32>
    %ge3A_743 = arith.cmpi sge, %sub3A_740, %ge3A_742 : vector<16xi32>
    %jit3A_744 = arith.constant 26624 : i32
    %jit3A_745 = arith.constant 0 : i32
    %broadcast_in_dim3A_746 = vector.broadcast %jit3A_744 : i32 to vector<16xi32>
    %broadcast_in_dim3A_747 = vector.broadcast %jit3A_745 : i32 to vector<16xi32>
    %select_n3A_748 = arith.select %ge3A_743, %broadcast_in_dim3A_746, %broadcast_in_dim3A_747 : vector<16xi1>, vector<16xi32>
    %sub3A_749 = arith.subi %sub3A_740, %select_n3A_748 : vector<16xi32>
    %swap3A_750 = arith.constant 2 : i32
    %swap3A_751 = arith.index_cast %swap3A_750 : i32 to index
    %swap3A_752 = arith.constant 48 : index
    %swap3A_753 = tpu.vector_load %arg6[%swap3A_751, %swap3A_752] {strides = array<i32>} : memref<4x128xi32, #tpu.memory_space<vmem>>, vector<1x16xi32>,
    %swap3A_754 = vector.shape_cast %swap3A_753 : vector<1x16xi32> to vector<16xi32>
    %swap3A_755 = vector.shape_cast %sub3A_749 : vector<16xi32> to vector<1x16xi32>
    tpu.vector_store %arg6[%swap3A_751, %swap3A_752], %swap3A_755 {strides = array<i32>} : memref<4x128xi32, #tpu.memory_space<vmem>>, vector<1x16xi32>,
    %get3A_756 = arith.constant 2 : i32
    %get3A_757 = arith.index_cast %get3A_756 : i32 to index
    %get3A_758 = arith.constant 64 : index
    %get3A_759 = tpu.vector_load %arg5[%get3A_757, %get3A_758] {strides = array<i32>} : memref<4x128xi32, #tpu.memory_space<vmem>>, vector<1x16xi32>,
    %get3A_760 = vector.shape_cast %get3A_759 : vector<1x16xi32> to vector<16xi32>
    %ge3A_761 = arith.constant 26624 : i32
    %ge3A_762 = vector.broadcast %ge3A_761 : i32 to vector<16xi32>
    %ge3A_763 = arith.cmpi sge, %get3A_760, %ge3A_762 : vector<16xi32>
    %jit3A_764 = arith.constant 26624 : i32
    %jit3A_765 = arith.constant 0 : i32
    %broadcast_in_dim3A_766 = vector.broadcast %jit3A_764 : i32 to vector<16xi32>
    %broadcast_in_dim3A_767 = vector.broadcast %jit3A_765 : i32 to vector<16xi32>
    %select_n3A_768 = arith.select %ge3A_763, %broadcast_in_dim3A_766, %broadcast_in_dim3A_767 : vector<16xi1>, vector<16xi32>
    %sub3A_769 = arith.subi %get3A_760, %select_n3A_768 : vector<16xi32>
    %ge3A_770 = arith.constant 26624 : i32
    %ge3A_771 = vector.broadcast %ge3A_770 : i32 to vector<16xi32>
    %ge3A_772 = arith.cmpi sge, %sub3A_769, %ge3A_771 : vector<16xi32>
    %jit3A_773 = arith.constant 26624 : i32
    %jit3A_774 = arith.constant 0 : i32
    %broadcast_in_dim3A_775 = vector.broadcast %jit3A_773 : i32 to vector<16xi32>
    %broadcast_in_dim3A_776 = vector.broadcast %jit3A_774 : i32 to vector<16xi32>
    %select_n3A_777 = arith.select %ge3A_772, %broadcast_in_dim3A_775, %broadcast_in_dim3A_776 : vector<16xi1>, vector<16xi32>
    %sub3A_778 = arith.subi %sub3A_769, %select_n3A_777 : vector<16xi32>
    %ge3A_779 = arith.constant 26624 : i32
    %ge3A_780 = vector.broadcast %ge3A_779 : i32 to vector<16xi32>
    %ge3A_781 = arith.cmpi sge, %sub3A_778, %ge3A_780 : vector<16xi32>
    %jit3A_782 = arith.constant 26624 : i32
    %jit3A_783 = arith.constant 0 : i32
    %broadcast_in_dim3A_784 = vector.broadcast %jit3A_782 : i32 to vector<16xi32>
    %broadcast_in_dim3A_785 = vector.broadcast %jit3A_783 : i32 to vector<16xi32>
    %select_n3A_786 = arith.select %ge3A_781, %broadcast_in_dim3A_784, %broadcast_in_dim3A_785 : vector<16xi1>, vector<16xi32>
    %sub3A_787 = arith.subi %sub3A_778, %select_n3A_786 : vector<16xi32>
    %swap3A_788 = arith.constant 2 : i32
    %swap3A_789 = arith.index_cast %swap3A_788 : i32 to index
    %swap3A_790 = arith.constant 64 : index
    %swap3A_791 = tpu.vector_load %arg6[%swap3A_789, %swap3A_790] {strides = array<i32>} : memref<4x128xi32, #tpu.memory_space<vmem>>, vector<1x16xi32>,
    %swap3A_792 = vector.shape_cast %swap3A_791 : vector<1x16xi32> to vector<16xi32>
    %swap3A_793 = vector.shape_cast %sub3A_787 : vector<16xi32> to vector<1x16xi32>
    tpu.vector_store %arg6[%swap3A_789, %swap3A_790], %swap3A_793 {strides = array<i32>} : memref<4x128xi32, #tpu.memory_space<vmem>>, vector<1x16xi32>,
    %get3A_794 = arith.constant 2 : i32
    %get3A_795 = arith.index_cast %get3A_794 : i32 to index
    %get3A_796 = arith.constant 80 : index
    %get3A_797 = tpu.vector_load %arg5[%get3A_795, %get3A_796] {strides = array<i32>} : memref<4x128xi32, #tpu.memory_space<vmem>>, vector<1x16xi32>,
    %get3A_798 = vector.shape_cast %get3A_797 : vector<1x16xi32> to vector<16xi32>
    %ge3A_799 = arith.constant 26624 : i32
    %ge3A_800 = vector.broadcast %ge3A_799 : i32 to vector<16xi32>
    %ge3A_801 = arith.cmpi sge, %get3A_798, %ge3A_800 : vector<16xi32>
    %jit3A_802 = arith.constant 26624 : i32
    %jit3A_803 = arith.constant 0 : i32
    %broadcast_in_dim3A_804 = vector.broadcast %jit3A_802 : i32 to vector<16xi32>
    %broadcast_in_dim3A_805 = vector.broadcast %jit3A_803 : i32 to vector<16xi32>
    %select_n3A_806 = arith.select %ge3A_801, %broadcast_in_dim3A_804, %broadcast_in_dim3A_805 : vector<16xi1>, vector<16xi32>
    %sub3A_807 = arith.subi %get3A_798, %select_n3A_806 : vector<16xi32>
    %ge3A_808 = arith.constant 26624 : i32
    %ge3A_809 = vector.broadcast %ge3A_808 : i32 to vector<16xi32>
    %ge3A_810 = arith.cmpi sge, %sub3A_807, %ge3A_809 : vector<16xi32>
    %jit3A_811 = arith.constant 26624 : i32
    %jit3A_812 = arith.constant 0 : i32
    %broadcast_in_dim3A_813 = vector.broadcast %jit3A_811 : i32 to vector<16xi32>
    %broadcast_in_dim3A_814 = vector.broadcast %jit3A_812 : i32 to vector<16xi32>
    %select_n3A_815 = arith.select %ge3A_810, %broadcast_in_dim3A_813, %broadcast_in_dim3A_814 : vector<16xi1>, vector<16xi32>
    %sub3A_816 = arith.subi %sub3A_807, %select_n3A_815 : vector<16xi32>
    %ge3A_817 = arith.constant 26624 : i32
    %ge3A_818 = vector.broadcast %ge3A_817 : i32 to vector<16xi32>
    %ge3A_819 = arith.cmpi sge, %sub3A_816, %ge3A_818 : vector<16xi32>
    %jit3A_820 = arith.constant 26624 : i32
    %jit3A_821 = arith.constant 0 : i32
    %broadcast_in_dim3A_822 = vector.broadcast %jit3A_820 : i32 to vector<16xi32>
    %broadcast_in_dim3A_823 = vector.broadcast %jit3A_821 : i32 to vector<16xi32>
    %select_n3A_824 = arith.select %ge3A_819, %broadcast_in_dim3A_822, %broadcast_in_dim3A_823 : vector<16xi1>, vector<16xi32>
    %sub3A_825 = arith.subi %sub3A_816, %select_n3A_824 : vector<16xi32>
    %swap3A_826 = arith.constant 2 : i32
    %swap3A_827 = arith.index_cast %swap3A_826 : i32 to index
    %swap3A_828 = arith.constant 80 : index
    %swap3A_829 = tpu.vector_load %arg6[%swap3A_827, %swap3A_828] {strides = array<i32>} : memref<4x128xi32, #tpu.memory_space<vmem>>, vector<1x16xi32>,
    %swap3A_830 = vector.shape_cast %swap3A_829 : vector<1x16xi32> to vector<16xi32>
    %swap3A_831 = vector.shape_cast %sub3A_825 : vector<16xi32> to vector<1x16xi32>
    tpu.vector_store %arg6[%swap3A_827, %swap3A_828], %swap3A_831 {strides = array<i32>} : memref<4x128xi32, #tpu.memory_space<vmem>>, vector<1x16xi32>,
    %get3A_832 = arith.constant 2 : i32
    %get3A_833 = arith.index_cast %get3A_832 : i32 to index
    %get3A_834 = arith.constant 96 : index
    %get3A_835 = tpu.vector_load %arg5[%get3A_833, %get3A_834] {strides = array<i32>} : memref<4x128xi32, #tpu.memory_space<vmem>>, vector<1x16xi32>,
    %get3A_836 = vector.shape_cast %get3A_835 : vector<1x16xi32> to vector<16xi32>
    %ge3A_837 = arith.constant 26624 : i32
    %ge3A_838 = vector.broadcast %ge3A_837 : i32 to vector<16xi32>
    %ge3A_839 = arith.cmpi sge, %get3A_836, %ge3A_838 : vector<16xi32>
    %jit3A_840 = arith.constant 26624 : i32
    %jit3A_841 = arith.constant 0 : i32
    %broadcast_in_dim3A_842 = vector.broadcast %jit3A_840 : i32 to vector<16xi32>
    %broadcast_in_dim3A_843 = vector.broadcast %jit3A_841 : i32 to vector<16xi32>
    %select_n3A_844 = arith.select %ge3A_839, %broadcast_in_dim3A_842, %broadcast_in_dim3A_843 : vector<16xi1>, vector<16xi32>
    %sub3A_845 = arith.subi %get3A_836, %select_n3A_844 : vector<16xi32>
    %ge3A_846 = arith.constant 26624 : i32
    %ge3A_847 = vector.broadcast %ge3A_846 : i32 to vector<16xi32>
    %ge3A_848 = arith.cmpi sge, %sub3A_845, %ge3A_847 : vector<16xi32>
    %jit3A_849 = arith.constant 26624 : i32
    %jit3A_850 = arith.constant 0 : i32
    %broadcast_in_dim3A_851 = vector.broadcast %jit3A_849 : i32 to vector<16xi32>
    %broadcast_in_dim3A_852 = vector.broadcast %jit3A_850 : i32 to vector<16xi32>
    %select_n3A_853 = arith.select %ge3A_848, %broadcast_in_dim3A_851, %broadcast_in_dim3A_852 : vector<16xi1>, vector<16xi32>
    %sub3A_854 = arith.subi %sub3A_845, %select_n3A_853 : vector<16xi32>
    %ge3A_855 = arith.constant 26624 : i32
    %ge3A_856 = vector.broadcast %ge3A_855 : i32 to vector<16xi32>
    %ge3A_857 = arith.cmpi sge, %sub3A_854, %ge3A_856 : vector<16xi32>
    %jit3A_858 = arith.constant 26624 : i32
    %jit3A_859 = arith.constant 0 : i32
    %broadcast_in_dim3A_860 = vector.broadcast %jit3A_858 : i32 to vector<16xi32>
    %broadcast_in_dim3A_861 = vector.broadcast %jit3A_859 : i32 to vector<16xi32>
    %select_n3A_862 = arith.select %ge3A_857, %broadcast_in_dim3A_860, %broadcast_in_dim3A_861 : vector<16xi1>, vector<16xi32>
    %sub3A_863 = arith.subi %sub3A_854, %select_n3A_862 : vector<16xi32>
    %swap3A_864 = arith.constant 2 : i32
    %swap3A_865 = arith.index_cast %swap3A_864 : i32 to index
    %swap3A_866 = arith.constant 96 : index
    %swap3A_867 = tpu.vector_load %arg6[%swap3A_865, %swap3A_866] {strides = array<i32>} : memref<4x128xi32, #tpu.memory_space<vmem>>, vector<1x16xi32>,
    %swap3A_868 = vector.shape_cast %swap3A_867 : vector<1x16xi32> to vector<16xi32>
    %swap3A_869 = vector.shape_cast %sub3A_863 : vector<16xi32> to vector<1x16xi32>
    tpu.vector_store %arg6[%swap3A_865, %swap3A_866], %swap3A_869 {strides = array<i32>} : memref<4x128xi32, #tpu.memory_space<vmem>>, vector<1x16xi32>,
    %get3A_870 = arith.constant 2 : i32
    %get3A_871 = arith.index_cast %get3A_870 : i32 to index
    %get3A_872 = arith.constant 112 : index
    %get3A_873 = tpu.vector_load %arg5[%get3A_871, %get3A_872] {strides = array<i32>} : memref<4x128xi32, #tpu.memory_space<vmem>>, vector<1x16xi32>,
    %get3A_874 = vector.shape_cast %get3A_873 : vector<1x16xi32> to vector<16xi32>
    %ge3A_875 = arith.constant 26624 : i32
    %ge3A_876 = vector.broadcast %ge3A_875 : i32 to vector<16xi32>
    %ge3A_877 = arith.cmpi sge, %get3A_874, %ge3A_876 : vector<16xi32>
    %jit3A_878 = arith.constant 26624 : i32
    %jit3A_879 = arith.constant 0 : i32
    %broadcast_in_dim3A_880 = vector.broadcast %jit3A_878 : i32 to vector<16xi32>
    %broadcast_in_dim3A_881 = vector.broadcast %jit3A_879 : i32 to vector<16xi32>
    %select_n3A_882 = arith.select %ge3A_877, %broadcast_in_dim3A_880, %broadcast_in_dim3A_881 : vector<16xi1>, vector<16xi32>
    %sub3A_883 = arith.subi %get3A_874, %select_n3A_882 : vector<16xi32>
    %ge3A_884 = arith.constant 26624 : i32
    %ge3A_885 = vector.broadcast %ge3A_884 : i32 to vector<16xi32>
    %ge3A_886 = arith.cmpi sge, %sub3A_883, %ge3A_885 : vector<16xi32>
    %jit3A_887 = arith.constant 26624 : i32
    %jit3A_888 = arith.constant 0 : i32
    %broadcast_in_dim3A_889 = vector.broadcast %jit3A_887 : i32 to vector<16xi32>
    %broadcast_in_dim3A_890 = vector.broadcast %jit3A_888 : i32 to vector<16xi32>
    %select_n3A_891 = arith.select %ge3A_886, %broadcast_in_dim3A_889, %broadcast_in_dim3A_890 : vector<16xi1>, vector<16xi32>
    %sub3A_892 = arith.subi %sub3A_883, %select_n3A_891 : vector<16xi32>
    %ge3A_893 = arith.constant 26624 : i32
    %ge3A_894 = vector.broadcast %ge3A_893 : i32 to vector<16xi32>
    %ge3A_895 = arith.cmpi sge, %sub3A_892, %ge3A_894 : vector<16xi32>
    %jit3A_896 = arith.constant 26624 : i32
    %jit3A_897 = arith.constant 0 : i32
    %broadcast_in_dim3A_898 = vector.broadcast %jit3A_896 : i32 to vector<16xi32>
    %broadcast_in_dim3A_899 = vector.broadcast %jit3A_897 : i32 to vector<16xi32>
    %select_n3A_900 = arith.select %ge3A_895, %broadcast_in_dim3A_898, %broadcast_in_dim3A_899 : vector<16xi1>, vector<16xi32>
    %sub3A_901 = arith.subi %sub3A_892, %select_n3A_900 : vector<16xi32>
    %swap3A_902 = arith.constant 2 : i32
    %swap3A_903 = arith.index_cast %swap3A_902 : i32 to index
    %swap3A_904 = arith.constant 112 : index
    %swap3A_905 = tpu.vector_load %arg6[%swap3A_903, %swap3A_904] {strides = array<i32>} : memref<4x128xi32, #tpu.memory_space<vmem>>, vector<1x16xi32>,
    %swap3A_906 = vector.shape_cast %swap3A_905 : vector<1x16xi32> to vector<16xi32>
    %swap3A_907 = vector.shape_cast %sub3A_901 : vector<16xi32> to vector<1x16xi32>
    tpu.vector_store %arg6[%swap3A_903, %swap3A_904], %swap3A_907 {strides = array<i32>} : memref<4x128xi32, #tpu.memory_space<vmem>>, vector<1x16xi32>,
    %get3A_908 = arith.constant 3 : i32
    %get3A_909 = arith.index_cast %get3A_908 : i32 to index
    %get3A_910 = arith.constant 0 : index
    %get3A_911 = tpu.vector_load %arg5[%get3A_909, %get3A_910] {strides = array<i32>} : memref<4x128xi32, #tpu.memory_space<vmem>>, vector<1x16xi32>,
    %get3A_912 = vector.shape_cast %get3A_911 : vector<1x16xi32> to vector<16xi32>
    %ge3A_913 = arith.constant 26624 : i32
    %ge3A_914 = vector.broadcast %ge3A_913 : i32 to vector<16xi32>
    %ge3A_915 = arith.cmpi sge, %get3A_912, %ge3A_914 : vector<16xi32>
    %jit3A_916 = arith.constant 26624 : i32
    %jit3A_917 = arith.constant 0 : i32
    %broadcast_in_dim3A_918 = vector.broadcast %jit3A_916 : i32 to vector<16xi32>
    %broadcast_in_dim3A_919 = vector.broadcast %jit3A_917 : i32 to vector<16xi32>
    %select_n3A_920 = arith.select %ge3A_915, %broadcast_in_dim3A_918, %broadcast_in_dim3A_919 : vector<16xi1>, vector<16xi32>
    %sub3A_921 = arith.subi %get3A_912, %select_n3A_920 : vector<16xi32>
    %ge3A_922 = arith.constant 26624 : i32
    %ge3A_923 = vector.broadcast %ge3A_922 : i32 to vector<16xi32>
    %ge3A_924 = arith.cmpi sge, %sub3A_921, %ge3A_923 : vector<16xi32>
    %jit3A_925 = arith.constant 26624 : i32
    %jit3A_926 = arith.constant 0 : i32
    %broadcast_in_dim3A_927 = vector.broadcast %jit3A_925 : i32 to vector<16xi32>
    %broadcast_in_dim3A_928 = vector.broadcast %jit3A_926 : i32 to vector<16xi32>
    %select_n3A_929 = arith.select %ge3A_924, %broadcast_in_dim3A_927, %broadcast_in_dim3A_928 : vector<16xi1>, vector<16xi32>
    %sub3A_930 = arith.subi %sub3A_921, %select_n3A_929 : vector<16xi32>
    %ge3A_931 = arith.constant 26624 : i32
    %ge3A_932 = vector.broadcast %ge3A_931 : i32 to vector<16xi32>
    %ge3A_933 = arith.cmpi sge, %sub3A_930, %ge3A_932 : vector<16xi32>
    %jit3A_934 = arith.constant 26624 : i32
    %jit3A_935 = arith.constant 0 : i32
    %broadcast_in_dim3A_936 = vector.broadcast %jit3A_934 : i32 to vector<16xi32>
    %broadcast_in_dim3A_937 = vector.broadcast %jit3A_935 : i32 to vector<16xi32>
    %select_n3A_938 = arith.select %ge3A_933, %broadcast_in_dim3A_936, %broadcast_in_dim3A_937 : vector<16xi1>, vector<16xi32>
    %sub3A_939 = arith.subi %sub3A_930, %select_n3A_938 : vector<16xi32>
    %swap3A_940 = arith.constant 3 : i32
    %swap3A_941 = arith.index_cast %swap3A_940 : i32 to index
    %swap3A_942 = arith.constant 0 : index
    %swap3A_943 = tpu.vector_load %arg6[%swap3A_941, %swap3A_942] {strides = array<i32>} : memref<4x128xi32, #tpu.memory_space<vmem>>, vector<1x16xi32>,
    %swap3A_944 = vector.shape_cast %swap3A_943 : vector<1x16xi32> to vector<16xi32>
    %swap3A_945 = vector.shape_cast %sub3A_939 : vector<16xi32> to vector<1x16xi32>
    tpu.vector_store %arg6[%swap3A_941, %swap3A_942], %swap3A_945 {strides = array<i32>} : memref<4x128xi32, #tpu.memory_space<vmem>>, vector<1x16xi32>,
    %get3A_946 = arith.constant 3 : i32
    %get3A_947 = arith.index_cast %get3A_946 : i32 to index
    %get3A_948 = arith.constant 16 : index
    %get3A_949 = tpu.vector_load %arg5[%get3A_947, %get3A_948] {strides = array<i32>} : memref<4x128xi32, #tpu.memory_space<vmem>>, vector<1x16xi32>,
    %get3A_950 = vector.shape_cast %get3A_949 : vector<1x16xi32> to vector<16xi32>
    %ge3A_951 = arith.constant 26624 : i32
    %ge3A_952 = vector.broadcast %ge3A_951 : i32 to vector<16xi32>
    %ge3A_953 = arith.cmpi sge, %get3A_950, %ge3A_952 : vector<16xi32>
    %jit3A_954 = arith.constant 26624 : i32
    %jit3A_955 = arith.constant 0 : i32
    %broadcast_in_dim3A_956 = vector.broadcast %jit3A_954 : i32 to vector<16xi32>
    %broadcast_in_dim3A_957 = vector.broadcast %jit3A_955 : i32 to vector<16xi32>
    %select_n3A_958 = arith.select %ge3A_953, %broadcast_in_dim3A_956, %broadcast_in_dim3A_957 : vector<16xi1>, vector<16xi32>
    %sub3A_959 = arith.subi %get3A_950, %select_n3A_958 : vector<16xi32>
    %ge3A_960 = arith.constant 26624 : i32
    %ge3A_961 = vector.broadcast %ge3A_960 : i32 to vector<16xi32>
    %ge3A_962 = arith.cmpi sge, %sub3A_959, %ge3A_961 : vector<16xi32>
    %jit3A_963 = arith.constant 26624 : i32
    %jit3A_964 = arith.constant 0 : i32
    %broadcast_in_dim3A_965 = vector.broadcast %jit3A_963 : i32 to vector<16xi32>
    %broadcast_in_dim3A_966 = vector.broadcast %jit3A_964 : i32 to vector<16xi32>
    %select_n3A_967 = arith.select %ge3A_962, %broadcast_in_dim3A_965, %broadcast_in_dim3A_966 : vector<16xi1>, vector<16xi32>
    %sub3A_968 = arith.subi %sub3A_959, %select_n3A_967 : vector<16xi32>
    %ge3A_969 = arith.constant 26624 : i32
    %ge3A_970 = vector.broadcast %ge3A_969 : i32 to vector<16xi32>
    %ge3A_971 = arith.cmpi sge, %sub3A_968, %ge3A_970 : vector<16xi32>
    %jit3A_972 = arith.constant 26624 : i32
    %jit3A_973 = arith.constant 0 : i32
    %broadcast_in_dim3A_974 = vector.broadcast %jit3A_972 : i32 to vector<16xi32>
    %broadcast_in_dim3A_975 = vector.broadcast %jit3A_973 : i32 to vector<16xi32>
    %select_n3A_976 = arith.select %ge3A_971, %broadcast_in_dim3A_974, %broadcast_in_dim3A_975 : vector<16xi1>, vector<16xi32>
    %sub3A_977 = arith.subi %sub3A_968, %select_n3A_976 : vector<16xi32>
    %swap3A_978 = arith.constant 3 : i32
    %swap3A_979 = arith.index_cast %swap3A_978 : i32 to index
    %swap3A_980 = arith.constant 16 : index
    %swap3A_981 = tpu.vector_load %arg6[%swap3A_979, %swap3A_980] {strides = array<i32>} : memref<4x128xi32, #tpu.memory_space<vmem>>, vector<1x16xi32>,
    %swap3A_982 = vector.shape_cast %swap3A_981 : vector<1x16xi32> to vector<16xi32>
    %swap3A_983 = vector.shape_cast %sub3A_977 : vector<16xi32> to vector<1x16xi32>
    tpu.vector_store %arg6[%swap3A_979, %swap3A_980], %swap3A_983 {strides = array<i32>} : memref<4x128xi32, #tpu.memory_space<vmem>>, vector<1x16xi32>,
    %get3A_984 = arith.constant 3 : i32
    %get3A_985 = arith.index_cast %get3A_984 : i32 to index
    %get3A_986 = arith.constant 32 : index
    %get3A_987 = tpu.vector_load %arg5[%get3A_985, %get3A_986] {strides = array<i32>} : memref<4x128xi32, #tpu.memory_space<vmem>>, vector<1x16xi32>,
    %get3A_988 = vector.shape_cast %get3A_987 : vector<1x16xi32> to vector<16xi32>
    %ge3A_989 = arith.constant 26624 : i32
    %ge3A_990 = vector.broadcast %ge3A_989 : i32 to vector<16xi32>
    %ge3A_991 = arith.cmpi sge, %get3A_988, %ge3A_990 : vector<16xi32>
    %jit3A_992 = arith.constant 26624 : i32
    %jit3A_993 = arith.constant 0 : i32
    %broadcast_in_dim3A_994 = vector.broadcast %jit3A_992 : i32 to vector<16xi32>
    %broadcast_in_dim3A_995 = vector.broadcast %jit3A_993 : i32 to vector<16xi32>
    %select_n3A_996 = arith.select %ge3A_991, %broadcast_in_dim3A_994, %broadcast_in_dim3A_995 : vector<16xi1>, vector<16xi32>
    %sub3A_997 = arith.subi %get3A_988, %select_n3A_996 : vector<16xi32>
    %ge3A_998 = arith.constant 26624 : i32
    %ge3A_999 = vector.broadcast %ge3A_998 : i32 to vector<16xi32>
    %ge3A_1000 = arith.cmpi sge, %sub3A_997, %ge3A_999 : vector<16xi32>
    %jit3A_1001 = arith.constant 26624 : i32
    %jit3A_1002 = arith.constant 0 : i32
    %broadcast_in_dim3A_1003 = vector.broadcast %jit3A_1001 : i32 to vector<16xi32>
    %broadcast_in_dim3A_1004 = vector.broadcast %jit3A_1002 : i32 to vector<16xi32>
    %select_n3A_1005 = arith.select %ge3A_1000, %broadcast_in_dim3A_1003, %broadcast_in_dim3A_1004 : vector<16xi1>, vector<16xi32>
    %sub3A_1006 = arith.subi %sub3A_997, %select_n3A_1005 : vector<16xi32>
    %ge3A_1007 = arith.constant 26624 : i32
    %ge3A_1008 = vector.broadcast %ge3A_1007 : i32 to vector<16xi32>
    %ge3A_1009 = arith.cmpi sge, %sub3A_1006, %ge3A_1008 : vector<16xi32>
    %jit3A_1010 = arith.constant 26624 : i32
    %jit3A_1011 = arith.constant 0 : i32
    %broadcast_in_dim3A_1012 = vector.broadcast %jit3A_1010 : i32 to vector<16xi32>
    %broadcast_in_dim3A_1013 = vector.broadcast %jit3A_1011 : i32 to vector<16xi32>
    %select_n3A_1014 = arith.select %ge3A_1009, %broadcast_in_dim3A_1012, %broadcast_in_dim3A_1013 : vector<16xi1>, vector<16xi32>
    %sub3A_1015 = arith.subi %sub3A_1006, %select_n3A_1014 : vector<16xi32>
    %swap3A_1016 = arith.constant 3 : i32
    %swap3A_1017 = arith.index_cast %swap3A_1016 : i32 to index
    %swap3A_1018 = arith.constant 32 : index
    %swap3A_1019 = tpu.vector_load %arg6[%swap3A_1017, %swap3A_1018] {strides = array<i32>} : memref<4x128xi32, #tpu.memory_space<vmem>>, vector<1x16xi32>,
    %swap3A_1020 = vector.shape_cast %swap3A_1019 : vector<1x16xi32> to vector<16xi32>
    %swap3A_1021 = vector.shape_cast %sub3A_1015 : vector<16xi32> to vector<1x16xi32>
    tpu.vector_store %arg6[%swap3A_1017, %swap3A_1018], %swap3A_1021 {strides = array<i32>} : memref<4x128xi32, #tpu.memory_space<vmem>>, vector<1x16xi32>,
    %get3A_1022 = arith.constant 3 : i32
    %get3A_1023 = arith.index_cast %get3A_1022 : i32 to index
    %get3A_1024 = arith.constant 48 : index
    %get3A_1025 = tpu.vector_load %arg5[%get3A_1023, %get3A_1024] {strides = array<i32>} : memref<4x128xi32, #tpu.memory_space<vmem>>, vector<1x16xi32>,
    %get3A_1026 = vector.shape_cast %get3A_1025 : vector<1x16xi32> to vector<16xi32>
    %ge3A_1027 = arith.constant 26624 : i32
    %ge3A_1028 = vector.broadcast %ge3A_1027 : i32 to vector<16xi32>
    %ge3A_1029 = arith.cmpi sge, %get3A_1026, %ge3A_1028 : vector<16xi32>
    %jit3A_1030 = arith.constant 26624 : i32
    %jit3A_1031 = arith.constant 0 : i32
    %broadcast_in_dim3A_1032 = vector.broadcast %jit3A_1030 : i32 to vector<16xi32>
    %broadcast_in_dim3A_1033 = vector.broadcast %jit3A_1031 : i32 to vector<16xi32>
    %select_n3A_1034 = arith.select %ge3A_1029, %broadcast_in_dim3A_1032, %broadcast_in_dim3A_1033 : vector<16xi1>, vector<16xi32>
    %sub3A_1035 = arith.subi %get3A_1026, %select_n3A_1034 : vector<16xi32>
    %ge3A_1036 = arith.constant 26624 : i32
    %ge3A_1037 = vector.broadcast %ge3A_1036 : i32 to vector<16xi32>
    %ge3A_1038 = arith.cmpi sge, %sub3A_1035, %ge3A_1037 : vector<16xi32>
    %jit3A_1039 = arith.constant 26624 : i32
    %jit3A_1040 = arith.constant 0 : i32
    %broadcast_in_dim3A_1041 = vector.broadcast %jit3A_1039 : i32 to vector<16xi32>
    %broadcast_in_dim3A_1042 = vector.broadcast %jit3A_1040 : i32 to vector<16xi32>
    %select_n3A_1043 = arith.select %ge3A_1038, %broadcast_in_dim3A_1041, %broadcast_in_dim3A_1042 : vector<16xi1>, vector<16xi32>
    %sub3A_1044 = arith.subi %sub3A_1035, %select_n3A_1043 : vector<16xi32>
    %ge3A_1045 = arith.constant 26624 : i32
    %ge3A_1046 = vector.broadcast %ge3A_1045 : i32 to vector<16xi32>
    %ge3A_1047 = arith.cmpi sge, %sub3A_1044, %ge3A_1046 : vector<16xi32>
    %jit3A_1048 = arith.constant 26624 : i32
    %jit3A_1049 = arith.constant 0 : i32
    %broadcast_in_dim3A_1050 = vector.broadcast %jit3A_1048 : i32 to vector<16xi32>
    %broadcast_in_dim3A_1051 = vector.broadcast %jit3A_1049 : i32 to vector<16xi32>
    %select_n3A_1052 = arith.select %ge3A_1047, %broadcast_in_dim3A_1050, %broadcast_in_dim3A_1051 : vector<16xi1>, vector<16xi32>
    %sub3A_1053 = arith.subi %sub3A_1044, %select_n3A_1052 : vector<16xi32>
    %swap3A_1054 = arith.constant 3 : i32
    %swap3A_1055 = arith.index_cast %swap3A_1054 : i32 to index
    %swap3A_1056 = arith.constant 48 : index
    %swap3A_1057 = tpu.vector_load %arg6[%swap3A_1055, %swap3A_1056] {strides = array<i32>} : memref<4x128xi32, #tpu.memory_space<vmem>>, vector<1x16xi32>,
    %swap3A_1058 = vector.shape_cast %swap3A_1057 : vector<1x16xi32> to vector<16xi32>
    %swap3A_1059 = vector.shape_cast %sub3A_1053 : vector<16xi32> to vector<1x16xi32>
    tpu.vector_store %arg6[%swap3A_1055, %swap3A_1056], %swap3A_1059 {strides = array<i32>} : memref<4x128xi32, #tpu.memory_space<vmem>>, vector<1x16xi32>,
    %get3A_1060 = arith.constant 3 : i32
    %get3A_1061 = arith.index_cast %get3A_1060 : i32 to index
    %get3A_1062 = arith.constant 64 : index
    %get3A_1063 = tpu.vector_load %arg5[%get3A_1061, %get3A_1062] {strides = array<i32>} : memref<4x128xi32, #tpu.memory_space<vmem>>, vector<1x16xi32>,
    %get3A_1064 = vector.shape_cast %get3A_1063 : vector<1x16xi32> to vector<16xi32>
    %ge3A_1065 = arith.constant 26624 : i32
    %ge3A_1066 = vector.broadcast %ge3A_1065 : i32 to vector<16xi32>
    %ge3A_1067 = arith.cmpi sge, %get3A_1064, %ge3A_1066 : vector<16xi32>
    %jit3A_1068 = arith.constant 26624 : i32
    %jit3A_1069 = arith.constant 0 : i32
    %broadcast_in_dim3A_1070 = vector.broadcast %jit3A_1068 : i32 to vector<16xi32>
    %broadcast_in_dim3A_1071 = vector.broadcast %jit3A_1069 : i32 to vector<16xi32>
    %select_n3A_1072 = arith.select %ge3A_1067, %broadcast_in_dim3A_1070, %broadcast_in_dim3A_1071 : vector<16xi1>, vector<16xi32>
    %sub3A_1073 = arith.subi %get3A_1064, %select_n3A_1072 : vector<16xi32>
    %ge3A_1074 = arith.constant 26624 : i32
    %ge3A_1075 = vector.broadcast %ge3A_1074 : i32 to vector<16xi32>
    %ge3A_1076 = arith.cmpi sge, %sub3A_1073, %ge3A_1075 : vector<16xi32>
    %jit3A_1077 = arith.constant 26624 : i32
    %jit3A_1078 = arith.constant 0 : i32
    %broadcast_in_dim3A_1079 = vector.broadcast %jit3A_1077 : i32 to vector<16xi32>
    %broadcast_in_dim3A_1080 = vector.broadcast %jit3A_1078 : i32 to vector<16xi32>
    %select_n3A_1081 = arith.select %ge3A_1076, %broadcast_in_dim3A_1079, %broadcast_in_dim3A_1080 : vector<16xi1>, vector<16xi32>
    %sub3A_1082 = arith.subi %sub3A_1073, %select_n3A_1081 : vector<16xi32>
    %ge3A_1083 = arith.constant 26624 : i32
    %ge3A_1084 = vector.broadcast %ge3A_1083 : i32 to vector<16xi32>
    %ge3A_1085 = arith.cmpi sge, %sub3A_1082, %ge3A_1084 : vector<16xi32>
    %jit3A_1086 = arith.constant 26624 : i32
    %jit3A_1087 = arith.constant 0 : i32
    %broadcast_in_dim3A_1088 = vector.broadcast %jit3A_1086 : i32 to vector<16xi32>
    %broadcast_in_dim3A_1089 = vector.broadcast %jit3A_1087 : i32 to vector<16xi32>
    %select_n3A_1090 = arith.select %ge3A_1085, %broadcast_in_dim3A_1088, %broadcast_in_dim3A_1089 : vector<16xi1>, vector<16xi32>
    %sub3A_1091 = arith.subi %sub3A_1082, %select_n3A_1090 : vector<16xi32>
    %swap3A_1092 = arith.constant 3 : i32
    %swap3A_1093 = arith.index_cast %swap3A_1092 : i32 to index
    %swap3A_1094 = arith.constant 64 : index
    %swap3A_1095 = tpu.vector_load %arg6[%swap3A_1093, %swap3A_1094] {strides = array<i32>} : memref<4x128xi32, #tpu.memory_space<vmem>>, vector<1x16xi32>,
    %swap3A_1096 = vector.shape_cast %swap3A_1095 : vector<1x16xi32> to vector<16xi32>
    %swap3A_1097 = vector.shape_cast %sub3A_1091 : vector<16xi32> to vector<1x16xi32>
    tpu.vector_store %arg6[%swap3A_1093, %swap3A_1094], %swap3A_1097 {strides = array<i32>} : memref<4x128xi32, #tpu.memory_space<vmem>>, vector<1x16xi32>,
    %get3A_1098 = arith.constant 3 : i32
    %get3A_1099 = arith.index_cast %get3A_1098 : i32 to index
    %get3A_1100 = arith.constant 80 : index
    %get3A_1101 = tpu.vector_load %arg5[%get3A_1099, %get3A_1100] {strides = array<i32>} : memref<4x128xi32, #tpu.memory_space<vmem>>, vector<1x16xi32>,
    %get3A_1102 = vector.shape_cast %get3A_1101 : vector<1x16xi32> to vector<16xi32>
    %ge3A_1103 = arith.constant 26624 : i32
    %ge3A_1104 = vector.broadcast %ge3A_1103 : i32 to vector<16xi32>
    %ge3A_1105 = arith.cmpi sge, %get3A_1102, %ge3A_1104 : vector<16xi32>
    %jit3A_1106 = arith.constant 26624 : i32
    %jit3A_1107 = arith.constant 0 : i32
    %broadcast_in_dim3A_1108 = vector.broadcast %jit3A_1106 : i32 to vector<16xi32>
    %broadcast_in_dim3A_1109 = vector.broadcast %jit3A_1107 : i32 to vector<16xi32>
    %select_n3A_1110 = arith.select %ge3A_1105, %broadcast_in_dim3A_1108, %broadcast_in_dim3A_1109 : vector<16xi1>, vector<16xi32>
    %sub3A_1111 = arith.subi %get3A_1102, %select_n3A_1110 : vector<16xi32>
    %ge3A_1112 = arith.constant 26624 : i32
    %ge3A_1113 = vector.broadcast %ge3A_1112 : i32 to vector<16xi32>
    %ge3A_1114 = arith.cmpi sge, %sub3A_1111, %ge3A_1113 : vector<16xi32>
    %jit3A_1115 = arith.constant 26624 : i32
    %jit3A_1116 = arith.constant 0 : i32
    %broadcast_in_dim3A_1117 = vector.broadcast %jit3A_1115 : i32 to vector<16xi32>
    %broadcast_in_dim3A_1118 = vector.broadcast %jit3A_1116 : i32 to vector<16xi32>
    %select_n3A_1119 = arith.select %ge3A_1114, %broadcast_in_dim3A_1117, %broadcast_in_dim3A_1118 : vector<16xi1>, vector<16xi32>
    %sub3A_1120 = arith.subi %sub3A_1111, %select_n3A_1119 : vector<16xi32>
    %ge3A_1121 = arith.constant 26624 : i32
    %ge3A_1122 = vector.broadcast %ge3A_1121 : i32 to vector<16xi32>
    %ge3A_1123 = arith.cmpi sge, %sub3A_1120, %ge3A_1122 : vector<16xi32>
    %jit3A_1124 = arith.constant 26624 : i32
    %jit3A_1125 = arith.constant 0 : i32
    %broadcast_in_dim3A_1126 = vector.broadcast %jit3A_1124 : i32 to vector<16xi32>
    %broadcast_in_dim3A_1127 = vector.broadcast %jit3A_1125 : i32 to vector<16xi32>
    %select_n3A_1128 = arith.select %ge3A_1123, %broadcast_in_dim3A_1126, %broadcast_in_dim3A_1127 : vector<16xi1>, vector<16xi32>
    %sub3A_1129 = arith.subi %sub3A_1120, %select_n3A_1128 : vector<16xi32>
    %swap3A_1130 = arith.constant 3 : i32
    %swap3A_1131 = arith.index_cast %swap3A_1130 : i32 to index
    %swap3A_1132 = arith.constant 80 : index
    %swap3A_1133 = tpu.vector_load %arg6[%swap3A_1131, %swap3A_1132] {strides = array<i32>} : memref<4x128xi32, #tpu.memory_space<vmem>>, vector<1x16xi32>,
    %swap3A_1134 = vector.shape_cast %swap3A_1133 : vector<1x16xi32> to vector<16xi32>
    %swap3A_1135 = vector.shape_cast %sub3A_1129 : vector<16xi32> to vector<1x16xi32>
    tpu.vector_store %arg6[%swap3A_1131, %swap3A_1132], %swap3A_1135 {strides = array<i32>} : memref<4x128xi32, #tpu.memory_space<vmem>>, vector<1x16xi32>,
    %get3A_1136 = arith.constant 3 : i32
    %get3A_1137 = arith.index_cast %get3A_1136 : i32 to index
    %get3A_1138 = arith.constant 96 : index
    %get3A_1139 = tpu.vector_load %arg5[%get3A_1137, %get3A_1138] {strides = array<i32>} : memref<4x128xi32, #tpu.memory_space<vmem>>, vector<1x16xi32>,
    %get3A_1140 = vector.shape_cast %get3A_1139 : vector<1x16xi32> to vector<16xi32>
    %ge3A_1141 = arith.constant 26624 : i32
    %ge3A_1142 = vector.broadcast %ge3A_1141 : i32 to vector<16xi32>
    %ge3A_1143 = arith.cmpi sge, %get3A_1140, %ge3A_1142 : vector<16xi32>
    %jit3A_1144 = arith.constant 26624 : i32
    %jit3A_1145 = arith.constant 0 : i32
    %broadcast_in_dim3A_1146 = vector.broadcast %jit3A_1144 : i32 to vector<16xi32>
    %broadcast_in_dim3A_1147 = vector.broadcast %jit3A_1145 : i32 to vector<16xi32>
    %select_n3A_1148 = arith.select %ge3A_1143, %broadcast_in_dim3A_1146, %broadcast_in_dim3A_1147 : vector<16xi1>, vector<16xi32>
    %sub3A_1149 = arith.subi %get3A_1140, %select_n3A_1148 : vector<16xi32>
    %ge3A_1150 = arith.constant 26624 : i32
    %ge3A_1151 = vector.broadcast %ge3A_1150 : i32 to vector<16xi32>
    %ge3A_1152 = arith.cmpi sge, %sub3A_1149, %ge3A_1151 : vector<16xi32>
    %jit3A_1153 = arith.constant 26624 : i32
    %jit3A_1154 = arith.constant 0 : i32
    %broadcast_in_dim3A_1155 = vector.broadcast %jit3A_1153 : i32 to vector<16xi32>
    %broadcast_in_dim3A_1156 = vector.broadcast %jit3A_1154 : i32 to vector<16xi32>
    %select_n3A_1157 = arith.select %ge3A_1152, %broadcast_in_dim3A_1155, %broadcast_in_dim3A_1156 : vector<16xi1>, vector<16xi32>
    %sub3A_1158 = arith.subi %sub3A_1149, %select_n3A_1157 : vector<16xi32>
    %ge3A_1159 = arith.constant 26624 : i32
    %ge3A_1160 = vector.broadcast %ge3A_1159 : i32 to vector<16xi32>
    %ge3A_1161 = arith.cmpi sge, %sub3A_1158, %ge3A_1160 : vector<16xi32>
    %jit3A_1162 = arith.constant 26624 : i32
    %jit3A_1163 = arith.constant 0 : i32
    %broadcast_in_dim3A_1164 = vector.broadcast %jit3A_1162 : i32 to vector<16xi32>
    %broadcast_in_dim3A_1165 = vector.broadcast %jit3A_1163 : i32 to vector<16xi32>
    %select_n3A_1166 = arith.select %ge3A_1161, %broadcast_in_dim3A_1164, %broadcast_in_dim3A_1165 : vector<16xi1>, vector<16xi32>
    %sub3A_1167 = arith.subi %sub3A_1158, %select_n3A_1166 : vector<16xi32>
    %swap3A_1168 = arith.constant 3 : i32
    %swap3A_1169 = arith.index_cast %swap3A_1168 : i32 to index
    %swap3A_1170 = arith.constant 96 : index
    %swap3A_1171 = tpu.vector_load %arg6[%swap3A_1169, %swap3A_1170] {strides = array<i32>} : memref<4x128xi32, #tpu.memory_space<vmem>>, vector<1x16xi32>,
    %swap3A_1172 = vector.shape_cast %swap3A_1171 : vector<1x16xi32> to vector<16xi32>
    %swap3A_1173 = vector.shape_cast %sub3A_1167 : vector<16xi32> to vector<1x16xi32>
    tpu.vector_store %arg6[%swap3A_1169, %swap3A_1170], %swap3A_1173 {strides = array<i32>} : memref<4x128xi32, #tpu.memory_space<vmem>>, vector<1x16xi32>,
    %get3A_1174 = arith.constant 3 : i32
    %get3A_1175 = arith.index_cast %get3A_1174 : i32 to index
    %get3A_1176 = arith.constant 112 : index
    %get3A_1177 = tpu.vector_load %arg5[%get3A_1175, %get3A_1176] {strides = array<i32>} : memref<4x128xi32, #tpu.memory_space<vmem>>, vector<1x16xi32>,
    %get3A_1178 = vector.shape_cast %get3A_1177 : vector<1x16xi32> to vector<16xi32>
    %ge3A_1179 = arith.constant 26624 : i32
    %ge3A_1180 = vector.broadcast %ge3A_1179 : i32 to vector<16xi32>
    %ge3A_1181 = arith.cmpi sge, %get3A_1178, %ge3A_1180 : vector<16xi32>
    %jit3A_1182 = arith.constant 26624 : i32
    %jit3A_1183 = arith.constant 0 : i32
    %broadcast_in_dim3A_1184 = vector.broadcast %jit3A_1182 : i32 to vector<16xi32>
    %broadcast_in_dim3A_1185 = vector.broadcast %jit3A_1183 : i32 to vector<16xi32>
    %select_n3A_1186 = arith.select %ge3A_1181, %broadcast_in_dim3A_1184, %broadcast_in_dim3A_1185 : vector<16xi1>, vector<16xi32>
    %sub3A_1187 = arith.subi %get3A_1178, %select_n3A_1186 : vector<16xi32>
    %ge3A_1188 = arith.constant 26624 : i32
    %ge3A_1189 = vector.broadcast %ge3A_1188 : i32 to vector<16xi32>
    %ge3A_1190 = arith.cmpi sge, %sub3A_1187, %ge3A_1189 : vector<16xi32>
    %jit3A_1191 = arith.constant 26624 : i32
    %jit3A_1192 = arith.constant 0 : i32
    %broadcast_in_dim3A_1193 = vector.broadcast %jit3A_1191 : i32 to vector<16xi32>
    %broadcast_in_dim3A_1194 = vector.broadcast %jit3A_1192 : i32 to vector<16xi32>
    %select_n3A_1195 = arith.select %ge3A_1190, %broadcast_in_dim3A_1193, %broadcast_in_dim3A_1194 : vector<16xi1>, vector<16xi32>
    %sub3A_1196 = arith.subi %sub3A_1187, %select_n3A_1195 : vector<16xi32>
    %ge3A_1197 = arith.constant 26624 : i32
    %ge3A_1198 = vector.broadcast %ge3A_1197 : i32 to vector<16xi32>
    %ge3A_1199 = arith.cmpi sge, %sub3A_1196, %ge3A_1198 : vector<16xi32>
    %jit3A_1200 = arith.constant 26624 : i32
    %jit3A_1201 = arith.constant 0 : i32
    %broadcast_in_dim3A_1202 = vector.broadcast %jit3A_1200 : i32 to vector<16xi32>
    %broadcast_in_dim3A_1203 = vector.broadcast %jit3A_1201 : i32 to vector<16xi32>
    %select_n3A_1204 = arith.select %ge3A_1199, %broadcast_in_dim3A_1202, %broadcast_in_dim3A_1203 : vector<16xi1>, vector<16xi32>
    %sub3A_1205 = arith.subi %sub3A_1196, %select_n3A_1204 : vector<16xi32>
    %swap3A_1206 = arith.constant 3 : i32
    %swap3A_1207 = arith.index_cast %swap3A_1206 : i32 to index
    %swap3A_1208 = arith.constant 112 : index
    %swap3A_1209 = tpu.vector_load %arg6[%swap3A_1207, %swap3A_1208] {strides = array<i32>} : memref<4x128xi32, #tpu.memory_space<vmem>>, vector<1x16xi32>,
    %swap3A_1210 = vector.shape_cast %swap3A_1209 : vector<1x16xi32> to vector<16xi32>
    %swap3A_1211 = vector.shape_cast %sub3A_1205 : vector<16xi32> to vector<1x16xi32>
    tpu.vector_store %arg6[%swap3A_1207, %swap3A_1208], %swap3A_1211 {strides = array<i32>} : memref<4x128xi32, #tpu.memory_space<vmem>>, vector<1x16xi32>,
    %dma_start3A = arith.constant 0 : i32
    %dma_start3A_1212 = arith.constant 0 : i32
    %dma_start3A_1213 = arith.constant 0 : i32
    %dma_start3A_1214 = tpu.memref_slice %arg7[%dma_start3A_1212, %dma_start3A_1213] : memref<512x128xf32, #tpu.memory_space<vmem>> -> memref<128x128xf32, #tpu.memory_space<vmem>>
    %dma_start3A_1215 = arith.constant 0 : i32
    %dma_start3A_1216 = tpu.memref_slice %arg6[%dma_start3A, %dma_start3A_1215] : memref<4x128xi32, #tpu.memory_space<vmem>> -> memref<1x128xi32, #tpu.memory_space<vmem>>
    %dma_start3A_1217 = tpu.memref_squeeze %dma_start3A_1216 : memref<1x128xi32, #tpu.memory_space<vmem>> -> memref<128xi32, #tpu.memory_space<vmem>>
    %dma_start3A_1218 = arith.constant 0 : i32
    %dma_start3A_1219 = arith.constant 0 : i32
    %dma_start3A_1220 = tpu.memref_slice %arg3[%dma_start3A_1218, %dma_start3A_1219] : memref<26624x128xf32, #tpu.memory_space<hbm>> -> memref<26624x128xf32, #tpu.memory_space<hbm>>
    tpu.enqueue_indirect_dma source(%dma_start3A_1220 : memref<26624x128xf32, #tpu.memory_space<hbm>>) target(%dma_start3A_1214 : memref<128x128xf32, #tpu.memory_space<vmem>>) offsets(%dma_start3A_1217 : memref<128xi32, #tpu.memory_space<vmem>>) semaphore(%arg8 : memref<!tpu.dma_semaphore, #tpu.memory_space<semaphore_mem>>)
    %dma_start3A_1221 = arith.constant 1 : i32
    %dma_start3A_1222 = arith.constant 128 : i32
    %dma_start3A_1223 = arith.constant 0 : i32
    %dma_start3A_1224 = tpu.memref_slice %arg7[%dma_start3A_1222, %dma_start3A_1223] : memref<512x128xf32, #tpu.memory_space<vmem>> -> memref<128x128xf32, #tpu.memory_space<vmem>>
    %dma_start3A_1225 = arith.constant 0 : i32
    %dma_start3A_1226 = tpu.memref_slice %arg6[%dma_start3A_1221, %dma_start3A_1225] : memref<4x128xi32, #tpu.memory_space<vmem>> -> memref<1x128xi32, #tpu.memory_space<vmem>>
    %dma_start3A_1227 = tpu.memref_squeeze %dma_start3A_1226 : memref<1x128xi32, #tpu.memory_space<vmem>> -> memref<128xi32, #tpu.memory_space<vmem>>
    %dma_start3A_1228 = arith.constant 0 : i32
    %dma_start3A_1229 = arith.constant 0 : i32
    %dma_start3A_1230 = tpu.memref_slice %arg3[%dma_start3A_1228, %dma_start3A_1229] : memref<26624x128xf32, #tpu.memory_space<hbm>> -> memref<26624x128xf32, #tpu.memory_space<hbm>>
    tpu.enqueue_indirect_dma source(%dma_start3A_1230 : memref<26624x128xf32, #tpu.memory_space<hbm>>) target(%dma_start3A_1224 : memref<128x128xf32, #tpu.memory_space<vmem>>) offsets(%dma_start3A_1227 : memref<128xi32, #tpu.memory_space<vmem>>) semaphore(%arg8 : memref<!tpu.dma_semaphore, #tpu.memory_space<semaphore_mem>>)
    %dma_start3A_1231 = arith.constant 2 : i32
    %dma_start3A_1232 = arith.constant 256 : i32
    %dma_start3A_1233 = arith.constant 0 : i32
    %dma_start3A_1234 = tpu.memref_slice %arg7[%dma_start3A_1232, %dma_start3A_1233] : memref<512x128xf32, #tpu.memory_space<vmem>> -> memref<128x128xf32, #tpu.memory_space<vmem>>
    %dma_start3A_1235 = arith.constant 0 : i32
    %dma_start3A_1236 = tpu.memref_slice %arg6[%dma_start3A_1231, %dma_start3A_1235] : memref<4x128xi32, #tpu.memory_space<vmem>> -> memref<1x128xi32, #tpu.memory_space<vmem>>
    %dma_start3A_1237 = tpu.memref_squeeze %dma_start3A_1236 : memref<1x128xi32, #tpu.memory_space<vmem>> -> memref<128xi32, #tpu.memory_space<vmem>>
    %dma_start3A_1238 = arith.constant 0 : i32
    %dma_start3A_1239 = arith.constant 0 : i32
    %dma_start3A_1240 = tpu.memref_slice %arg3[%dma_start3A_1238, %dma_start3A_1239] : memref<26624x128xf32, #tpu.memory_space<hbm>> -> memref<26624x128xf32, #tpu.memory_space<hbm>>
    tpu.enqueue_indirect_dma source(%dma_start3A_1240 : memref<26624x128xf32, #tpu.memory_space<hbm>>) target(%dma_start3A_1234 : memref<128x128xf32, #tpu.memory_space<vmem>>) offsets(%dma_start3A_1237 : memref<128xi32, #tpu.memory_space<vmem>>) semaphore(%arg8 : memref<!tpu.dma_semaphore, #tpu.memory_space<semaphore_mem>>)
    %dma_start3A_1241 = arith.constant 3 : i32
    %dma_start3A_1242 = arith.constant 384 : i32
    %dma_start3A_1243 = arith.constant 0 : i32
    %dma_start3A_1244 = tpu.memref_slice %arg7[%dma_start3A_1242, %dma_start3A_1243] : memref<512x128xf32, #tpu.memory_space<vmem>> -> memref<128x128xf32, #tpu.memory_space<vmem>>
    %dma_start3A_1245 = arith.constant 0 : i32
    %dma_start3A_1246 = tpu.memref_slice %arg6[%dma_start3A_1241, %dma_start3A_1245] : memref<4x128xi32, #tpu.memory_space<vmem>> -> memref<1x128xi32, #tpu.memory_space<vmem>>
    %dma_start3A_1247 = tpu.memref_squeeze %dma_start3A_1246 : memref<1x128xi32, #tpu.memory_space<vmem>> -> memref<128xi32, #tpu.memory_space<vmem>>
    %dma_start3A_1248 = arith.constant 0 : i32
    %dma_start3A_1249 = arith.constant 0 : i32
    %dma_start3A_1250 = tpu.memref_slice %arg3[%dma_start3A_1248, %dma_start3A_1249] : memref<26624x128xf32, #tpu.memory_space<hbm>> -> memref<26624x128xf32, #tpu.memory_space<hbm>>
    tpu.enqueue_indirect_dma source(%dma_start3A_1250 : memref<26624x128xf32, #tpu.memory_space<hbm>>) target(%dma_start3A_1244 : memref<128x128xf32, #tpu.memory_space<vmem>>) offsets(%dma_start3A_1247 : memref<128xi32, #tpu.memory_space<vmem>>) semaphore(%arg8 : memref<!tpu.dma_semaphore, #tpu.memory_space<semaphore_mem>>)
    %dma_wait3A = arith.constant 0 : i32
    %dma_wait3A_1251 = arith.constant 0 : i32
    %dma_wait3A_1252 = arith.constant 0 : i32
    %dma_wait3A_1253 = tpu.memref_slice %arg7[%dma_wait3A_1251, %dma_wait3A_1252] : memref<512x128xf32, #tpu.memory_space<vmem>> -> memref<128x128xf32, #tpu.memory_space<vmem>>
    %dma_wait3A_1254 = arith.constant 0 : i32
    %dma_wait3A_1255 = tpu.memref_slice %arg6[%dma_wait3A, %dma_wait3A_1254] : memref<4x128xi32, #tpu.memory_space<vmem>> -> memref<1x128xi32, #tpu.memory_space<vmem>>
    %dma_wait3A_1256 = tpu.memref_squeeze %dma_wait3A_1255 : memref<1x128xi32, #tpu.memory_space<vmem>> -> memref<128xi32, #tpu.memory_space<vmem>>
    %dma_wait3A_1257 = arith.constant 0 : i32
    %dma_wait3A_1258 = arith.constant 0 : i32
    %dma_wait3A_1259 = tpu.memref_slice %arg3[%dma_wait3A_1257, %dma_wait3A_1258] : memref<26624x128xf32, #tpu.memory_space<hbm>> -> memref<26624x128xf32, #tpu.memory_space<hbm>>
    tpu.wait_indirect_dma semaphore(%arg8 : memref<!tpu.dma_semaphore, #tpu.memory_space<semaphore_mem>>) src(%dma_wait3A_1259 : memref<26624x128xf32, #tpu.memory_space<hbm>>) dst(%dma_wait3A_1253 : memref<128x128xf32, #tpu.memory_space<vmem>>)
    %dma_wait3A_1260 = arith.constant 1 : i32
    %dma_wait3A_1261 = arith.constant 128 : i32
    %dma_wait3A_1262 = arith.constant 0 : i32
    %dma_wait3A_1263 = tpu.memref_slice %arg7[%dma_wait3A_1261, %dma_wait3A_1262] : memref<512x128xf32, #tpu.memory_space<vmem>> -> memref<128x128xf32, #tpu.memory_space<vmem>>
    %dma_wait3A_1264 = arith.constant 0 : i32
    %dma_wait3A_1265 = tpu.memref_slice %arg6[%dma_wait3A_1260, %dma_wait3A_1264] : memref<4x128xi32, #tpu.memory_space<vmem>> -> memref<1x128xi32, #tpu.memory_space<vmem>>
    %dma_wait3A_1266 = tpu.memref_squeeze %dma_wait3A_1265 : memref<1x128xi32, #tpu.memory_space<vmem>> -> memref<128xi32, #tpu.memory_space<vmem>>
    %dma_wait3A_1267 = arith.constant 0 : i32
    %dma_wait3A_1268 = arith.constant 0 : i32
    %dma_wait3A_1269 = tpu.memref_slice %arg3[%dma_wait3A_1267, %dma_wait3A_1268] : memref<26624x128xf32, #tpu.memory_space<hbm>> -> memref<26624x128xf32, #tpu.memory_space<hbm>>
    tpu.wait_indirect_dma semaphore(%arg8 : memref<!tpu.dma_semaphore, #tpu.memory_space<semaphore_mem>>) src(%dma_wait3A_1269 : memref<26624x128xf32, #tpu.memory_space<hbm>>) dst(%dma_wait3A_1263 : memref<128x128xf32, #tpu.memory_space<vmem>>)
    %dma_wait3A_1270 = arith.constant 2 : i32
    %dma_wait3A_1271 = arith.constant 256 : i32
    %dma_wait3A_1272 = arith.constant 0 : i32
    %dma_wait3A_1273 = tpu.memref_slice %arg7[%dma_wait3A_1271, %dma_wait3A_1272] : memref<512x128xf32, #tpu.memory_space<vmem>> -> memref<128x128xf32, #tpu.memory_space<vmem>>
    %dma_wait3A_1274 = arith.constant 0 : i32
    %dma_wait3A_1275 = tpu.memref_slice %arg6[%dma_wait3A_1270, %dma_wait3A_1274] : memref<4x128xi32, #tpu.memory_space<vmem>> -> memref<1x128xi32, #tpu.memory_space<vmem>>
    %dma_wait3A_1276 = tpu.memref_squeeze %dma_wait3A_1275 : memref<1x128xi32, #tpu.memory_space<vmem>> -> memref<128xi32, #tpu.memory_space<vmem>>
    %dma_wait3A_1277 = arith.constant 0 : i32
    %dma_wait3A_1278 = arith.constant 0 : i32
    %dma_wait3A_1279 = tpu.memref_slice %arg3[%dma_wait3A_1277, %dma_wait3A_1278] : memref<26624x128xf32, #tpu.memory_space<hbm>> -> memref<26624x128xf32, #tpu.memory_space<hbm>>
    tpu.wait_indirect_dma semaphore(%arg8 : memref<!tpu.dma_semaphore, #tpu.memory_space<semaphore_mem>>) src(%dma_wait3A_1279 : memref<26624x128xf32, #tpu.memory_space<hbm>>) dst(%dma_wait3A_1273 : memref<128x128xf32, #tpu.memory_space<vmem>>)
    %dma_wait3A_1280 = arith.constant 3 : i32
    %dma_wait3A_1281 = arith.constant 384 : i32
    %dma_wait3A_1282 = arith.constant 0 : i32
    %dma_wait3A_1283 = tpu.memref_slice %arg7[%dma_wait3A_1281, %dma_wait3A_1282] : memref<512x128xf32, #tpu.memory_space<vmem>> -> memref<128x128xf32, #tpu.memory_space<vmem>>
    %dma_wait3A_1284 = arith.constant 0 : i32
    %dma_wait3A_1285 = tpu.memref_slice %arg6[%dma_wait3A_1280, %dma_wait3A_1284] : memref<4x128xi32, #tpu.memory_space<vmem>> -> memref<1x128xi32, #tpu.memory_space<vmem>>
    %dma_wait3A_1286 = tpu.memref_squeeze %dma_wait3A_1285 : memref<1x128xi32, #tpu.memory_space<vmem>> -> memref<128xi32, #tpu.memory_space<vmem>>
    %dma_wait3A_1287 = arith.constant 0 : i32
    %dma_wait3A_1288 = arith.constant 0 : i32
    %dma_wait3A_1289 = tpu.memref_slice %arg3[%dma_wait3A_1287, %dma_wait3A_1288] : memref<26624x128xf32, #tpu.memory_space<hbm>> -> memref<26624x128xf32, #tpu.memory_space<hbm>>
    tpu.wait_indirect_dma semaphore(%arg8 : memref<!tpu.dma_semaphore, #tpu.memory_space<semaphore_mem>>) src(%dma_wait3A_1289 : memref<26624x128xf32, #tpu.memory_space<hbm>>) dst(%dma_wait3A_1283 : memref<128x128xf32, #tpu.memory_space<vmem>>)
    "tpu.region"() ({
      %run_scoped3A = tpu.sem_alloc : memref<!tpu.dma_semaphore, #tpu.memory_space<semaphore_mem>>
      %dma_start3A_1290 = arith.constant 0 : i32
      %dma_start3A_1291 = tpu.memref_slice %arg4[%mul3A_2, %dma_start3A_1290] : memref<16384x128xf32, #tpu.memory_space<hbm>> -> memref<512x128xf32, #tpu.memory_space<hbm>>
      %dma_start3A_1292 = arith.constant 0 : i32
      %dma_start3A_1293 = tpu.memref_slice %arg4[%mul3A_2, %dma_start3A_1292] : memref<16384x128xf32, #tpu.memory_space<hbm>> -> memref<512x128xf32, #tpu.memory_space<hbm>>
      tpu.enqueue_dma source(%arg7 : memref<512x128xf32, #tpu.memory_space<vmem>>) target(%dma_start3A_1293 : memref<512x128xf32, #tpu.memory_space<hbm>>) target_semaphore(%run_scoped3A : memref<!tpu.dma_semaphore, #tpu.memory_space<semaphore_mem>>)
      %dma_wait3A_1294 = arith.constant 0 : i32
      %dma_wait3A_1295 = tpu.memref_slice %arg4[%mul3A_2, %dma_wait3A_1294] : memref<16384x128xf32, #tpu.memory_space<hbm>> -> memref<512x128xf32, #tpu.memory_space<hbm>>
      %dma_wait3A_1296 = arith.constant 0 : i32
      %dma_wait3A_1297 = tpu.memref_slice %arg4[%mul3A_2, %dma_wait3A_1296] : memref<16384x128xf32, #tpu.memory_space<hbm>> -> memref<512x128xf32, #tpu.memory_space<hbm>>
      tpu.wait_dma2 semaphore(%run_scoped3A : memref<!tpu.dma_semaphore, #tpu.memory_space<semaphore_mem>>) src(%arg7 : memref<512x128xf32, #tpu.memory_space<vmem>>) dst(%dma_wait3A_1297 : memref<512x128xf32, #tpu.memory_space<hbm>>)
      tpu.yield
    }) : () -> ()
    return
  }
}

module attributes {stable_mosaic.version = 14 : i64} {
  func.func @repack_kernel(%arg0: i32, %arg1: memref<64x2048xf32, #tpu.memory_space<vmem>>, %arg2: memref<64x2048xf32, #tpu.memory_space<vmem>>, %arg3: memref<64x2048xf32, #tpu.memory_space<vmem>>, %arg4: memref<64x2048xf32, #tpu.memory_space<vmem>>, %arg5: memref<2048x128xf32, #tpu.memory_space<vmem>>) attributes {dimension_semantics = [#tpu.dimension_semantics<arbitrary>], iteration_bounds = array<i64: 13>, scalar_prefetch = 0 : i64, scratch_operands = 0 : i64, tpu.core_type = #tpu.core_type<tc>, window_params = [{transform_indices = @transform_0, window_bounds = array<i64: 64, 2048>}, {transform_indices = @transform_1, window_bounds = array<i64: 64, 2048>}, {transform_indices = @transform_2, window_bounds = array<i64: 64, 2048>}, {transform_indices = @transform_3, window_bounds = array<i64: 64, 2048>}, {transform_indices = @transform_4, window_bounds = array<i64: 2048, 128>}]} {
    %iota3A = tpu.iota {dimensions = array<i32: 0>} : vector<64x64xi32>
    %iota3A_0 = tpu.iota {dimensions = array<i32: 1>} : vector<64x64xi32>
    %eq3A = arith.cmpi eq, %iota3A, %iota3A_0 : vector<64x64xi32>
    %convert_element_type3A = arith.extui %eq3A : vector<64x64xi1> to vector<64x64xi32>
    %convert_element_type3A_1 = arith.sitofp %convert_element_type3A : vector<64x64xi32> to vector<64x64xf32>
    %convert_element_type3A_2 = arith.truncf %convert_element_type3A_1 : vector<64x64xf32> to vector<64x64xbf16>
    %get3A = arith.constant 0 : index
    %get3A_3 = arith.constant 0 : index
    %get3A_4 = vector.load %arg1[%get3A, %get3A_3] : memref<64x2048xf32, #tpu.memory_space<vmem>>, vector<64x2048xf32>
    %convert_element_type3A_5 = arith.truncf %get3A_4 : vector<64x2048xf32> to vector<64x2048xbf16>
    %dot_general3A = arith.constant dense<0.000000e+00> : vector<2048x64xf32>
    %dot_general3A_6 = tpu.matmul %convert_element_type3A_5, %convert_element_type3A_2, %dot_general3A {dimension_numbers = #tpu.dot_dimension_numbers<[0], [0], [1], [1], [0, 1, 1, 1], [], []>, transpose_lhs_hint = false} : vector<64x2048xbf16>, vector<64x64xbf16>, vector<2048x64xf32> -> vector<2048x64xf32>
    %get3A_7 = arith.constant 0 : index
    %get3A_8 = arith.constant 0 : index
    %get3A_9 = vector.load %arg2[%get3A_7, %get3A_8] : memref<64x2048xf32, #tpu.memory_space<vmem>>, vector<64x2048xf32>
    %convert_element_type3A_10 = arith.truncf %get3A_9 : vector<64x2048xf32> to vector<64x2048xbf16>
    %dot_general3A_11 = arith.constant dense<0.000000e+00> : vector<2048x64xf32>
    %dot_general3A_12 = tpu.matmul %convert_element_type3A_10, %convert_element_type3A_2, %dot_general3A_11 {dimension_numbers = #tpu.dot_dimension_numbers<[0], [0], [1], [1], [0, 1, 1, 1], [], []>, transpose_lhs_hint = false} : vector<64x2048xbf16>, vector<64x64xbf16>, vector<2048x64xf32> -> vector<2048x64xf32>
    %bitcast_convert_type3A = tpu.bitcast %dot_general3A_6 : vector<2048x64xf32> -> vector<2048x64xi32>
    %bitcast_convert_type3A_13 = tpu.bitcast %dot_general3A_12 : vector<2048x64xf32> -> vector<2048x64xi32>
    %shift_right_logical3A = arith.constant 16 : i32
    %shift_right_logical3A_14 = vector.broadcast %shift_right_logical3A : i32 to vector<2048x64xi32>
    %shift_right_logical3A_15 = arith.shrui %bitcast_convert_type3A_13, %shift_right_logical3A_14 : vector<2048x64xi32>
    %or3A = arith.ori %bitcast_convert_type3A, %shift_right_logical3A_15 : vector<2048x64xi32>
    %bitcast_convert_type3A_16 = tpu.bitcast %or3A : vector<2048x64xi32> -> vector<2048x64xf32>
    %swap3A = arith.constant 0 : index
    %swap3A_17 = arith.constant 0 : index
    %swap3A_18 = vector.load %arg5[%swap3A, %swap3A_17] : memref<2048x128xf32, #tpu.memory_space<vmem>>, vector<2048x64xf32>
    tpu.vector_store %arg5[%swap3A, %swap3A_17], %bitcast_convert_type3A_16 {strides = array<i32>} : memref<2048x128xf32, #tpu.memory_space<vmem>>, vector<2048x64xf32>,
    %get3A_19 = arith.constant 0 : index
    %get3A_20 = arith.constant 0 : index
    %get3A_21 = vector.load %arg3[%get3A_19, %get3A_20] : memref<64x2048xf32, #tpu.memory_space<vmem>>, vector<64x2048xf32>
    %convert_element_type3A_22 = arith.truncf %get3A_21 : vector<64x2048xf32> to vector<64x2048xbf16>
    %dot_general3A_23 = arith.constant dense<0.000000e+00> : vector<2048x64xf32>
    %dot_general3A_24 = tpu.matmul %convert_element_type3A_22, %convert_element_type3A_2, %dot_general3A_23 {dimension_numbers = #tpu.dot_dimension_numbers<[0], [0], [1], [1], [0, 1, 1, 1], [], []>, transpose_lhs_hint = false} : vector<64x2048xbf16>, vector<64x64xbf16>, vector<2048x64xf32> -> vector<2048x64xf32>
    %get3A_25 = arith.constant 0 : index
    %get3A_26 = arith.constant 0 : index
    %get3A_27 = vector.load %arg4[%get3A_25, %get3A_26] : memref<64x2048xf32, #tpu.memory_space<vmem>>, vector<64x2048xf32>
    %convert_element_type3A_28 = arith.truncf %get3A_27 : vector<64x2048xf32> to vector<64x2048xbf16>
    %dot_general3A_29 = arith.constant dense<0.000000e+00> : vector<2048x64xf32>
    %dot_general3A_30 = tpu.matmul %convert_element_type3A_28, %convert_element_type3A_2, %dot_general3A_29 {dimension_numbers = #tpu.dot_dimension_numbers<[0], [0], [1], [1], [0, 1, 1, 1], [], []>, transpose_lhs_hint = false} : vector<64x2048xbf16>, vector<64x64xbf16>, vector<2048x64xf32> -> vector<2048x64xf32>
    %bitcast_convert_type3A_31 = tpu.bitcast %dot_general3A_24 : vector<2048x64xf32> -> vector<2048x64xi32>
    %bitcast_convert_type3A_32 = tpu.bitcast %dot_general3A_30 : vector<2048x64xf32> -> vector<2048x64xi32>
    %shift_right_logical3A_33 = arith.constant 16 : i32
    %shift_right_logical3A_34 = vector.broadcast %shift_right_logical3A_33 : i32 to vector<2048x64xi32>
    %shift_right_logical3A_35 = arith.shrui %bitcast_convert_type3A_32, %shift_right_logical3A_34 : vector<2048x64xi32>
    %or3A_36 = arith.ori %bitcast_convert_type3A_31, %shift_right_logical3A_35 : vector<2048x64xi32>
    %bitcast_convert_type3A_37 = tpu.bitcast %or3A_36 : vector<2048x64xi32> -> vector<2048x64xf32>
    %swap3A_38 = arith.constant 0 : index
    %swap3A_39 = arith.constant 64 : index
    %swap3A_40 = vector.load %arg5[%swap3A_38, %swap3A_39] : memref<2048x128xf32, #tpu.memory_space<vmem>>, vector<2048x64xf32>
    tpu.vector_store %arg5[%swap3A_38, %swap3A_39], %bitcast_convert_type3A_37 {strides = array<i32>} : memref<2048x128xf32, #tpu.memory_space<vmem>>, vector<2048x64xf32>,
    return
  }
  func.func @transform_0(%arg0: i32) -> (i32, i32) {
    %add3A = arith.constant 0 : i32
    %add3A_0 = arith.addi %add3A, %arg0 : i32
    %min3A = arith.constant 48 : i32
    %min3A_1 = arith.minsi %add3A_0, %min3A : i32
    %c0_i32 = arith.constant 0 : i32
    %c0_i32_2 = arith.constant 0 : i32
    return %c0_i32, %min3A_1 : i32, i32
  }
  func.func @transform_1(%arg0: i32) -> (i32, i32) {
    %add3A = arith.constant 13 : i32
    %add3A_0 = arith.addi %add3A, %arg0 : i32
    %min3A = arith.constant 48 : i32
    %min3A_1 = arith.minsi %add3A_0, %min3A : i32
    %c0_i32 = arith.constant 0 : i32
    %c0_i32_2 = arith.constant 0 : i32
    return %c0_i32, %min3A_1 : i32, i32
  }
  func.func @transform_2(%arg0: i32) -> (i32, i32) {
    %add3A = arith.constant 26 : i32
    %add3A_0 = arith.addi %add3A, %arg0 : i32
    %min3A = arith.constant 48 : i32
    %min3A_1 = arith.minsi %add3A_0, %min3A : i32
    %c0_i32 = arith.constant 0 : i32
    %c0_i32_2 = arith.constant 0 : i32
    return %c0_i32, %min3A_1 : i32, i32
  }
  func.func @transform_3(%arg0: i32) -> (i32, i32) {
    %add3A = arith.constant 39 : i32
    %add3A_0 = arith.addi %add3A, %arg0 : i32
    %min3A = arith.constant 48 : i32
    %min3A_1 = arith.minsi %add3A_0, %min3A : i32
    %c0_i32 = arith.constant 0 : i32
    %c0_i32_2 = arith.constant 0 : i32
    return %c0_i32, %min3A_1 : i32, i32
  }
  func.func @transform_4(%arg0: i32) -> (i32, i32) {
    %c0_i32 = arith.constant 0 : i32
    %c0_i32_0 = arith.constant 0 : i32
    return %arg0, %c0_i32 : i32, i32
  }
}

module attributes {stable_mosaic.version = 14 : i64} {
  func.func @repack_kernel(%arg0: i32, %arg1: memref<64x8192xf32, #tpu.memory_space<vmem>>, %arg2: memref<64x8192xf32, #tpu.memory_space<vmem>>, %arg3: memref<64x8192xf32, #tpu.memory_space<vmem>>, %arg4: memref<64x8192xf32, #tpu.memory_space<vmem>>, %arg5: memref<8192x128xf32, #tpu.memory_space<vmem>>) attributes {dimension_semantics = [#tpu.dimension_semantics<arbitrary>], iteration_bounds = array<i64: 31>, scalar_prefetch = 0 : i64, scratch_operands = 0 : i64, tpu.core_type = #tpu.core_type<tc>, window_params = [{transform_indices = @transform_0, window_bounds = array<i64: 64, 8192>}, {transform_indices = @transform_1, window_bounds = array<i64: 64, 8192>}, {transform_indices = @transform_2, window_bounds = array<i64: 64, 8192>}, {transform_indices = @transform_3, window_bounds = array<i64: 64, 8192>}, {transform_indices = @transform_4, window_bounds = array<i64: 8192, 128>}]} {
    %iota3A = tpu.iota {dimensions = array<i32: 0>} : vector<64x64xi32>
    %iota3A_0 = tpu.iota {dimensions = array<i32: 1>} : vector<64x64xi32>
    %eq3A = arith.cmpi eq, %iota3A, %iota3A_0 : vector<64x64xi32>
    %convert_element_type3A = arith.extui %eq3A : vector<64x64xi1> to vector<64x64xi32>
    %convert_element_type3A_1 = arith.sitofp %convert_element_type3A : vector<64x64xi32> to vector<64x64xf32>
    %convert_element_type3A_2 = arith.truncf %convert_element_type3A_1 : vector<64x64xf32> to vector<64x64xbf16>
    %get3A = arith.constant 0 : index
    %get3A_3 = arith.constant 0 : index
    %get3A_4 = vector.load %arg1[%get3A, %get3A_3] : memref<64x8192xf32, #tpu.memory_space<vmem>>, vector<64x8192xf32>
    %convert_element_type3A_5 = arith.truncf %get3A_4 : vector<64x8192xf32> to vector<64x8192xbf16>
    %dot_general3A = arith.constant dense<0.000000e+00> : vector<8192x64xf32>
    %dot_general3A_6 = tpu.matmul %convert_element_type3A_5, %convert_element_type3A_2, %dot_general3A {dimension_numbers = #tpu.dot_dimension_numbers<[0], [0], [1], [1], [0, 1, 1, 1], [], []>, transpose_lhs_hint = false} : vector<64x8192xbf16>, vector<64x64xbf16>, vector<8192x64xf32> -> vector<8192x64xf32>
    %get3A_7 = arith.constant 0 : index
    %get3A_8 = arith.constant 0 : index
    %get3A_9 = vector.load %arg2[%get3A_7, %get3A_8] : memref<64x8192xf32, #tpu.memory_space<vmem>>, vector<64x8192xf32>
    %convert_element_type3A_10 = arith.truncf %get3A_9 : vector<64x8192xf32> to vector<64x8192xbf16>
    %dot_general3A_11 = arith.constant dense<0.000000e+00> : vector<8192x64xf32>
    %dot_general3A_12 = tpu.matmul %convert_element_type3A_10, %convert_element_type3A_2, %dot_general3A_11 {dimension_numbers = #tpu.dot_dimension_numbers<[0], [0], [1], [1], [0, 1, 1, 1], [], []>, transpose_lhs_hint = false} : vector<64x8192xbf16>, vector<64x64xbf16>, vector<8192x64xf32> -> vector<8192x64xf32>
    %bitcast_convert_type3A = tpu.bitcast %dot_general3A_6 : vector<8192x64xf32> -> vector<8192x64xi32>
    %bitcast_convert_type3A_13 = tpu.bitcast %dot_general3A_12 : vector<8192x64xf32> -> vector<8192x64xi32>
    %shift_right_logical3A = arith.constant 16 : i32
    %shift_right_logical3A_14 = vector.broadcast %shift_right_logical3A : i32 to vector<8192x64xi32>
    %shift_right_logical3A_15 = arith.shrui %bitcast_convert_type3A_13, %shift_right_logical3A_14 : vector<8192x64xi32>
    %or3A = arith.ori %bitcast_convert_type3A, %shift_right_logical3A_15 : vector<8192x64xi32>
    %bitcast_convert_type3A_16 = tpu.bitcast %or3A : vector<8192x64xi32> -> vector<8192x64xf32>
    %swap3A = arith.constant 0 : index
    %swap3A_17 = arith.constant 0 : index
    %swap3A_18 = vector.load %arg5[%swap3A, %swap3A_17] : memref<8192x128xf32, #tpu.memory_space<vmem>>, vector<8192x64xf32>
    tpu.vector_store %arg5[%swap3A, %swap3A_17], %bitcast_convert_type3A_16 {strides = array<i32>} : memref<8192x128xf32, #tpu.memory_space<vmem>>, vector<8192x64xf32>,
    %get3A_19 = arith.constant 0 : index
    %get3A_20 = arith.constant 0 : index
    %get3A_21 = vector.load %arg3[%get3A_19, %get3A_20] : memref<64x8192xf32, #tpu.memory_space<vmem>>, vector<64x8192xf32>
    %convert_element_type3A_22 = arith.truncf %get3A_21 : vector<64x8192xf32> to vector<64x8192xbf16>
    %dot_general3A_23 = arith.constant dense<0.000000e+00> : vector<8192x64xf32>
    %dot_general3A_24 = tpu.matmul %convert_element_type3A_22, %convert_element_type3A_2, %dot_general3A_23 {dimension_numbers = #tpu.dot_dimension_numbers<[0], [0], [1], [1], [0, 1, 1, 1], [], []>, transpose_lhs_hint = false} : vector<64x8192xbf16>, vector<64x64xbf16>, vector<8192x64xf32> -> vector<8192x64xf32>
    %get3A_25 = arith.constant 0 : index
    %get3A_26 = arith.constant 0 : index
    %get3A_27 = vector.load %arg4[%get3A_25, %get3A_26] : memref<64x8192xf32, #tpu.memory_space<vmem>>, vector<64x8192xf32>
    %convert_element_type3A_28 = arith.truncf %get3A_27 : vector<64x8192xf32> to vector<64x8192xbf16>
    %dot_general3A_29 = arith.constant dense<0.000000e+00> : vector<8192x64xf32>
    %dot_general3A_30 = tpu.matmul %convert_element_type3A_28, %convert_element_type3A_2, %dot_general3A_29 {dimension_numbers = #tpu.dot_dimension_numbers<[0], [0], [1], [1], [0, 1, 1, 1], [], []>, transpose_lhs_hint = false} : vector<64x8192xbf16>, vector<64x64xbf16>, vector<8192x64xf32> -> vector<8192x64xf32>
    %bitcast_convert_type3A_31 = tpu.bitcast %dot_general3A_24 : vector<8192x64xf32> -> vector<8192x64xi32>
    %bitcast_convert_type3A_32 = tpu.bitcast %dot_general3A_30 : vector<8192x64xf32> -> vector<8192x64xi32>
    %shift_right_logical3A_33 = arith.constant 16 : i32
    %shift_right_logical3A_34 = vector.broadcast %shift_right_logical3A_33 : i32 to vector<8192x64xi32>
    %shift_right_logical3A_35 = arith.shrui %bitcast_convert_type3A_32, %shift_right_logical3A_34 : vector<8192x64xi32>
    %or3A_36 = arith.ori %bitcast_convert_type3A_31, %shift_right_logical3A_35 : vector<8192x64xi32>
    %bitcast_convert_type3A_37 = tpu.bitcast %or3A_36 : vector<8192x64xi32> -> vector<8192x64xf32>
    %swap3A_38 = arith.constant 0 : index
    %swap3A_39 = arith.constant 64 : index
    %swap3A_40 = vector.load %arg5[%swap3A_38, %swap3A_39] : memref<8192x128xf32, #tpu.memory_space<vmem>>, vector<8192x64xf32>
    tpu.vector_store %arg5[%swap3A_38, %swap3A_39], %bitcast_convert_type3A_37 {strides = array<i32>} : memref<8192x128xf32, #tpu.memory_space<vmem>>, vector<8192x64xf32>,
    return
  }
  func.func @transform_0(%arg0: i32) -> (i32, i32) {
    %add3A = arith.constant 0 : i32
    %add3A_0 = arith.addi %add3A, %arg0 : i32
    %min3A = arith.constant 122 : i32
    %min3A_1 = arith.minsi %add3A_0, %min3A : i32
    %c0_i32 = arith.constant 0 : i32
    %c0_i32_2 = arith.constant 0 : i32
    return %c0_i32, %min3A_1 : i32, i32
  }
  func.func @transform_1(%arg0: i32) -> (i32, i32) {
    %add3A = arith.constant 31 : i32
    %add3A_0 = arith.addi %add3A, %arg0 : i32
    %min3A = arith.constant 122 : i32
    %min3A_1 = arith.minsi %add3A_0, %min3A : i32
    %c0_i32 = arith.constant 0 : i32
    %c0_i32_2 = arith.constant 0 : i32
    return %c0_i32, %min3A_1 : i32, i32
  }
  func.func @transform_2(%arg0: i32) -> (i32, i32) {
    %add3A = arith.constant 62 : i32
    %add3A_0 = arith.addi %add3A, %arg0 : i32
    %min3A = arith.constant 122 : i32
    %min3A_1 = arith.minsi %add3A_0, %min3A : i32
    %c0_i32 = arith.constant 0 : i32
    %c0_i32_2 = arith.constant 0 : i32
    return %c0_i32, %min3A_1 : i32, i32
  }
  func.func @transform_3(%arg0: i32) -> (i32, i32) {
    %add3A = arith.constant 93 : i32
    %add3A_0 = arith.addi %add3A, %arg0 : i32
    %min3A = arith.constant 122 : i32
    %min3A_1 = arith.minsi %add3A_0, %min3A : i32
    %c0_i32 = arith.constant 0 : i32
    %c0_i32_2 = arith.constant 0 : i32
    return %c0_i32, %min3A_1 : i32, i32
  }
  func.func @transform_4(%arg0: i32) -> (i32, i32) {
    %c0_i32 = arith.constant 0 : i32
    %c0_i32_0 = arith.constant 0 : i32
    return %arg0, %c0_i32 : i32, i32
  }
}

module attributes {stable_mosaic.version = 14 : i64} {
  func.func @mlp_kernel(%arg0: i32, %arg1: memref<4096x128xf32, #tpu.memory_space<vmem>>, %arg2: memref<4096x128xf32, #tpu.memory_space<vmem>>, %arg3: memref<4096x1xi32, #tpu.memory_space<vmem>>, %arg4: memref<4096x1xi32, #tpu.memory_space<vmem>>, %arg5: memref<64x256xf32, #tpu.memory_space<vmem>>, %arg6: memref<64x256xf32, #tpu.memory_space<vmem>>, %arg7: memref<1x256xf32, #tpu.memory_space<vmem>>, %arg8: memref<256x64xf32, #tpu.memory_space<vmem>>, %arg9: memref<1x64xf32, #tpu.memory_space<vmem>>, %arg10: memref<64x1xf32, #tpu.memory_space<vmem>>, %arg11: memref<1x1xf32, #tpu.memory_space<vmem>>, %arg12: memref<4096x1xf32, #tpu.memory_space<vmem>>) attributes {dimension_semantics = [#tpu.dimension_semantics<arbitrary>], iteration_bounds = array<i64: 4>, scalar_prefetch = 0 : i64, scratch_operands = 0 : i64, tpu.core_type = #tpu.core_type<tc>, window_params = [{transform_indices = @transform_0, window_bounds = array<i64: 4096, 128>}, {transform_indices = @transform_1, window_bounds = array<i64: 4096, 128>}, {transform_indices = @transform_2, window_bounds = array<i64: 4096, 1>}, {transform_indices = @transform_3, window_bounds = array<i64: 4096, 1>}, {pipeline_mode = #tpu.pipeline_mode<synchronous>, transform_indices = @transform_4, window_bounds = array<i64: 64, 256>}, {pipeline_mode = #tpu.pipeline_mode<synchronous>, transform_indices = @transform_5, window_bounds = array<i64: 64, 256>}, {pipeline_mode = #tpu.pipeline_mode<synchronous>, transform_indices = @transform_6, window_bounds = array<i64: 1, 256>}, {pipeline_mode = #tpu.pipeline_mode<synchronous>, transform_indices = @transform_7, window_bounds = array<i64: 256, 64>}, {pipeline_mode = #tpu.pipeline_mode<synchronous>, transform_indices = @transform_8, window_bounds = array<i64: 1, 64>}, {pipeline_mode = #tpu.pipeline_mode<synchronous>, transform_indices = @transform_9, window_bounds = array<i64: 64, 1>}, {pipeline_mode = #tpu.pipeline_mode<synchronous>, transform_indices = @transform_10, window_bounds = array<i64: 1, 1>}, {transform_indices = @transform_11, window_bounds = array<i64: 4096, 1>}]} {
    %get3A = arith.constant 0 : index
    %get3A_0 = arith.constant 0 : index
    %get3A_1 = vector.load %arg1[%get3A, %get3A_0] : memref<4096x128xf32, #tpu.memory_space<vmem>>, vector<4096x128xf32>
    %get3A_2 = arith.constant 0 : index
    %get3A_3 = arith.constant 0 : index
    %get3A_4 = vector.load %arg3[%get3A_2, %get3A_3] : memref<4096x1xi32, #tpu.memory_space<vmem>>, vector<4096x1xi32>
    %broadcast_in_dim3A = vector.shape_cast %get3A_4 : vector<4096x1xi32> to vector<4096x1xi32>
    %broadcast_in_dim3A_5 = vector.broadcast %broadcast_in_dim3A : vector<4096x1xi32> to vector<4096x64xi32>
    %ge3A = arith.constant 507904 : i32
    %ge3A_6 = vector.broadcast %ge3A : i32 to vector<4096x64xi32>
    %ge3A_7 = arith.cmpi sge, %broadcast_in_dim3A_5, %ge3A_6 : vector<4096x64xi32>
    %slice3A = vector.extract_strided_slice %get3A_1 {offsets = [0, 64], sizes = [4096, 64], strides = [1, 1]} : vector<4096x128xf32> to vector<4096x64xf32>
    %slice3A_8 = vector.extract_strided_slice %get3A_1 {offsets = [0, 0], sizes = [4096, 64], strides = [1, 1]} : vector<4096x128xf32> to vector<4096x64xf32>
    %select_n3A = arith.select %ge3A_7, %slice3A, %slice3A_8 : vector<4096x64xi1>, vector<4096x64xf32>
    %bitcast_convert_type3A = tpu.bitcast %select_n3A : vector<4096x64xf32> -> vector<4096x64xi32>
    %jit3A = arith.constant 507904 : i32
    %jit3A_9 = arith.constant 0 : i32
    %broadcast_in_dim3A_10 = vector.broadcast %jit3A : i32 to vector<4096x64xi32>
    %broadcast_in_dim3A_11 = vector.broadcast %jit3A_9 : i32 to vector<4096x64xi32>
    %select_n3A_12 = arith.select %ge3A_7, %broadcast_in_dim3A_10, %broadcast_in_dim3A_11 : vector<4096x64xi1>, vector<4096x64xi32>
    %sub3A = arith.subi %broadcast_in_dim3A_5, %select_n3A_12 : vector<4096x64xi32>
    %ge3A_13 = arith.constant 253952 : i32
    %ge3A_14 = vector.broadcast %ge3A_13 : i32 to vector<4096x64xi32>
    %ge3A_15 = arith.cmpi sge, %sub3A, %ge3A_14 : vector<4096x64xi32>
    %shift_left3A = arith.constant 16 : i32
    %shift_left3A_16 = vector.broadcast %shift_left3A : i32 to vector<4096x64xi32>
    %shift_left3A_17 = arith.shli %bitcast_convert_type3A, %shift_left3A_16 : vector<4096x64xi32>
    %and3A = arith.constant -65536 : i32
    %and3A_18 = vector.broadcast %and3A : i32 to vector<4096x64xi32>
    %and3A_19 = arith.andi %bitcast_convert_type3A, %and3A_18 : vector<4096x64xi32>
    %select_n3A_20 = arith.select %ge3A_15, %shift_left3A_17, %and3A_19 : vector<4096x64xi1>, vector<4096x64xi32>
    %bitcast_convert_type3A_21 = tpu.bitcast %select_n3A_20 : vector<4096x64xi32> -> vector<4096x64xf32>
    %convert_element_type3A = arith.truncf %bitcast_convert_type3A_21 : vector<4096x64xf32> to vector<4096x64xbf16>
    %get3A_22 = arith.constant 0 : index
    %get3A_23 = arith.constant 0 : index
    %get3A_24 = vector.load %arg2[%get3A_22, %get3A_23] : memref<4096x128xf32, #tpu.memory_space<vmem>>, vector<4096x128xf32>
    %get3A_25 = arith.constant 0 : index
    %get3A_26 = arith.constant 0 : index
    %get3A_27 = vector.load %arg4[%get3A_25, %get3A_26] : memref<4096x1xi32, #tpu.memory_space<vmem>>, vector<4096x1xi32>
    %broadcast_in_dim3A_28 = vector.shape_cast %get3A_27 : vector<4096x1xi32> to vector<4096x1xi32>
    %broadcast_in_dim3A_29 = vector.broadcast %broadcast_in_dim3A_28 : vector<4096x1xi32> to vector<4096x64xi32>
    %ge3A_30 = arith.constant 53248 : i32
    %ge3A_31 = vector.broadcast %ge3A_30 : i32 to vector<4096x64xi32>
    %ge3A_32 = arith.cmpi sge, %broadcast_in_dim3A_29, %ge3A_31 : vector<4096x64xi32>
    %slice3A_33 = vector.extract_strided_slice %get3A_24 {offsets = [0, 64], sizes = [4096, 64], strides = [1, 1]} : vector<4096x128xf32> to vector<4096x64xf32>
    %slice3A_34 = vector.extract_strided_slice %get3A_24 {offsets = [0, 0], sizes = [4096, 64], strides = [1, 1]} : vector<4096x128xf32> to vector<4096x64xf32>
    %select_n3A_35 = arith.select %ge3A_32, %slice3A_33, %slice3A_34 : vector<4096x64xi1>, vector<4096x64xf32>
    %bitcast_convert_type3A_36 = tpu.bitcast %select_n3A_35 : vector<4096x64xf32> -> vector<4096x64xi32>
    %jit3A_37 = arith.constant 53248 : i32
    %jit3A_38 = arith.constant 0 : i32
    %broadcast_in_dim3A_39 = vector.broadcast %jit3A_37 : i32 to vector<4096x64xi32>
    %broadcast_in_dim3A_40 = vector.broadcast %jit3A_38 : i32 to vector<4096x64xi32>
    %select_n3A_41 = arith.select %ge3A_32, %broadcast_in_dim3A_39, %broadcast_in_dim3A_40 : vector<4096x64xi1>, vector<4096x64xi32>
    %sub3A_42 = arith.subi %broadcast_in_dim3A_29, %select_n3A_41 : vector<4096x64xi32>
    %ge3A_43 = arith.constant 26624 : i32
    %ge3A_44 = vector.broadcast %ge3A_43 : i32 to vector<4096x64xi32>
    %ge3A_45 = arith.cmpi sge, %sub3A_42, %ge3A_44 : vector<4096x64xi32>
    %shift_left3A_46 = arith.constant 16 : i32
    %shift_left3A_47 = vector.broadcast %shift_left3A_46 : i32 to vector<4096x64xi32>
    %shift_left3A_48 = arith.shli %bitcast_convert_type3A_36, %shift_left3A_47 : vector<4096x64xi32>
    %and3A_49 = arith.constant -65536 : i32
    %and3A_50 = vector.broadcast %and3A_49 : i32 to vector<4096x64xi32>
    %and3A_51 = arith.andi %bitcast_convert_type3A_36, %and3A_50 : vector<4096x64xi32>
    %select_n3A_52 = arith.select %ge3A_45, %shift_left3A_48, %and3A_51 : vector<4096x64xi1>, vector<4096x64xi32>
    %bitcast_convert_type3A_53 = tpu.bitcast %select_n3A_52 : vector<4096x64xi32> -> vector<4096x64xf32>
    %convert_element_type3A_54 = arith.truncf %bitcast_convert_type3A_53 : vector<4096x64xf32> to vector<4096x64xbf16>
    %get3A_55 = arith.constant 0 : index
    %get3A_56 = arith.constant 0 : index
    %get3A_57 = vector.load %arg5[%get3A_55, %get3A_56] : memref<64x256xf32, #tpu.memory_space<vmem>>, vector<64x256xf32>
    %convert_element_type3A_58 = arith.truncf %get3A_57 : vector<64x256xf32> to vector<64x256xbf16>
    %dot_general3A = arith.constant dense<0.000000e+00> : vector<4096x256xf32>
    %dot_general3A_59 = tpu.matmul %convert_element_type3A, %convert_element_type3A_58, %dot_general3A {dimension_numbers = #tpu.dot_dimension_numbers<[1], [0], [0], [1], [0, 0, 1, 1], [], []>, transpose_lhs_hint = false} : vector<4096x64xbf16>, vector<64x256xbf16>, vector<4096x256xf32> -> vector<4096x256xf32>
    %get3A_60 = arith.constant 0 : index
    %get3A_61 = arith.constant 0 : index
    %get3A_62 = vector.load %arg6[%get3A_60, %get3A_61] : memref<64x256xf32, #tpu.memory_space<vmem>>, vector<64x256xf32>
    %convert_element_type3A_63 = arith.truncf %get3A_62 : vector<64x256xf32> to vector<64x256xbf16>
    %dot_general3A_64 = arith.constant dense<0.000000e+00> : vector<4096x256xf32>
    %dot_general3A_65 = tpu.matmul %convert_element_type3A_54, %convert_element_type3A_63, %dot_general3A_64 {dimension_numbers = #tpu.dot_dimension_numbers<[1], [0], [0], [1], [0, 0, 1, 1], [], []>, transpose_lhs_hint = false} : vector<4096x64xbf16>, vector<64x256xbf16>, vector<4096x256xf32> -> vector<4096x256xf32>
    %add3A = arith.addf %dot_general3A_59, %dot_general3A_65 : vector<4096x256xf32>
    %get3A_66 = arith.constant 0 : index
    %get3A_67 = arith.constant 0 : index
    %get3A_68 = vector.load %arg7[%get3A_66, %get3A_67] : memref<1x256xf32, #tpu.memory_space<vmem>>, vector<1x256xf32>
    %add3A_69 = vector.broadcast %get3A_68 : vector<1x256xf32> to vector<4096x256xf32>
    %add3A_70 = arith.addf %add3A, %add3A_69 : vector<4096x256xf32>
    %max3A = arith.constant 0.000000e+00 : f32
    %max3A_71 = vector.broadcast %max3A : f32 to vector<4096x256xf32>
    %max3A_72 = arith.maximumf %add3A_70, %max3A_71 : vector<4096x256xf32>
    %convert_element_type3A_73 = arith.truncf %max3A_72 : vector<4096x256xf32> to vector<4096x256xbf16>
    %get3A_74 = arith.constant 0 : index
    %get3A_75 = arith.constant 0 : index
    %get3A_76 = vector.load %arg8[%get3A_74, %get3A_75] : memref<256x64xf32, #tpu.memory_space<vmem>>, vector<256x64xf32>
    %convert_element_type3A_77 = arith.truncf %get3A_76 : vector<256x64xf32> to vector<256x64xbf16>
    %dot_general3A_78 = arith.constant dense<0.000000e+00> : vector<4096x64xf32>
    %dot_general3A_79 = tpu.matmul %convert_element_type3A_73, %convert_element_type3A_77, %dot_general3A_78 {dimension_numbers = #tpu.dot_dimension_numbers<[1], [0], [0], [1], [0, 0, 1, 1], [], []>, transpose_lhs_hint = false} : vector<4096x256xbf16>, vector<256x64xbf16>, vector<4096x64xf32> -> vector<4096x64xf32>
    %get3A_80 = arith.constant 0 : index
    %get3A_81 = arith.constant 0 : index
    %get3A_82 = vector.load %arg9[%get3A_80, %get3A_81] : memref<1x64xf32, #tpu.memory_space<vmem>>, vector<1x64xf32>
    %add3A_83 = vector.broadcast %get3A_82 : vector<1x64xf32> to vector<4096x64xf32>
    %add3A_84 = arith.addf %dot_general3A_79, %add3A_83 : vector<4096x64xf32>
    %max3A_85 = arith.constant 0.000000e+00 : f32
    %max3A_86 = vector.broadcast %max3A_85 : f32 to vector<4096x64xf32>
    %max3A_87 = arith.maximumf %add3A_84, %max3A_86 : vector<4096x64xf32>
    %convert_element_type3A_88 = arith.truncf %max3A_87 : vector<4096x64xf32> to vector<4096x64xbf16>
    %get3A_89 = arith.constant 0 : index
    %get3A_90 = arith.constant 0 : index
    %get3A_91 = vector.load %arg10[%get3A_89, %get3A_90] : memref<64x1xf32, #tpu.memory_space<vmem>>, vector<64x1xf32>
    %convert_element_type3A_92 = arith.truncf %get3A_91 : vector<64x1xf32> to vector<64x1xbf16>
    %dot_general3A_93 = arith.constant dense<0.000000e+00> : vector<4096x1xf32>
    %dot_general3A_94 = tpu.matmul %convert_element_type3A_88, %convert_element_type3A_92, %dot_general3A_93 {dimension_numbers = #tpu.dot_dimension_numbers<[1], [0], [0], [1], [0, 0, 1, 1], [], []>, transpose_lhs_hint = false} : vector<4096x64xbf16>, vector<64x1xbf16>, vector<4096x1xf32> -> vector<4096x1xf32>
    %get3A_95 = arith.constant 0 : index
    %get3A_96 = arith.constant 0 : index
    %get3A_97 = vector.load %arg11[%get3A_95, %get3A_96] : memref<1x1xf32, #tpu.memory_space<vmem>>, vector<1x1xf32>
    %add3A_98 = vector.broadcast %get3A_97 : vector<1x1xf32> to vector<4096x1xf32>
    %add3A_99 = arith.addf %dot_general3A_94, %add3A_98 : vector<4096x1xf32>
    %swap3A = arith.constant 0 : index
    %swap3A_100 = arith.constant 0 : index
    %swap3A_101 = vector.load %arg12[%swap3A, %swap3A_100] : memref<4096x1xf32, #tpu.memory_space<vmem>>, vector<4096x1xf32>
    tpu.vector_store %arg12[%swap3A, %swap3A_100], %add3A_99 {strides = array<i32>} : memref<4096x1xf32, #tpu.memory_space<vmem>>, vector<4096x1xf32>,
    return
  }
  func.func @transform_0(%arg0: i32) -> (i32, i32) {
    %c0_i32 = arith.constant 0 : i32
    %c0_i32_0 = arith.constant 0 : i32
    return %arg0, %c0_i32 : i32, i32
  }
  func.func @transform_1(%arg0: i32) -> (i32, i32) {
    %c0_i32 = arith.constant 0 : i32
    %c0_i32_0 = arith.constant 0 : i32
    return %arg0, %c0_i32 : i32, i32
  }
  func.func @transform_2(%arg0: i32) -> (i32, i32) {
    %c0_i32 = arith.constant 0 : i32
    %c0_i32_0 = arith.constant 0 : i32
    return %arg0, %c0_i32 : i32, i32
  }
  func.func @transform_3(%arg0: i32) -> (i32, i32) {
    %c0_i32 = arith.constant 0 : i32
    %c0_i32_0 = arith.constant 0 : i32
    return %arg0, %c0_i32 : i32, i32
  }
  func.func @transform_4(%arg0: i32) -> (i32, i32) {
    %c0_i32 = arith.constant 0 : i32
    %c0_i32_0 = arith.constant 0 : i32
    %c0_i32_1 = arith.constant 0 : i32
    return %c0_i32, %c0_i32_0 : i32, i32
  }
  func.func @transform_5(%arg0: i32) -> (i32, i32) {
    %c0_i32 = arith.constant 0 : i32
    %c0_i32_0 = arith.constant 0 : i32
    %c0_i32_1 = arith.constant 0 : i32
    return %c0_i32, %c0_i32_0 : i32, i32
  }
  func.func @transform_6(%arg0: i32) -> (i32, i32) {
    %c0_i32 = arith.constant 0 : i32
    %c0_i32_0 = arith.constant 0 : i32
    %c0_i32_1 = arith.constant 0 : i32
    return %c0_i32, %c0_i32_0 : i32, i32
  }
  func.func @transform_7(%arg0: i32) -> (i32, i32) {
    %c0_i32 = arith.constant 0 : i32
    %c0_i32_0 = arith.constant 0 : i32
    %c0_i32_1 = arith.constant 0 : i32
    return %c0_i32, %c0_i32_0 : i32, i32
  }
  func.func @transform_8(%arg0: i32) -> (i32, i32) {
    %c0_i32 = arith.constant 0 : i32
    %c0_i32_0 = arith.constant 0 : i32
    %c0_i32_1 = arith.constant 0 : i32
    return %c0_i32, %c0_i32_0 : i32, i32
  }
  func.func @transform_9(%arg0: i32) -> (i32, i32) {
    %c0_i32 = arith.constant 0 : i32
    %c0_i32_0 = arith.constant 0 : i32
    %c0_i32_1 = arith.constant 0 : i32
    return %c0_i32, %c0_i32_0 : i32, i32
  }
  func.func @transform_10(%arg0: i32) -> (i32, i32) {
    %c0_i32 = arith.constant 0 : i32
    %c0_i32_0 = arith.constant 0 : i32
    %c0_i32_1 = arith.constant 0 : i32
    return %c0_i32, %c0_i32_0 : i32, i32
  }
  func.func @transform_11(%arg0: i32) -> (i32, i32) {
    %c0_i32 = arith.constant 0 : i32
    %c0_i32_0 = arith.constant 0 : i32
    return %arg0, %c0_i32 : i32, i32
  }
}

</mosaic_0001>

<sc_bundles>
// kernel: kernel.10.cloned.1.call-start
scs
__scs_entry_jumppad:
0x0: {  	(pc) =	sbr.rel $0x88, $3  }
0x1: {  	(tag) =	ssettag $0x0;
	lr =	simm.s32 $0x1  }
0x2: {  	[smem:$0x3F97] =	sst lr;
	_ =	strace $0xD0000000  }
0x3: {  	_ = 	snop  }
0x4: {  	_ = 	snop  }
0x5: {  	_ = 	snop  }
0x6: {  	_ = 	snop  }
0x7: {  	_ = 	snop  }
__scs_overlays_trampoline_lowered:
0x8: {  	[smem:$0x3FA6] =	sst s0  }
0x9: {  	[smem:$0x3FA7] =	sst s1  }
0xa: {  	[smem:$0x3FA8] =	sst s2  }
0xb: {  	[smem:$0x3FA9] =	sst s3  }
0xc: {  	[smem:$0x3FAA] =	sst s4  }
0xd: {  	[smem:$0x3FAB] =	sst s5  }
0xe: {  	[smem:$0x3FAC] =	sst s6  }
0xf: {  	[smem:$0x3FAD] =	sst s7  }
0x10: {  	[smem:$0x3FAE] =	sst s8  }
0x11: {  	[smem:$0x3FAF] =	sst s9;
	s0 =	simm.s32 @!p0 $0x0  }
0x12: {  	s1 =	sld [smem:$0x3F95];
	s0 =	simm.s32 @p0 $0x1  }
0x13: {  	[smem:$0x3FB0] =	sst s0;
	s0 =	simm.s32 @!p1 $0x0  }
0x14: {  	s2 =	sld [smem:$0x3F94];
	s0 =	simm.s32 @p1 $0x1  }
0x15: {  	[smem:$0x3FB1] =	sst s0;
	s0 =	simm.s32 @!p2 $0x0  }
0x16: {  	s3 =	sld [smem:$0x3FDB];
	s0 =	simm.s32 @p2 $0x1  }
0x17: {  	s4 =	simm.s32 $0x1BF5;
	[smem:$0x3FB3] =	sst s0  }
0x18: {  	s0 =	sld [smem:$0x3F96];
	_ =	swait.ge [sflag:s4], $0x0  }
0x19: {  	s7 =	sld [smem:$0x3F97]  }
0x1a: {  	s8 =	sadd.s32 $0xFFFFE003, lr  }
0x1b: {  	s9 =	sadd.s32 $0xFFFFFEF7, lr;
	s5 =	simm.s32 $0xFFFFFFFF;
	p2 =	slt.u32 s8, $0xFFFFF086  }
0x1c: {  	p1 =	slt.u32 s9, $0xF7A;
	s5 =	simm.s32 @!p2 $0x0  }
0x1d: {  	s5 =	simm.s32 @p1 $0x1;
	p0 =	seq.s32 s7, s2  }
0x1e: {  	s7 =	smul.u32 @!p0 $0xF7A, s2;
	p2 =	seq.s32 @!p0 s5, $0x0  }
0x1f: {  	s9 =	smul.u32 $0xF7A, s1;
	s8 =	simm.s32 @!p0 $0x1BF5;
	p2 =	por !p2, p0  }
0x20: {  	[sflag:s8] =	ssyncset.s32 @!p0 $0xFFFFF086;
	s6 =	sadd.s32 @!p0 s3, s7;
	s7 =	simm.s32 @!p0 $0x108  }
0x21: {  	s3 =	sadd.s32 s3, s9;
	s6 =	sadd.s32 @!p0 $0x88, s6;
	s7 =	simm.s32 @p2 $0x1082  }
0x22: {  	[simem:s7], [sflag:s8] =	dma.local @!p0 [hbm:s6], $0xF7A  }
0x23: {  	s9 =	sor.u32 $0xD0000000, s2;
	s6 =	simm.s32 $0x108;
	_ =	swait.ge @!p0 [sflag:s8], $0x0  }
0x24: {  	s3 =	sadd.s32 $0x88, s3;
	s6 =	simm.s32 @!p1 $0x1082;
	[sflag:s4] =	ssyncset.s32 $0xFFFFF086  }
0x25: {  	[simem:s6], [sflag:s4] =	dma.local [hbm:s3], $0xF7A  }
0x26: {  	[smem:$0x3F97] =	sst s1;
	(tag) =	ssettag s2;
	_ =	strace s9  }
0x27: {  	s1 =	sld [smem:$0x3FA7]  }
0x28: {  	s2 =	sld [smem:$0x3FA8]  }
0x29: {  	s4 =	sld [smem:$0x3FAA]  }
0x2a: {  	p0 =	seq.s32 s5, $0x0;
	s5 =	sld [smem:$0x3FAB]  }
0x2b: {  	s6 =	sld [smem:$0x3FAC]  }
0x2c: {  	s7 =	sld [smem:$0x3FAD]  }
0x2d: {  	s3 =	simm.s32 $0x108;
	s8 =	sld [smem:$0x3FAE]  }
0x2e: {  	s3 =	simm.s32 @!p0 $0x1082;
	s9 =	sld [smem:$0x3FAF]  }
0x2f: {  	lr =	sadd.s32 s0, s3;
	s0 =	sld [smem:$0x3FA6]  }
0x30: {  	s3 =	sld [smem:$0x3FA9]  }
0x31: {  	[smem:$0x3FB2] =	sst s10  }
0x32: {  	s10 =	sld [smem:$0x3FB0];
	_ =	sdelay $0x3  }
0x33: {  	p0 =	seq.s32 s10, $0x1;
	s10 =	sld [smem:$0x3FB2];
	_ =	sdelay $0x3  }
0x34: {  	[smem:$0x3FB2] =	sst s10  }
0x35: {  	s10 =	sld [smem:$0x3FB1];
	_ =	sdelay $0x3  }
0x36: {  	p1 =	seq.s32 s10, $0x1;
	s10 =	sld [smem:$0x3FB2];
	_ =	sdelay $0x3  }
0x37: {  	[smem:$0x3FB2] =	sst s10  }
0x38: {  	s10 =	sld [smem:$0x3FB3]  }
0x39: {  	_ = 	snop;
	(pc) =	sbr.ind lr, $3  }
0x3a: {  	_ = 	snop  }
0x3b: {  	_ = 	snop  }
0x3c: {  	p2 =	seq.s32 s10, $0x1;
	s10 =	sld [smem:$0x3FB2]  }
0x3d: {  	_ =	shalt  }
0x3e: {  	_ =	shalt  }
0x3f: {  	_ =	shalt  }
0x40: {  	_ =	shalt  }
0x41: {  	_ =	shalt  }
0x42: {  	_ =	shalt  }
0x43: {  	_ =	shalt  }
0x44: {  	_ =	shalt  }
0x45: {  	_ =	shalt  }
0x46: {  	_ =	shalt  }
0x47: {  	_ =	shalt  }
0x48: {  	_ =	shalt  }
0x49: {  	_ =	shalt  }
0x4a: {  	_ =	shalt  }
0x4b: {  	_ =	shalt  }
0x4c: {  	_ =	shalt  }
0x4d: {  	_ =	shalt  }
0x4e: {  	_ =	shalt  }
0x4f: {  	_ =	shalt  }
0x50: {  	_ =	shalt  }
0x51: {  	_ =	shalt  }
0x52: {  	_ =	shalt  }
0x53: {  	_ =	shalt  }
0x54: {  	_ =	shalt  }
0x55: {  	_ =	shalt  }
0x56: {  	_ =	shalt  }
0x57: {  	_ =	shalt  }
0x58: {  	_ =	shalt  }
0x59: {  	_ =	shalt  }
0x5a: {  	_ =	shalt  }
0x5b: {  	_ =	shalt  }
0x5c: {  	_ =	shalt  }
0x5d: {  	_ =	shalt  }
0x5e: {  	_ =	shalt  }
0x5f: {  	_ =	shalt  }
0x60: {  	_ =	shalt  }
0x61: {  	_ =	shalt  }
0x62: {  	_ =	shalt  }
0x63: {  	_ =	shalt  }
0x64: {  	_ =	shalt  }
0x65: {  	_ =	shalt  }
0x66: {  	_ =	shalt  }
0x67: {  	_ =	shalt  }
0x68: {  	_ =	shalt  }
0x69: {  	_ =	shalt  }
0x6a: {  	_ =	shalt  }
0x6b: {  	_ =	shalt  }
0x6c: {  	_ =	shalt  }
0x6d: {  	_ =	shalt  }
0x6e: {  	_ =	shalt  }
0x6f: {  	_ =	shalt  }
0x70: {  	_ =	shalt  }
0x71: {  	_ =	shalt  }
0x72: {  	_ =	shalt  }
0x73: {  	_ =	shalt  }
0x74: {  	_ =	shalt  }
0x75: {  	_ =	shalt  }
0x76: {  	_ =	shalt  }
0x77: {  	_ =	shalt  }
0x78: {  	_ =	shalt  }
0x79: {  	_ =	shalt  }
0x7a: {  	_ =	shalt  }
0x7b: {  	_ =	shalt  }
0x7c: {  	_ =	shalt  }
0x7d: {  	_ =	shalt  }
0x7e: {  	_ =	shalt  }
0x7f: {  	_ =	shalt  }
0x80: {  	_ =	shalt  }
0x81: {  	_ =	shalt  }
0x82: {  	_ =	shalt  }
0x83: {  	_ =	shalt  }
0x84: {  	_ =	shalt  }
0x85: {  	_ =	shalt  }
0x86: {  	_ =	shalt  }
0x87: {  	_ =	shalt  }
.Lfunc_end0:
.L_simem_size_0:
called_computation.1_lowered:
.L_overlay_start_0:
0x88: {  	s2 =	sld [smem:$0x3FD9]  }
0x89: {  	s3 =	sld [smem:$0x3FFE];
	_ =	sdelay $0x1  }
0x8a: {  	s1 =	srdreg.scid  }
0x8b: {  	s0 =	sand.u32 $0x1, s1  }
0x8c: {  	s17 =	sshll.u32 s0, $0xA;
	s2 =	sadd.s32 s3, s2  }
0x8d: {  	s2 =	sadd.s32 s2, s17  }
0x8e: {  	[smem:$0x3FBE] =	sst s2  }
0x8f: {  	_ = 	snop  }
0x90: {  	s2 =	sld [smem:$0x3FC9];
	(tm) =	ssettm $0x1  }
0x91: {  	s18 =	sld [smem:$0x3FFB];
	_ =	sdelay $0x3  }
0x92: {  	_ =	strace s18  }
0x93: {  	s3 =	sld [smem:$0x3FFC];
	_ =	sdelay $0x3  }
0x94: {  	_ =	strace s3  }
0x95: {  	s3 =	sld [smem:$0x3FFD];
	_ =	sdelay $0x3  }
0x96: {  	_ =	strace s3  }
0x97: {  	_ =	strace $0x8FFFFFFF  }
0x98: {  	s19 =	sld [smem:$0x3FDB];
	_ =	sdelay $0x1  }
0x99: {  	s4 =	simm.s32 $_scs_section_size  }
0x9a: {  	s5 =	simm.s32 $_size__tile_overlayer_lowered;
	s6 =	simm.s32 $_tile_overlayer_lowered  }
0x9b: {  	s22 =	simm.s32 $0x1BFF;
	s21 =	sshll.u32 s6, $0x1;
	s3 =	sadd.s32 s4, s19  }
0x9c: {  	s7 =	simm.s32 $0x0;
	s20 =	sshll.u32 s5, $0x1;
	s5 =	sadd.s32 s21, s3  }
0x9d: {  	[timem:s7], [sflag:s22] =	dma.local [hbm:s5], s20  }
0x9e: {  	_ =	swait.ge [sflag:s22], s20  }
0x9f: {  	s4 =	ssub.s32 $0x0, s20;
	[sflag:s22] =	ssyncset.done $0x0  }
0xa0: {  	[sflag:s22] =	ssyncadd.s32 s4;
	_ =	sdelay $0x1  }
0xa1: {  	s23 =	simm.s32 $0x1B8B  }
0xa2: {  	_ =	swait.ge [sflag:s23], $0x1  }
0xa3: {  	[sflag:s23] =	ssyncset.done $0x0  }
0xa4: {  	s25 =	simm.s32 $0x1B8E;
	s24 =	sld [smem:$0x3FFE];
	[sflag:s23] =	ssyncadd.s32 $0xFFFFFFFF  }
0xa5: {  	s26 =	simm.s32 $execute0_lowered;
	[smem:$0x3FD2] =	sst s25  }
0xa6: {  	s5 =	sshll.u32 s26, $0x1;
	_ =	strace $0x80000046;
	[dreg:$0x1] =	wrdreg $0xFFFFFFFF  }
0xa7: {  	s28 =	simm.s32 $_size_execute0_lowered;
	s3 =	sadd.s32 s3, s5;
	[dreg:$0x0] =	wrdreg $0x0  }
0xa8: {  	s5 =	sshll.u32 s28, $0x1;
	[dreg:$0x2] =	wrdreg s3  }
0xa9: {  	[dreg:$0x3] =	wrdreg s5  }
0xaa: {  	[dreg:$0x4] =	wrdreg $0xC0  }
0xab: {  	_ =	task [dreg:s7], $0x5FFFF  }
0xac: {  	[dreg:$0x1] =	wrdreg $0xFFFFFFFF  }
0xad: {  	[dreg:$0x0] =	wrdreg $0x60  }
0xae: {  	[dreg:$0x2] =	wrdreg s2  }
0xaf: {  	[dreg:$0x3] =	wrdreg s24  }
0xb0: {  	[dreg:$0x4] =	wrdreg $0xA  }
0xb1: {  	_ =	task.clear_ibuf [dreg:s7], $0x5FFFF;
	_ =	strace $0x90000046  }
0xb2: {  	s29 =	simm.s32 $0xA;
	_ =	strace $0x80000048  }
0xb3: {  	_ =	swait.ge [sflag:s29], $0x1  }
0xb4: {  	[sflag:s29] =	ssyncadd.s32 $0xFFFFFFFF  }
0xb5: {  	_ =	strace $0x90000048  }
0xb6: {  	_ =	sfence  }
0xb7: {  	s30 =	sld [smem:$0x0];
	_ =	sdelay $0x2  }
0xb8: {  	s31 =	sshll.u32 s1, $0xD;
	s1 =	sshrl.u32 s1, $0x2  }
0xb9: {  	s3 =	sand.u32 $0x4000, s31;
	s1 =	sadd.s32 s1, s30  }
0xba: {  	s0 =	sor.u32 s3, s0;
	s1 =	sshll.u32 s1, $0x11  }
0xbb: {  	s0 =	sor.u32 s1, s0  }
0xbc: {  	s0 =	sadd.s32 $0x8F2B, s0  }
0xbd: {  	[sflag:s0] =	ssyncadd.remote.s32 $0x1  }
0xbe: {  	_ =	sfence.sel $0xFFFF  }
0xbf: {  	[dreg:$0x0] =	wrdreg $0xFFFFFFFF;
	(pc) =	sbr.abs _section_cstart, $3  }
0xc0: {  	[dreg:$0x1] =	wrdreg $0xFFFFFFFF  }
0xc1: {  	_ =	task.clear_ibuf [dreg:s7], $0x2FFFF;
	_ =	strace $0x9FFFFFFF  }
0xc2: {  	(tm) =	ssettm $0x7FFFFFFF  }
0xc3: {  	_ =	shalt  }
tec
execute0_lowered:
.L_overlay_start_1:
0x0: {  	(tag) =	ssettag $0x1  }
0x1: {  	s4 =	rddreg [dreg:$0x0]  }
0x2: {  	s5 =	rddreg [dreg:$0x1]  }
0x3: {  	s0 =	rddreg [dreg:$0x2]  }
0x4: {  	s3 =	srdreg.scid;
	s2 =	simm.s32 $0x0;
	s1 =	stileid.u32  }
0x5: {  	s9 =	simm.s32 $0x200;
	s10 =	simm.s32 $0x400;
	s11 =	simm.s32 $0x280  }
0x6: {  	s12 =	simm.s32 $0x4400;
	s13 =	simm.s32 $0x300;
	s14 =	simm.s32 $0x8400  }
0x7: {  	s15 =	simm.s32 $0x380;
	s16 =	simm.s32 $0xC400;
	s17 =	simm.s32 $0x1  }
0x8: {  	s6 =	sand.u32 $0x1, s3;
	[smem:$0x7FF] =	sst s2;
	s30 =	sshll.u32 s1, $0xA  }
0x9: {  	s3 =	sadd.s32 $0x1A00, s5;
	s7 =	sshll.u32 s6, $0x9;
	s6 =	ssub.s32 $0x2, s6  }
0xa: {  	_ =	strace $0x80000047;
	s7 =	sor.u32 s7, s30;
	s31 =	sshrl.u32 s6, $0x1  }
0xb: {  	s8 =	sshll.u32 s7, $0x4;
	s7 =	sshrl.u32 s7, $0x3;
	s6 =	ssub.s32 s6, s31  }
0xc: {  	s5 =	sadd.s32 s8, s5;
	s4 =	sadd.s32 s4, s7;
	s6 =	smax.u32 s6, $0x1  }
0xd: {  	v0 =	vimm.s32 $0xFFFC2000;
	s7 =	simm.s32 $0x2;
	s8 =	simm.s32 $0x80;
	s5 =	sadd.s32 $0x3E1A00, s5  }
.LBB2_1:
0xe: {  	[tilespmem:s2], [sflag:$0x2] =	stream.linear.gather [hbm4b:s4+s2], $0x200, $0x38;
	[tilespmem:$0x10400] =	vst v63  }
0xf: {  	_ =	swait.ge [sflag:s7], $0x200  }
0x10: {  	[sflag:s7] =	ssyncset.done $0x0  }
0x11: {  	[sflag:s7] =	ssyncadd.s32 $0xFFFFFE00  }
0x12: {  	v1 =	vld [tilespmem:$0x0]  }
0x13: {  	v2 =	vld [tilespmem:$0x10]  }
0x14: {  	v5 =	vld [tilespmem:$0x30]  }
0x15: {  	v6 =	vld [tilespmem:$0x40];
	_ =	sdelay $0x3  }
0x16: {  	vm0 =	vlt.s32 v1, $0x3E000;
	vm5 =	vlt.s32 v2, $0x3E000;
	vm11 =	vlt.s32 v5, $0x3E000  }
0x17: {  	v56 =	vld [tilespmem:$0x50];
	vm12 =	vlt.s32 v6, $0x3E000;
	v3 =	vsel vm0, $0x0, v0;
	v54 =	vsel vm11, $0x0, v0  }
0x18: {  	v7 =	vsel vm12, $0x0, v0;
	v1 =	vadd.s32 v1, v3;
	v3 =	vsel vm5, $0x0, v0  }
0x19: {  	v8 =	vld [tilespmem:$0x60];
	v6 =	vadd.s32 v6, v7;
	vm6 =	vlt.s32 v1, $0x3E000;
	v2 =	vadd.s32 v2, v3  }
0x1a: {  	v3 =	vld [tilespmem:$0x20];
	vm15 =	vlt.s32 v6, $0x3E000;
	v4 =	vsel vm6, $0x0, v0;
	vm7 =	vlt.s32 v2, $0x3E000  }
0x1b: {  	v10 =	vld [tilespmem:$0x70];
	v9 =	vsel vm15, $0x0, v0;
	v1 =	vadd.s32 v1, v4;
	v52 =	vsel vm7, $0x0, v0  }
0x1c: {  	v6 =	vadd.s32 v6, v9;
	vm7 =	vlt.s32 v56, $0x3E000;
	vm8 =	vlt.s32 v1, $0x3E000  }
0x1d: {  	v4 =	vadd.s32 v2, v52;
	vm6 =	vlt.s32 v6, $0x3E000;
	v59 =	vsel vm7, $0x0, v0  }
0x1e: {  	v2 =	vsel vm8, $0x0, v0;
	vm9 =	vlt.s32 v4, $0x3E000;
	vm8 =	vlt.s32 v8, $0x3E000  }
0x1f: {  	v2 =	vadd.s32 v1, v2;
	v1 =	vsel vm9, $0x0, v0;
	vm10 =	vlt.s32 v3, $0x3E000  }
0x20: {  	v60 =	vsel vm8, $0x0, v0;
	vm9 =	vlt.s32 v10, $0x3E000;
	v1 =	vadd.s32 v4, v1  }
0x21: {  	v53 =	vsel vm10, $0x0, v0;
	v4 =	vadd.s32 v5, v54;
	v61 =	vsel vm9, $0x0, v0  }
0x22: {  	v7 =	vadd.s32 v8, v60;
	v3 =	vadd.s32 v3, v53;
	vm14 =	vlt.s32 v4, $0x3E000  }
0x23: {  	v14 =	vld [tilespmem:$0xC0];
	vm11 =	vlt.s32 v7, $0x3E000;
	v9 =	vadd.s32 v10, v61;
	vm13 =	vlt.s32 v3, $0x3E000  }
0x24: {  	v57 =	vsel vm14, $0x0, v0;
	v16 =	vsel vm11, $0x0, v0;
	vm12 =	vlt.s32 v9, $0x3E000  }
0x25: {  	v63 =	vld [tilespmem:$0x80];
	v55 =	vsel vm13, $0x0, v0;
	v4 =	vadd.s32 v4, v57;
	v12 =	vsel vm12, $0x0, v0  }
0x26: {  	v11 =	vld [tilespmem:$0x90];
	v7 =	vadd.s32 v7, v16;
	v3 =	vadd.s32 v3, v55;
	vm5 =	vlt.s32 v4, $0x3E000  }
0x27: {  	v13 =	vld [tilespmem:$0xA0];
	vm14 =	vlt.s32 v7, $0x3E000;
	v9 =	vadd.s32 v9, v12;
	vm4 =	vlt.s32 v3, $0x3E000  }
0x28: {  	v16 =	vld [tilespmem:$0xD0];
	v18 =	vsel vm14, $0x0, v0;
	vm15 =	vlt.s32 v9, $0x3E000;
	vm14 =	vlt.s32 v14, $0x3E000  }
0x29: {  	v58 =	vsel vm4, $0x0, v0;
	v7 =	vadd.s32 v7, v18;
	v19 =	vsel vm15, $0x0, v0  }
0x2a: {  	vm4 =	vlt.s32 v63, $0x3E000;
	v30 =	vsel vm14, $0x0, v0;
	v5 =	vadd.s32 v3, v58  }
0x2b: {  	v3 =	vsel vm5, $0x0, v0;
	v20 =	vsel vm4, $0x0, v0;
	vm5 =	vlt.s32 v11, $0x3E000  }
0x2c: {  	v4 =	vadd.s32 v4, v3;
	v3 =	vsel vm6, $0x0, v0;
	v21 =	vsel vm5, $0x0, v0  }
0x2d: {  	vm6 =	vlt.s32 v13, $0x3E000;
	vm15 =	vlt.s32 v16, $0x3E000;
	v3 =	vadd.s32 v6, v3  }
0x2e: {  	v6 =	vadd.s32 v56, v59;
	v22 =	vsel vm6, $0x0, v0;
	v10 =	vadd.s32 v11, v21  }
0x2f: {  	v31 =	vsel vm15, $0x0, v0;
	vm10 =	vlt.s32 v6, $0x3E000;
	vm8 =	vlt.s32 v10, $0x3E000  }
0x30: {  	v12 =	vadd.s32 v13, v22;
	v13 =	vadd.s32 v14, v30;
	v62 =	vsel vm10, $0x0, v0  }
0x31: {  	v24 =	vld [tilespmem:$0xB0];
	v25 =	vsel vm8, $0x0, v0;
	vm9 =	vlt.s32 v12, $0x3E000;
	vm5 =	vlt.s32 v13, $0x3E000  }
0x32: {  	v6 =	vadd.s32 v6, v62;
	v15 =	vsel vm9, $0x0, v0;
	v10 =	vadd.s32 v10, v25  }
0x33: {  	v34 =	vsel vm5, $0x0, v0;
	vm13 =	vlt.s32 v6, $0x3E000;
	vm11 =	vlt.s32 v10, $0x3E000  }
0x34: {  	v12 =	vadd.s32 v12, v15;
	v15 =	vadd.s32 v16, v31;
	v13 =	vadd.s32 v13, v34  }
0x35: {  	v33 =	vld [tilespmem:$0xE0];
	v17 =	vsel vm13, $0x0, v0;
	v27 =	vsel vm11, $0x0, v0;
	vm12 =	vlt.s32 v12, $0x3E000  }
0x36: {  	v44 =	vld [tilespmem:$0x130];
	vm13 =	vlt.s32 v24, $0x3E000;
	vm6 =	vlt.s32 v15, $0x3E000;
	vm8 =	vlt.s32 v13, $0x3E000  }
0x37: {  	v8 =	vadd.s32 v6, v17;
	v6 =	vadd.s32 v9, v19;
	v9 =	vadd.s32 v63, v20;
	v17 =	vld [tilespmem:$0xF0]  }
0x38: {  	v10 =	vadd.s32 v10, v27;
	v28 =	vsel vm12, $0x0, v0;
	v18 =	vsel vm6, $0x0, v0;
	v19 =	vld [tilespmem:$0x100]  }
0x39: {  	v29 =	vsel vm13, $0x0, v0;
	v20 =	vld [tilespmem:$0x120];
	vm7 =	vlt.s32 v9, $0x3E000;
	v15 =	vadd.s32 v15, v18  }
0x3a: {  	v36 =	vsel vm8, $0x0, v0;
	v23 =	vsel vm7, $0x0, v0;
	vm9 =	vlt.s32 v15, $0x3E000  }
0x3b: {  	v9 =	vadd.s32 v9, v23;
	v37 =	vsel vm9, $0x0, v0;
	vm9 =	vlt.s32 v44, $0x3E000  }
0x3c: {  	v13 =	vadd.s32 v13, v36;
	vm10 =	vlt.s32 v9, $0x3E000;
	v49 =	vsel vm9, $0x0, v0  }
0x3d: {  	v26 =	vsel vm10, $0x0, v0;
	vm10 =	vlt.s32 v33, $0x3E000;
	vm11 =	vlt.s32 v17, $0x3E000  }
0x3e: {  	vm12 =	vlt.s32 v19, $0x3E000;
	vm8 =	vlt.s32 v20, $0x3E000;
	v11 =	vadd.s32 v9, v26  }
0x3f: {  	v9 =	vadd.s32 v12, v28;
	v12 =	vadd.s32 v24, v29;
	v38 =	vsel vm10, $0x0, v0  }
0x40: {  	v39 =	vsel vm11, $0x0, v0;
	v40 =	vsel vm12, $0x0, v0;
	v48 =	vsel vm8, $0x0, v0  }
0x41: {  	vm4 =	vlt.s32 v12, $0x3E000;
	v16 =	vadd.s32 v17, v39;
	v18 =	vadd.s32 v19, v40  }
0x42: {  	v20 =	vadd.s32 v20, v48;
	v17 =	vadd.s32 v44, v49;
	v32 =	vsel vm4, $0x0, v0  }
0x43: {  	v42 =	vld [tilespmem:$0x110];
	vm14 =	vlt.s32 v16, $0x3E000;
	vm15 =	vlt.s32 v18, $0x3E000;
	vm11 =	vlt.s32 v20, $0x3E000  }
0x44: {  	vm12 =	vlt.s32 v17, $0x3E000;
	v12 =	vadd.s32 v12, v32;
	v43 =	vsel vm14, $0x0, v0  }
0x45: {  	v53 =	vld [tilespmem:$0x160];
	v21 =	vsel vm15, $0x0, v0;
	v52 =	vsel vm11, $0x0, v0;
	v24 =	vsel vm12, $0x0, v0  }
0x46: {  	v62 =	vld [tilespmem:$0x190];
	vm7 =	vlt.s32 v12, $0x3E000;
	v16 =	vadd.s32 v16, v43;
	v18 =	vadd.s32 v18, v21  }
0x47: {  	v23 =	vld [tilespmem:$0x150];
	v20 =	vadd.s32 v20, v52;
	v17 =	vadd.s32 v17, v24;
	v35 =	vsel vm7, $0x0, v0  }
0x48: {  	v26 =	vld [tilespmem:$0x180];
	vm5 =	vlt.s32 v16, $0x3E000;
	vm6 =	vlt.s32 v18, $0x3E000;
	vm7 =	vlt.s32 v42, $0x3E000  }
0x49: {  	vm14 =	vlt.s32 v20, $0x3E000;
	vm15 =	vlt.s32 v17, $0x3E000;
	v14 =	vadd.s32 v12, v35  }
0x4a: {  	v12 =	vadd.s32 v15, v37;
	v15 =	vadd.s32 v33, v38;
	v45 =	vsel vm5, $0x0, v0  }
0x4b: {  	v46 =	vsel vm6, $0x0, v0;
	v47 =	vsel vm7, $0x0, v0;
	v54 =	vsel vm14, $0x0, v0  }
0x4c: {  	v55 =	vsel vm15, $0x0, v0;
	vm5 =	vlt.s32 v23, $0x3E000;
	vm6 =	vlt.s32 v53, $0x3E000  }
0x4d: {  	vm14 =	vlt.s32 v26, $0x3E000;
	vm15 =	vlt.s32 v62, $0x3E000;
	vm13 =	vlt.s32 v15, $0x3E000  }
0x4e: {  	v16 =	vadd.s32 v16, v45;
	v18 =	vadd.s32 v18, v46;
	v19 =	vadd.s32 v42, v47  }
0x4f: {  	v20 =	vadd.s32 v20, v54;
	v17 =	vadd.s32 v17, v55;
	v57 =	vsel vm5, $0x0, v0  }
0x50: {  	v58 =	vsel vm6, $0x0, v0;
	v31 =	vsel vm14, $0x0, v0;
	v32 =	vsel vm15, $0x0, v0  }
0x51: {  	[tilespmem:$0x230] =	vst v4;
	v41 =	vsel vm13, $0x0, v0;
	vm10 =	vlt.s32 v19, $0x3E000;
	v23 =	vadd.s32 v23, v57  }
0x52: {  	v51 =	vld [tilespmem:$0x140];
	[tilespmem:$0x250] =	vst v8;
	v21 =	vadd.s32 v53, v58;
	v4 =	vadd.s32 v26, v31;
	v8 =	vadd.s32 v62, v32  }
0x53: {  	v15 =	vadd.s32 v15, v41;
	v50 =	vsel vm10, $0x0, v0;
	vm8 =	vlt.s32 v23, $0x3E000  }
0x54: {  	vm9 =	vlt.s32 v21, $0x3E000;
	vm5 =	vlt.s32 v4, $0x3E000;
	vm6 =	vlt.s32 v8, $0x3E000  }
0x55: {  	vm4 =	vlt.s32 v15, $0x3E000;
	v19 =	vadd.s32 v19, v50;
	v61 =	vsel vm8, $0x0, v0  }
0x56: {  	v60 =	vld [tilespmem:$0x170];
	v27 =	vsel vm9, $0x0, v0;
	v35 =	vsel vm5, $0x0, v0;
	v37 =	vsel vm6, $0x0, v0  }
0x57: {  	v22 =	vsel vm4, $0x0, v0;
	vm13 =	vlt.s32 v19, $0x3E000;
	vm4 =	vlt.s32 v51, $0x3E000  }
0x58: {  	[tilespmem:$0x200] =	vst v2;
	v36 =	vld [tilespmem:$0x1B0];
	v23 =	vadd.s32 v23, v61;
	v2 =	vadd.s32 v21, v27;
	v4 =	vadd.s32 v4, v35  }
0x59: {  	v38 =	vld [tilespmem:$0x1C0];
	v8 =	vadd.s32 v8, v37;
	v15 =	vadd.s32 v15, v22;
	v25 =	vsel vm13, $0x0, v0  }
0x5a: {  	v48 =	vld [tilespmem:$0x1E0];
	v56 =	vsel vm4, $0x0, v0;
	vm11 =	vlt.s32 v23, $0x3E000;
	vm12 =	vlt.s32 v2, $0x3E000  }
0x5b: {  	[tilespmem:$0x210] =	vst v1;
	vm13 =	vlt.s32 v60, $0x3E000;
	vm8 =	vlt.s32 v4, $0x3E000;
	vm9 =	vlt.s32 v8, $0x3E000  }
0x5c: {  	[tilespmem:$0x260] =	vst v7;
	v19 =	vadd.s32 v19, v25;
	v22 =	vadd.s32 v51, v56;
	v27 =	vsel vm11, $0x0, v0  }
0x5d: {  	[tilespmem:$0x220] =	vst v5;
	v29 =	vsel vm12, $0x0, v0;
	v30 =	vsel vm13, $0x0, v0;
	v40 =	vsel vm8, $0x0, v0  }
0x5e: {  	[tilespmem:$0x240] =	vst v3;
	v50 =	vld [tilespmem:$0x1F0];
	v41 =	vsel vm9, $0x0, v0;
	vm11 =	vlt.s32 v36, $0x3E000;
	vm12 =	vlt.s32 v38, $0x3E000  }
0x5f: {  	[tilespmem:$0x270] =	vst v6;
	vm8 =	vlt.s32 v48, $0x3E000;
	vm7 =	vlt.s32 v22, $0x3E000;
	v28 =	vadd.s32 v23, v27  }
0x60: {  	[tilespmem:$0x290] =	vst v10;
	v2 =	vadd.s32 v2, v29;
	v3 =	vadd.s32 v60, v30;
	v4 =	vadd.s32 v4, v40  }
0x61: {  	[tilespmem:$0x2C0] =	vst v13;
	v8 =	vadd.s32 v8, v41;
	v43 =	vsel vm11, $0x0, v0;
	v44 =	vsel vm12, $0x0, v0  }
0x62: {  	[tilespmem:$0x280] =	vst v11;
	v56 =	vsel vm8, $0x0, v0;
	v59 =	vsel vm7, $0x0, v0;
	vm4 =	vlt.s32 v3, $0x3E000  }
0x63: {  	v34 =	vld [tilespmem:$0x1A0];
	[tilespmem:$0x2A0] =	vst v9;
	v7 =	vadd.s32 v36, v43;
	v6 =	vadd.s32 v38, v44;
	vm9 =	vlt.s32 v50, $0x3E000  }
0x64: {  	[tilespmem:$0x2B0] =	vst v14;
	v22 =	vadd.s32 v22, v59;
	v33 =	vsel vm4, $0x0, v0;
	vm14 =	vlt.s32 v7, $0x3E000  }
0x65: {  	[tilespmem:$0x2D0] =	vst v12;
	vm15 =	vlt.s32 v6, $0x3E000;
	v57 =	vsel vm9, $0x0, v0;
	vm10 =	vlt.s32 v22, $0x3E000  }
0x66: {  	v46 =	vld [tilespmem:$0x1D0];
	[tilespmem:$0x2F0] =	vst v16;
	v3 =	vadd.s32 v3, v33;
	v47 =	vsel vm14, $0x0, v0;
	v49 =	vsel vm15, $0x0, v0  }
0x67: {  	[tilespmem:$0x300] =	vst v18;
	v58 =	vadd.s32 v50, v57;
	v63 =	vsel vm10, $0x0, v0;
	vm7 =	vlt.s32 v3, $0x3E000  }
0x68: {  	[tilespmem:$0x320] =	vst v20;
	vm10 =	vlt.s32 v34, $0x3E000;
	v7 =	vadd.s32 v7, v47;
	v6 =	vadd.s32 v6, v49  }
0x69: {  	[tilespmem:$0x330] =	vst v17;
	vm12 =	vlt.s32 v58, $0x3E000;
	v1 =	vadd.s32 v22, v63;
	v39 =	vsel vm7, $0x0, v0  }
0x6a: {  	[tilespmem:$0x2E0] =	vst v15;
	v42 =	vsel vm10, $0x0, v0;
	vm5 =	vlt.s32 v7, $0x3E000;
	vm6 =	vlt.s32 v6, $0x3E000  }
0x6b: {  	[tilespmem:$0x310] =	vst v19;
	vm7 =	vlt.s32 v46, $0x3E000;
	v61 =	vsel vm12, $0x0, v0;
	v3 =	vadd.s32 v3, v39  }
0x6c: {  	[tilespmem:$0x360] =	vst v2;
	v9 =	vadd.s32 v34, v42;
	v52 =	vsel vm5, $0x0, v0;
	v53 =	vsel vm6, $0x0, v0  }
0x6d: {  	[tilespmem:$0x340] =	vst v1;
	v55 =	vsel vm7, $0x0, v0;
	vm13 =	vlt.s32 v9, $0x3E000;
	v1 =	vadd.s32 v7, v52  }
0x6e: {  	v54 =	vadd.s32 v6, v53;
	v2 =	vadd.s32 v46, v55;
	[tilespmem:$0x370] =	vst v3;
	v3 =	vadd.s32 v48, v56  }
0x6f: {  	[tilespmem:$0x350] =	vst v28;
	v45 =	vsel vm13, $0x0, v0;
	vm10 =	vlt.s32 v2, $0x3E000;
	vm11 =	vlt.s32 v3, $0x3E000  }
0x70: {  	[tilespmem:$0x3B0] =	vst v1;
	v1 =	vadd.s32 v58, v61;
	v9 =	vadd.s32 v9, v45;
	v59 =	vsel vm10, $0x0, v0  }
0x71: {  	[tilespmem:$0x380] =	vst v4;
	v60 =	vsel vm11, $0x0, v0;
	vm4 =	vlt.s32 v9, $0x3E000;
	v2 =	vadd.s32 v2, v59  }
0x72: {  	[tilespmem:$0x390] =	vst v8;
	v3 =	vadd.s32 v3, v60;
	v51 =	vsel vm4, $0x0, v0;
	vm13 =	vlt.s32 v2, $0x3E000  }
0x73: {  	[tilespmem:$0x3C0] =	vst v54;
	vm14 =	vlt.s32 v3, $0x3E000;
	v9 =	vadd.s32 v9, v51;
	v62 =	vsel vm13, $0x0, v0  }
0x74: {  	vm15 =	vlt.s32 v1, $0x3E000;
	v63 =	vsel vm14, $0x0, v0;
	[tilespmem:$0x3A0] =	vst v9;
	v2 =	vadd.s32 v2, v62  }
0x75: {  	[tilespmem:$0x3D0] =	vst v2;
	v2 =	vadd.s32 v3, v63;
	v3 =	vsel vm15, $0x0, v0  }
0x76: {  	[tilespmem:$0x3E0] =	vst v2;
	v1 =	vadd.s32 v1, v3  }
0x77: {  	[tilespmem:$0x3F0] =	vst v1  }
0x78: {  	[tilespmem:s10], [sflag:$0x1] =	stream.indirect.gather [hbm4b:s3+s8], $0x80, s9, s8, $0xb8;
	[tilespmem:$0x10400] =	vst v63  }
0x79: {  	_ = 	snop  }
0x7a: {  	[tilespmem:s12], [sflag:$0x1] =	stream.indirect.gather [hbm4b:s3+s8], $0x80, s11, s8, $0xb8;
	[tilespmem:$0x10400] =	vst v63  }
0x7b: {  	_ = 	snop  }
0x7c: {  	[tilespmem:s14], [sflag:$0x1] =	stream.indirect.gather [hbm4b:s3+s8], $0x80, s13, s8, $0xb8;
	[tilespmem:$0x10400] =	vst v63  }
0x7d: {  	_ = 	snop  }
0x7e: {  	[tilespmem:s16], [sflag:$0x1] =	stream.indirect.gather [hbm4b:s3+s8], $0x80, s15, s8, $0xb8;
	[tilespmem:$0x10400] =	vst v63  }
0x7f: {  	_ =	swait.ge [sflag:s17], $0x4000  }
0x80: {  	[sflag:s17] =	ssyncset.done $0x0  }
0x81: {  	[sflag:s17] =	ssyncadd.s32 $0xFFFFC000  }
0x82: {  	_ =	swait.ge [sflag:s17], $0x4000  }
0x83: {  	[sflag:s17] =	ssyncset.done $0x0  }
0x84: {  	[sflag:s17] =	ssyncadd.s32 $0xFFFFC000  }
0x85: {  	_ =	swait.ge [sflag:s17], $0x4000  }
0x86: {  	[sflag:s17] =	ssyncset.done $0x0  }
0x87: {  	[sflag:s17] =	ssyncadd.s32 $0xFFFFC000  }
0x88: {  	_ =	swait.ge [sflag:s17], $0x4000  }
0x89: {  	p0 =	sne.s32 s6, $0x1;
	[sflag:s17] =	ssyncset.done $0x0  }
.Ltmp0:
0x8a: {  	[sflag:s17] =	ssyncadd.s32 $0xFFFFC000;
	(pc) =	sbr.rel @p0 .LBB2_1-.Ltmp0, $4  }
0x8b: {  	[hbm4b:s5+s2] =	stream.linear.scatter [tilespmem:s10], [sflag:$0x2], $0x10000, $0x38;
	[tilespmem:$0x10400] =	vst v63  }
0x8c: {  	_ =	swait.ge [sflag:s7], $0x10000  }
0x8d: {  	[sflag:s7] =	ssyncset.done $0x0  }
0x8e: {  	s6 =	sadd.s32 $0xFFFFFFFF, s6;
	[sflag:s7] =	ssyncadd.s32 $0xFFFF0000  }
0x8f: {  	_ =	sfence.sel $0x180000  }
0x90: {  	[bflag:$0x0] =	sbarrier.arrive $0xFFFF  }
0x91: {  	p0 =	sne.s32 s1, $0x0;
	_ =	strace $0x90000047  }
0x92: {  	s0 =	sadd.s32 @!p0 $0x100000, s0;
	[bflag:$0x2] =	sbarrier.arrive $0xFFFF  }
0x93: {  	[sflag:s0] =	ssyncadd.tile.s32 @!p0 $0x1;
	_ =	shalt  }
.Lfunc_end2:
_tile_overlayer_lowered:
.L_overlay_start_2:
0x94: {  	(tag) =	ssettag $0x2  }
0x95: {  	s0 =	rddreg [dreg:$0x0];
	s2 =	stileid.u32  }
0x96: {  	s1 =	rddreg [dreg:$0x1];
	p0 =	sne.s32 s2, $0x0  }
0x97: {  	s3 =	rddreg [dreg:$0x2];
	[bflag:$0x3] =	sbarrier.arrive $0xFFFF;
	s2 =	simm.s32 @!p0 $0x1C02  }
0x98: {  	[timem:s3], [sflag:s2] =	dma.local @!p0 [hbm:s0], s1  }
0x99: {  	s0 =	simm.s32 @!p0 $0x2  }
0x9a: {  	_ =	swait.ge @!p0 [sflag:s0], s1  }
0x9b: {  	s1 =	ssub.s32 @!p0 $0x0, s1;
	[sflag:s0] =	ssyncset.done @!p0 $0x0  }
0x9c: {  	[sflag:s0] =	ssyncadd.s32 @!p0 s1  }
0x9d: {  	[bflag:$0x3] =	sbarrier.arrive $0xFFFF  }
0x9e: {  	_ =	shalt  }

// kernel: kernel.7.cloned.1.call-start
scs
__scs_entry_jumppad:
0x0: {  	(pc) =	sbr.rel $0x88, $3  }
0x1: {  	(tag) =	ssettag $0x0;
	lr =	simm.s32 $0x1  }
0x2: {  	[smem:$0x3F97] =	sst lr;
	_ =	strace $0xD0000000  }
0x3: {  	_ = 	snop  }
0x4: {  	_ = 	snop  }
0x5: {  	_ = 	snop  }
0x6: {  	_ = 	snop  }
0x7: {  	_ = 	snop  }
__scs_overlays_trampoline_lowered:
0x8: {  	[smem:$0x3FA6] =	sst s0  }
0x9: {  	[smem:$0x3FA7] =	sst s1  }
0xa: {  	[smem:$0x3FA8] =	sst s2  }
0xb: {  	[smem:$0x3FA9] =	sst s3  }
0xc: {  	[smem:$0x3FAA] =	sst s4  }
0xd: {  	[smem:$0x3FAB] =	sst s5  }
0xe: {  	[smem:$0x3FAC] =	sst s6  }
0xf: {  	[smem:$0x3FAD] =	sst s7  }
0x10: {  	[smem:$0x3FAE] =	sst s8  }
0x11: {  	[smem:$0x3FAF] =	sst s9;
	s0 =	simm.s32 @!p0 $0x0  }
0x12: {  	s1 =	sld [smem:$0x3F95];
	s0 =	simm.s32 @p0 $0x1  }
0x13: {  	[smem:$0x3FB0] =	sst s0;
	s0 =	simm.s32 @!p1 $0x0  }
0x14: {  	s2 =	sld [smem:$0x3F94];
	s0 =	simm.s32 @p1 $0x1  }
0x15: {  	[smem:$0x3FB1] =	sst s0;
	s0 =	simm.s32 @!p2 $0x0  }
0x16: {  	s3 =	sld [smem:$0x3FDB];
	s0 =	simm.s32 @p2 $0x1  }
0x17: {  	s4 =	simm.s32 $0x1BF5;
	[smem:$0x3FB3] =	sst s0  }
0x18: {  	s0 =	sld [smem:$0x3F96];
	_ =	swait.ge [sflag:s4], $0x0  }
0x19: {  	s7 =	sld [smem:$0x3F97]  }
0x1a: {  	s8 =	sadd.s32 $0xFFFFE003, lr  }
0x1b: {  	s9 =	sadd.s32 $0xFFFFFEF7, lr;
	s5 =	simm.s32 $0xFFFFFFFF;
	p2 =	slt.u32 s8, $0xFFFFF086  }
0x1c: {  	p1 =	slt.u32 s9, $0xF7A;
	s5 =	simm.s32 @!p2 $0x0  }
0x1d: {  	s5 =	simm.s32 @p1 $0x1;
	p0 =	seq.s32 s7, s2  }
0x1e: {  	s7 =	smul.u32 @!p0 $0xF7A, s2;
	p2 =	seq.s32 @!p0 s5, $0x0  }
0x1f: {  	s9 =	smul.u32 $0xF7A, s1;
	s8 =	simm.s32 @!p0 $0x1BF5;
	p2 =	por !p2, p0  }
0x20: {  	[sflag:s8] =	ssyncset.s32 @!p0 $0xFFFFF086;
	s6 =	sadd.s32 @!p0 s3, s7;
	s7 =	simm.s32 @!p0 $0x108  }
0x21: {  	s3 =	sadd.s32 s3, s9;
	s6 =	sadd.s32 @!p0 $0x88, s6;
	s7 =	simm.s32 @p2 $0x1082  }
0x22: {  	[simem:s7], [sflag:s8] =	dma.local @!p0 [hbm:s6], $0xF7A  }
0x23: {  	s9 =	sor.u32 $0xD0000000, s2;
	s6 =	simm.s32 $0x108;
	_ =	swait.ge @!p0 [sflag:s8], $0x0  }
0x24: {  	s3 =	sadd.s32 $0x88, s3;
	s6 =	simm.s32 @!p1 $0x1082;
	[sflag:s4] =	ssyncset.s32 $0xFFFFF086  }
0x25: {  	[simem:s6], [sflag:s4] =	dma.local [hbm:s3], $0xF7A  }
0x26: {  	[smem:$0x3F97] =	sst s1;
	(tag) =	ssettag s2;
	_ =	strace s9  }
0x27: {  	s1 =	sld [smem:$0x3FA7]  }
0x28: {  	s2 =	sld [smem:$0x3FA8]  }
0x29: {  	s4 =	sld [smem:$0x3FAA]  }
0x2a: {  	p0 =	seq.s32 s5, $0x0;
	s5 =	sld [smem:$0x3FAB]  }
0x2b: {  	s6 =	sld [smem:$0x3FAC]  }
0x2c: {  	s7 =	sld [smem:$0x3FAD]  }
0x2d: {  	s3 =	simm.s32 $0x108;
	s8 =	sld [smem:$0x3FAE]  }
0x2e: {  	s3 =	simm.s32 @!p0 $0x1082;
	s9 =	sld [smem:$0x3FAF]  }
0x2f: {  	lr =	sadd.s32 s0, s3;
	s0 =	sld [smem:$0x3FA6]  }
0x30: {  	s3 =	sld [smem:$0x3FA9]  }
0x31: {  	[smem:$0x3FB2] =	sst s10  }
0x32: {  	s10 =	sld [smem:$0x3FB0];
	_ =	sdelay $0x3  }
0x33: {  	p0 =	seq.s32 s10, $0x1;
	s10 =	sld [smem:$0x3FB2];
	_ =	sdelay $0x3  }
0x34: {  	[smem:$0x3FB2] =	sst s10  }
0x35: {  	s10 =	sld [smem:$0x3FB1];
	_ =	sdelay $0x3  }
0x36: {  	p1 =	seq.s32 s10, $0x1;
	s10 =	sld [smem:$0x3FB2];
	_ =	sdelay $0x3  }
0x37: {  	[smem:$0x3FB2] =	sst s10  }
0x38: {  	s10 =	sld [smem:$0x3FB3]  }
0x39: {  	_ = 	snop;
	(pc) =	sbr.ind lr, $3  }
0x3a: {  	_ = 	snop  }
0x3b: {  	_ = 	snop  }
0x3c: {  	p2 =	seq.s32 s10, $0x1;
	s10 =	sld [smem:$0x3FB2]  }
0x3d: {  	_ =	shalt  }
0x3e: {  	_ =	shalt  }
0x3f: {  	_ =	shalt  }
0x40: {  	_ =	shalt  }
0x41: {  	_ =	shalt  }
0x42: {  	_ =	shalt  }
0x43: {  	_ =	shalt  }
0x44: {  	_ =	shalt  }
0x45: {  	_ =	shalt  }
0x46: {  	_ =	shalt  }
0x47: {  	_ =	shalt  }
0x48: {  	_ =	shalt  }
0x49: {  	_ =	shalt  }
0x4a: {  	_ =	shalt  }
0x4b: {  	_ =	shalt  }
0x4c: {  	_ =	shalt  }
0x4d: {  	_ =	shalt  }
0x4e: {  	_ =	shalt  }
0x4f: {  	_ =	shalt  }
0x50: {  	_ =	shalt  }
0x51: {  	_ =	shalt  }
0x52: {  	_ =	shalt  }
0x53: {  	_ =	shalt  }
0x54: {  	_ =	shalt  }
0x55: {  	_ =	shalt  }
0x56: {  	_ =	shalt  }
0x57: {  	_ =	shalt  }
0x58: {  	_ =	shalt  }
0x59: {  	_ =	shalt  }
0x5a: {  	_ =	shalt  }
0x5b: {  	_ =	shalt  }
0x5c: {  	_ =	shalt  }
0x5d: {  	_ =	shalt  }
0x5e: {  	_ =	shalt  }
0x5f: {  	_ =	shalt  }
0x60: {  	_ =	shalt  }
0x61: {  	_ =	shalt  }
0x62: {  	_ =	shalt  }
0x63: {  	_ =	shalt  }
0x64: {  	_ =	shalt  }
0x65: {  	_ =	shalt  }
0x66: {  	_ =	shalt  }
0x67: {  	_ =	shalt  }
0x68: {  	_ =	shalt  }
0x69: {  	_ =	shalt  }
0x6a: {  	_ =	shalt  }
0x6b: {  	_ =	shalt  }
0x6c: {  	_ =	shalt  }
0x6d: {  	_ =	shalt  }
0x6e: {  	_ =	shalt  }
0x6f: {  	_ =	shalt  }
0x70: {  	_ =	shalt  }
0x71: {  	_ =	shalt  }
0x72: {  	_ =	shalt  }
0x73: {  	_ =	shalt  }
0x74: {  	_ =	shalt  }
0x75: {  	_ =	shalt  }
0x76: {  	_ =	shalt  }
0x77: {  	_ =	shalt  }
0x78: {  	_ =	shalt  }
0x79: {  	_ =	shalt  }
0x7a: {  	_ =	shalt  }
0x7b: {  	_ =	shalt  }
0x7c: {  	_ =	shalt  }
0x7d: {  	_ =	shalt  }
0x7e: {  	_ =	shalt  }
0x7f: {  	_ =	shalt  }
0x80: {  	_ =	shalt  }
0x81: {  	_ =	shalt  }
0x82: {  	_ =	shalt  }
0x83: {  	_ =	shalt  }
0x84: {  	_ =	shalt  }
0x85: {  	_ =	shalt  }
0x86: {  	_ =	shalt  }
0x87: {  	_ =	shalt  }
.Lfunc_end0:
.L_simem_size_0:
called_computation_lowered:
.L_overlay_start_0:
0x88: {  	s2 =	sld [smem:$0x3FD9]  }
0x89: {  	s3 =	sld [smem:$0x3FFE];
	_ =	sdelay $0x1  }
0x8a: {  	s1 =	srdreg.scid  }
0x8b: {  	s0 =	sand.u32 $0x1, s1  }
0x8c: {  	s17 =	sshll.u32 s0, $0xA;
	s2 =	sadd.s32 s3, s2  }
0x8d: {  	s2 =	sadd.s32 s2, s17  }
0x8e: {  	[smem:$0x3FBE] =	sst s2  }
0x8f: {  	_ = 	snop  }
0x90: {  	s18 =	sld [smem:$0x3FC8];
	(tm) =	ssettm $0x1  }
0x91: {  	s19 =	sld [smem:$0x3FFB];
	_ =	sdelay $0x3  }
0x92: {  	_ =	strace s19  }
0x93: {  	s2 =	sld [smem:$0x3FFC];
	_ =	sdelay $0x3  }
0x94: {  	_ =	strace s2  }
0x95: {  	s2 =	sld [smem:$0x3FFD];
	_ =	sdelay $0x3  }
0x96: {  	_ =	strace s2  }
0x97: {  	_ =	strace $0x8FFFFFFF  }
0x98: {  	s20 =	sld [smem:$0x3FDB];
	_ =	sdelay $0x1  }
0x99: {  	s4 =	simm.s32 $_scs_section_size  }
0x9a: {  	s5 =	simm.s32 $_size__tile_overlayer_lowered;
	s6 =	simm.s32 $_tile_overlayer_lowered  }
0x9b: {  	s7 =	simm.s32 $0x1BFF;
	s21 =	sshll.u32 s6, $0x1;
	s4 =	sadd.s32 s4, s20  }
0x9c: {  	s22 =	simm.s32 $0x0;
	s5 =	sshll.u32 s5, $0x1;
	s6 =	sadd.s32 s21, s4  }
0x9d: {  	[timem:s22], [sflag:s7] =	dma.local [hbm:s6], s5  }
0x9e: {  	_ =	swait.ge [sflag:s7], s5  }
0x9f: {  	s5 =	ssub.s32 $0x0, s5;
	[sflag:s7] =	ssyncset.done $0x0  }
0xa0: {  	[sflag:s7] =	ssyncadd.s32 s5;
	_ =	sdelay $0x1  }
0xa1: {  	s23 =	simm.s32 $0x1B8B  }
0xa2: {  	_ =	swait.ge [sflag:s23], $0x1  }
0xa3: {  	[sflag:s23] =	ssyncset.done $0x0  }
0xa4: {  	[sflag:s23] =	ssyncadd.s32 $0xFFFFFFFF  }
0xa5: {  	s5 =	sld [smem:$0x0]  }
0xa6: {  	s6 =	sand.u32 $0xFFFFFFFE, s1  }
0xa7: {  	p0 =	sne.s32 s1, s6  }
0xa8: {  	s6 =	sshll.u32 @p0 s6, $0xE  }
0xa9: {  	s6 =	sadd.s32 @p0 $0x11B8D, s6;
	s7 =	sshll.u32 @p0 s5, $0x11  }
0xaa: {  	s6 =	sor.u32 @p0 s7, s6  }
0xab: {  	[sflag:s6] =	ssyncadd.remote.s32 @p0 $0x1;
	_ =	sdelay $0x1  }
0xac: {  	s6 =	simm.s32 @p0 $0x1B8D  }
0xad: {  	_ =	swait.eq @p0 [sflag:s6], $0x1  }
0xae: {  	[sflag:s6] =	ssyncadd.s32 @p0 $0xFFFFFFFF  }
0xaf: {  	s7 =	sshll.u32 @!p0 s1, $0xE  }
0xb0: {  	s7 =	sor.u32 @!p0 $0x4000, s7;
	s6 =	simm.s32 @!p0 $0x1B8D  }
0xb1: {  	s5 =	sshll.u32 @!p0 s5, $0x11;
	s7 =	sadd.s32 @!p0 $0x11B8D, s7;
	_ =	swait.eq @!p0 [sflag:s6], $0x1  }
0xb2: {  	s5 =	sor.u32 @!p0 s5, s7;
	[sflag:s6] =	ssyncadd.s32 @!p0 $0xFFFFFFFF  }
0xb3: {  	s25 =	simm.s32 $0x1B8E;
	s24 =	sld [smem:$0x3FFE];
	[sflag:s5] =	ssyncadd.remote.s32 @!p0 $0x1  }
0xb4: {  	s26 =	simm.s32 $execute0_lowered;
	[smem:$0x3FD2] =	sst s25  }
0xb5: {  	s6 =	sshll.u32 s26, $0x1;
	_ =	strace $0x80000049;
	[dreg:$0x1] =	wrdreg $0xFFFFFFFF  }
0xb6: {  	s28 =	simm.s32 $_size_execute0_lowered;
	s4 =	sadd.s32 s4, s6;
	[dreg:$0x0] =	wrdreg $0x0  }
0xb7: {  	s6 =	sshll.u32 s28, $0x1;
	[dreg:$0x2] =	wrdreg s4  }
0xb8: {  	[dreg:$0x3] =	wrdreg s6  }
0xb9: {  	[dreg:$0x4] =	wrdreg $0xC0  }
0xba: {  	_ =	task [dreg:s22], $0x5FFFF  }
0xbb: {  	[dreg:$0x1] =	wrdreg $0xFFFFFFFF  }
0xbc: {  	[dreg:$0x0] =	wrdreg $0x60  }
0xbd: {  	[dreg:$0x2] =	wrdreg s18  }
0xbe: {  	[dreg:$0x3] =	wrdreg s24  }
0xbf: {  	[dreg:$0x4] =	wrdreg $0x9  }
0xc0: {  	_ =	task.clear_ibuf [dreg:s22], $0x5FFFF;
	_ =	strace $0x90000049  }
0xc1: {  	s29 =	simm.s32 $0x9;
	_ =	strace $0x8000004B  }
0xc2: {  	_ =	swait.ge [sflag:s29], $0x1  }
0xc3: {  	[sflag:s29] =	ssyncadd.s32 $0xFFFFFFFF  }
0xc4: {  	_ =	strace $0x9000004B  }
0xc5: {  	_ =	sfence  }
0xc6: {  	s30 =	sld [smem:$0x0];
	_ =	sdelay $0x2  }
0xc7: {  	s31 =	sshll.u32 s1, $0xD;
	s1 =	sshrl.u32 s1, $0x2  }
0xc8: {  	s4 =	sand.u32 $0x4000, s31;
	s1 =	sadd.s32 s1, s30  }
0xc9: {  	s0 =	sor.u32 s4, s0;
	s1 =	sshll.u32 s1, $0x11  }
0xca: {  	s0 =	sor.u32 s1, s0  }
0xcb: {  	s0 =	sadd.s32 $0x8F2B, s0  }
0xcc: {  	[sflag:s0] =	ssyncadd.remote.s32 $0x1  }
0xcd: {  	_ =	sfence.sel $0xFFFF  }
0xce: {  	[dreg:$0x0] =	wrdreg $0xFFFFFFFF;
	(pc) =	sbr.abs _section_cstart, $3  }
0xcf: {  	[dreg:$0x1] =	wrdreg $0xFFFFFFFF  }
0xd0: {  	_ =	task.clear_ibuf [dreg:s22], $0x2FFFF;
	_ =	strace $0x9FFFFFFF  }
0xd1: {  	(tm) =	ssettm $0x7FFFFFFF  }
tec
execute0_lowered:
.L_overlay_start_1:
0x0: {  	(tag) =	ssettag $0x1  }
0x1: {  	s4 =	rddreg [dreg:$0x0]  }
0x2: {  	s5 =	rddreg [dreg:$0x1]  }
0x3: {  	s0 =	rddreg [dreg:$0x2]  }
0x4: {  	s3 =	srdreg.scid;
	s2 =	simm.s32 $0x0;
	s1 =	stileid.u32  }
0x5: {  	s9 =	simm.s32 $0x200;
	s10 =	simm.s32 $0x400;
	s11 =	simm.s32 $0x280  }
0x6: {  	s12 =	simm.s32 $0x4400;
	s13 =	simm.s32 $0x300;
	s14 =	simm.s32 $0x8400  }
0x7: {  	s15 =	simm.s32 $0x380;
	s16 =	simm.s32 $0xC400;
	s17 =	simm.s32 $0x1  }
0x8: {  	s6 =	sand.u32 $0x1, s3;
	[smem:$0x7FF] =	sst s2;
	s30 =	sshll.u32 s1, $0xA  }
0x9: {  	s3 =	sadd.s32 $0x421A00, s5;
	s7 =	sshll.u32 s6, $0x9;
	s6 =	ssub.s32 $0x2, s6  }
0xa: {  	_ =	strace $0x8000004A;
	s7 =	sor.u32 s7, s30;
	s31 =	sshrl.u32 s6, $0x1  }
0xb: {  	s8 =	sshll.u32 s7, $0x4;
	s7 =	sshrl.u32 s7, $0x3;
	s6 =	ssub.s32 s6, s31  }
0xc: {  	s5 =	sadd.s32 s8, s5;
	s4 =	sadd.s32 s4, s7;
	s6 =	smax.u32 s6, $0x1  }
0xd: {  	v0 =	vimm.s32 $0xFFFF9800;
	s7 =	simm.s32 $0x2;
	s8 =	simm.s32 $0x80;
	s5 =	sadd.s32 $0x489A00, s5  }
.LBB2_1:
0xe: {  	[tilespmem:s2], [sflag:$0x2] =	stream.linear.gather [hbm4b:s4+s2], $0x200, $0x38;
	[tilespmem:$0x10400] =	vst v63  }
0xf: {  	_ =	swait.ge [sflag:s7], $0x200  }
0x10: {  	[sflag:s7] =	ssyncset.done $0x0  }
0x11: {  	[sflag:s7] =	ssyncadd.s32 $0xFFFFFE00  }
0x12: {  	v1 =	vld [tilespmem:$0x0]  }
0x13: {  	v2 =	vld [tilespmem:$0x10]  }
0x14: {  	v5 =	vld [tilespmem:$0x30]  }
0x15: {  	v6 =	vld [tilespmem:$0x40];
	_ =	sdelay $0x3  }
0x16: {  	vm0 =	vlt.s32 v1, $0x6800;
	vm5 =	vlt.s32 v2, $0x6800;
	vm11 =	vlt.s32 v5, $0x6800  }
0x17: {  	v56 =	vld [tilespmem:$0x50];
	vm12 =	vlt.s32 v6, $0x6800;
	v3 =	vsel vm0, $0x0, v0;
	v54 =	vsel vm11, $0x0, v0  }
0x18: {  	v7 =	vsel vm12, $0x0, v0;
	v1 =	vadd.s32 v1, v3;
	v3 =	vsel vm5, $0x0, v0  }
0x19: {  	v8 =	vld [tilespmem:$0x60];
	v6 =	vadd.s32 v6, v7;
	vm6 =	vlt.s32 v1, $0x6800;
	v2 =	vadd.s32 v2, v3  }
0x1a: {  	v3 =	vld [tilespmem:$0x20];
	vm15 =	vlt.s32 v6, $0x6800;
	v4 =	vsel vm6, $0x0, v0;
	vm7 =	vlt.s32 v2, $0x6800  }
0x1b: {  	v10 =	vld [tilespmem:$0x70];
	v9 =	vsel vm15, $0x0, v0;
	v1 =	vadd.s32 v1, v4;
	v52 =	vsel vm7, $0x0, v0  }
0x1c: {  	v6 =	vadd.s32 v6, v9;
	vm7 =	vlt.s32 v56, $0x6800;
	vm8 =	vlt.s32 v1, $0x6800  }
0x1d: {  	v4 =	vadd.s32 v2, v52;
	vm6 =	vlt.s32 v6, $0x6800;
	v59 =	vsel vm7, $0x0, v0  }
0x1e: {  	v2 =	vsel vm8, $0x0, v0;
	vm9 =	vlt.s32 v4, $0x6800;
	vm8 =	vlt.s32 v8, $0x6800  }
0x1f: {  	v2 =	vadd.s32 v1, v2;
	v1 =	vsel vm9, $0x0, v0;
	vm10 =	vlt.s32 v3, $0x6800  }
0x20: {  	v60 =	vsel vm8, $0x0, v0;
	vm9 =	vlt.s32 v10, $0x6800;
	v1 =	vadd.s32 v4, v1  }
0x21: {  	v53 =	vsel vm10, $0x0, v0;
	v4 =	vadd.s32 v5, v54;
	v61 =	vsel vm9, $0x0, v0  }
0x22: {  	v7 =	vadd.s32 v8, v60;
	v3 =	vadd.s32 v3, v53;
	vm14 =	vlt.s32 v4, $0x6800  }
0x23: {  	v14 =	vld [tilespmem:$0xC0];
	vm11 =	vlt.s32 v7, $0x6800;
	v9 =	vadd.s32 v10, v61;
	vm13 =	vlt.s32 v3, $0x6800  }
0x24: {  	v57 =	vsel vm14, $0x0, v0;
	v16 =	vsel vm11, $0x0, v0;
	vm12 =	vlt.s32 v9, $0x6800  }
0x25: {  	v63 =	vld [tilespmem:$0x80];
	v55 =	vsel vm13, $0x0, v0;
	v4 =	vadd.s32 v4, v57;
	v12 =	vsel vm12, $0x0, v0  }
0x26: {  	v11 =	vld [tilespmem:$0x90];
	v7 =	vadd.s32 v7, v16;
	v3 =	vadd.s32 v3, v55;
	vm5 =	vlt.s32 v4, $0x6800  }
0x27: {  	v13 =	vld [tilespmem:$0xA0];
	vm14 =	vlt.s32 v7, $0x6800;
	v9 =	vadd.s32 v9, v12;
	vm4 =	vlt.s32 v3, $0x6800  }
0x28: {  	v16 =	vld [tilespmem:$0xD0];
	v18 =	vsel vm14, $0x0, v0;
	vm15 =	vlt.s32 v9, $0x6800;
	vm14 =	vlt.s32 v14, $0x6800  }
0x29: {  	v58 =	vsel vm4, $0x0, v0;
	v7 =	vadd.s32 v7, v18;
	v19 =	vsel vm15, $0x0, v0  }
0x2a: {  	vm4 =	vlt.s32 v63, $0x6800;
	v30 =	vsel vm14, $0x0, v0;
	v5 =	vadd.s32 v3, v58  }
0x2b: {  	v3 =	vsel vm5, $0x0, v0;
	v20 =	vsel vm4, $0x0, v0;
	vm5 =	vlt.s32 v11, $0x6800  }
0x2c: {  	v4 =	vadd.s32 v4, v3;
	v3 =	vsel vm6, $0x0, v0;
	v21 =	vsel vm5, $0x0, v0  }
0x2d: {  	vm6 =	vlt.s32 v13, $0x6800;
	vm15 =	vlt.s32 v16, $0x6800;
	v3 =	vadd.s32 v6, v3  }
0x2e: {  	v6 =	vadd.s32 v56, v59;
	v22 =	vsel vm6, $0x0, v0;
	v10 =	vadd.s32 v11, v21  }
0x2f: {  	v31 =	vsel vm15, $0x0, v0;
	vm10 =	vlt.s32 v6, $0x6800;
	vm8 =	vlt.s32 v10, $0x6800  }
0x30: {  	v12 =	vadd.s32 v13, v22;
	v13 =	vadd.s32 v14, v30;
	v62 =	vsel vm10, $0x0, v0  }
0x31: {  	v24 =	vld [tilespmem:$0xB0];
	v25 =	vsel vm8, $0x0, v0;
	vm9 =	vlt.s32 v12, $0x6800;
	vm5 =	vlt.s32 v13, $0x6800  }
0x32: {  	v6 =	vadd.s32 v6, v62;
	v15 =	vsel vm9, $0x0, v0;
	v10 =	vadd.s32 v10, v25  }
0x33: {  	v34 =	vsel vm5, $0x0, v0;
	vm13 =	vlt.s32 v6, $0x6800;
	vm11 =	vlt.s32 v10, $0x6800  }
0x34: {  	v12 =	vadd.s32 v12, v15;
	v15 =	vadd.s32 v16, v31;
	v13 =	vadd.s32 v13, v34  }
0x35: {  	v33 =	vld [tilespmem:$0xE0];
	v17 =	vsel vm13, $0x0, v0;
	v27 =	vsel vm11, $0x0, v0;
	vm12 =	vlt.s32 v12, $0x6800  }
0x36: {  	v44 =	vld [tilespmem:$0x130];
	vm13 =	vlt.s32 v24, $0x6800;
	vm6 =	vlt.s32 v15, $0x6800;
	vm8 =	vlt.s32 v13, $0x6800  }
0x37: {  	v8 =	vadd.s32 v6, v17;
	v6 =	vadd.s32 v9, v19;
	v9 =	vadd.s32 v63, v20;
	v17 =	vld [tilespmem:$0xF0]  }
0x38: {  	v10 =	vadd.s32 v10, v27;
	v28 =	vsel vm12, $0x0, v0;
	v18 =	vsel vm6, $0x0, v0;
	v19 =	vld [tilespmem:$0x100]  }
0x39: {  	v29 =	vsel vm13, $0x0, v0;
	v20 =	vld [tilespmem:$0x120];
	vm7 =	vlt.s32 v9, $0x6800;
	v15 =	vadd.s32 v15, v18  }
0x3a: {  	v36 =	vsel vm8, $0x0, v0;
	v23 =	vsel vm7, $0x0, v0;
	vm9 =	vlt.s32 v15, $0x6800  }
0x3b: {  	v9 =	vadd.s32 v9, v23;
	v37 =	vsel vm9, $0x0, v0;
	vm9 =	vlt.s32 v44, $0x6800  }
0x3c: {  	v13 =	vadd.s32 v13, v36;
	vm10 =	vlt.s32 v9, $0x6800;
	v49 =	vsel vm9, $0x0, v0  }
0x3d: {  	v26 =	vsel vm10, $0x0, v0;
	vm10 =	vlt.s32 v33, $0x6800;
	vm11 =	vlt.s32 v17, $0x6800  }
0x3e: {  	vm12 =	vlt.s32 v19, $0x6800;
	vm8 =	vlt.s32 v20, $0x6800;
	v11 =	vadd.s32 v9, v26  }
0x3f: {  	v9 =	vadd.s32 v12, v28;
	v12 =	vadd.s32 v24, v29;
	v38 =	vsel vm10, $0x0, v0  }
0x40: {  	v39 =	vsel vm11, $0x0, v0;
	v40 =	vsel vm12, $0x0, v0;
	v48 =	vsel vm8, $0x0, v0  }
0x41: {  	vm4 =	vlt.s32 v12, $0x6800;
	v16 =	vadd.s32 v17, v39;
	v18 =	vadd.s32 v19, v40  }
0x42: {  	v20 =	vadd.s32 v20, v48;
	v17 =	vadd.s32 v44, v49;
	v32 =	vsel vm4, $0x0, v0  }
0x43: {  	v42 =	vld [tilespmem:$0x110];
	vm14 =	vlt.s32 v16, $0x6800;
	vm15 =	vlt.s32 v18, $0x6800;
	vm11 =	vlt.s32 v20, $0x6800  }
0x44: {  	vm12 =	vlt.s32 v17, $0x6800;
	v12 =	vadd.s32 v12, v32;
	v43 =	vsel vm14, $0x0, v0  }
0x45: {  	v53 =	vld [tilespmem:$0x160];
	v21 =	vsel vm15, $0x0, v0;
	v52 =	vsel vm11, $0x0, v0;
	v24 =	vsel vm12, $0x0, v0  }
0x46: {  	v62 =	vld [tilespmem:$0x190];
	vm7 =	vlt.s32 v12, $0x6800;
	v16 =	vadd.s32 v16, v43;
	v18 =	vadd.s32 v18, v21  }
0x47: {  	v23 =	vld [tilespmem:$0x150];
	v20 =	vadd.s32 v20, v52;
	v17 =	vadd.s32 v17, v24;
	v35 =	vsel vm7, $0x0, v0  }
0x48: {  	v26 =	vld [tilespmem:$0x180];
	vm5 =	vlt.s32 v16, $0x6800;
	vm6 =	vlt.s32 v18, $0x6800;
	vm7 =	vlt.s32 v42, $0x6800  }
0x49: {  	vm14 =	vlt.s32 v20, $0x6800;
	vm15 =	vlt.s32 v17, $0x6800;
	v14 =	vadd.s32 v12, v35  }
0x4a: {  	v12 =	vadd.s32 v15, v37;
	v15 =	vadd.s32 v33, v38;
	v45 =	vsel vm5, $0x0, v0  }
0x4b: {  	v46 =	vsel vm6, $0x0, v0;
	v47 =	vsel vm7, $0x0, v0;
	v54 =	vsel vm14, $0x0, v0  }
0x4c: {  	v55 =	vsel vm15, $0x0, v0;
	vm5 =	vlt.s32 v23, $0x6800;
	vm6 =	vlt.s32 v53, $0x6800  }
0x4d: {  	vm14 =	vlt.s32 v26, $0x6800;
	vm15 =	vlt.s32 v62, $0x6800;
	vm13 =	vlt.s32 v15, $0x6800  }
0x4e: {  	v16 =	vadd.s32 v16, v45;
	v18 =	vadd.s32 v18, v46;
	v19 =	vadd.s32 v42, v47  }
0x4f: {  	v20 =	vadd.s32 v20, v54;
	v17 =	vadd.s32 v17, v55;
	v57 =	vsel vm5, $0x0, v0  }
0x50: {  	v58 =	vsel vm6, $0x0, v0;
	v31 =	vsel vm14, $0x0, v0;
	v32 =	vsel vm15, $0x0, v0  }
0x51: {  	[tilespmem:$0x230] =	vst v4;
	v41 =	vsel vm13, $0x0, v0;
	vm10 =	vlt.s32 v19, $0x6800;
	v23 =	vadd.s32 v23, v57  }
0x52: {  	v51 =	vld [tilespmem:$0x140];
	[tilespmem:$0x250] =	vst v8;
	v21 =	vadd.s32 v53, v58;
	v4 =	vadd.s32 v26, v31;
	v8 =	vadd.s32 v62, v32  }
0x53: {  	v15 =	vadd.s32 v15, v41;
	v50 =	vsel vm10, $0x0, v0;
	vm8 =	vlt.s32 v23, $0x6800  }
0x54: {  	vm9 =	vlt.s32 v21, $0x6800;
	vm5 =	vlt.s32 v4, $0x6800;
	vm6 =	vlt.s32 v8, $0x6800  }
0x55: {  	vm4 =	vlt.s32 v15, $0x6800;
	v19 =	vadd.s32 v19, v50;
	v61 =	vsel vm8, $0x0, v0  }
0x56: {  	v60 =	vld [tilespmem:$0x170];
	v27 =	vsel vm9, $0x0, v0;
	v35 =	vsel vm5, $0x0, v0;
	v37 =	vsel vm6, $0x0, v0  }
0x57: {  	v22 =	vsel vm4, $0x0, v0;
	vm13 =	vlt.s32 v19, $0x6800;
	vm4 =	vlt.s32 v51, $0x6800  }
0x58: {  	[tilespmem:$0x200] =	vst v2;
	v36 =	vld [tilespmem:$0x1B0];
	v23 =	vadd.s32 v23, v61;
	v2 =	vadd.s32 v21, v27;
	v4 =	vadd.s32 v4, v35  }
0x59: {  	v38 =	vld [tilespmem:$0x1C0];
	v8 =	vadd.s32 v8, v37;
	v15 =	vadd.s32 v15, v22;
	v25 =	vsel vm13, $0x0, v0  }
0x5a: {  	v48 =	vld [tilespmem:$0x1E0];
	v56 =	vsel vm4, $0x0, v0;
	vm11 =	vlt.s32 v23, $0x6800;
	vm12 =	vlt.s32 v2, $0x6800  }
0x5b: {  	[tilespmem:$0x210] =	vst v1;
	vm13 =	vlt.s32 v60, $0x6800;
	vm8 =	vlt.s32 v4, $0x6800;
	vm9 =	vlt.s32 v8, $0x6800  }
0x5c: {  	[tilespmem:$0x260] =	vst v7;
	v19 =	vadd.s32 v19, v25;
	v22 =	vadd.s32 v51, v56;
	v27 =	vsel vm11, $0x0, v0  }
0x5d: {  	[tilespmem:$0x220] =	vst v5;
	v29 =	vsel vm12, $0x0, v0;
	v30 =	vsel vm13, $0x0, v0;
	v40 =	vsel vm8, $0x0, v0  }
0x5e: {  	[tilespmem:$0x240] =	vst v3;
	v50 =	vld [tilespmem:$0x1F0];
	v41 =	vsel vm9, $0x0, v0;
	vm11 =	vlt.s32 v36, $0x6800;
	vm12 =	vlt.s32 v38, $0x6800  }
0x5f: {  	[tilespmem:$0x270] =	vst v6;
	vm8 =	vlt.s32 v48, $0x6800;
	vm7 =	vlt.s32 v22, $0x6800;
	v28 =	vadd.s32 v23, v27  }
0x60: {  	[tilespmem:$0x290] =	vst v10;
	v2 =	vadd.s32 v2, v29;
	v3 =	vadd.s32 v60, v30;
	v4 =	vadd.s32 v4, v40  }
0x61: {  	[tilespmem:$0x2C0] =	vst v13;
	v8 =	vadd.s32 v8, v41;
	v43 =	vsel vm11, $0x0, v0;
	v44 =	vsel vm12, $0x0, v0  }
0x62: {  	[tilespmem:$0x280] =	vst v11;
	v56 =	vsel vm8, $0x0, v0;
	v59 =	vsel vm7, $0x0, v0;
	vm4 =	vlt.s32 v3, $0x6800  }
0x63: {  	v34 =	vld [tilespmem:$0x1A0];
	[tilespmem:$0x2A0] =	vst v9;
	v7 =	vadd.s32 v36, v43;
	v6 =	vadd.s32 v38, v44;
	vm9 =	vlt.s32 v50, $0x6800  }
0x64: {  	[tilespmem:$0x2B0] =	vst v14;
	v22 =	vadd.s32 v22, v59;
	v33 =	vsel vm4, $0x0, v0;
	vm14 =	vlt.s32 v7, $0x6800  }
0x65: {  	[tilespmem:$0x2D0] =	vst v12;
	vm15 =	vlt.s32 v6, $0x6800;
	v57 =	vsel vm9, $0x0, v0;
	vm10 =	vlt.s32 v22, $0x6800  }
0x66: {  	v46 =	vld [tilespmem:$0x1D0];
	[tilespmem:$0x2F0] =	vst v16;
	v3 =	vadd.s32 v3, v33;
	v47 =	vsel vm14, $0x0, v0;
	v49 =	vsel vm15, $0x0, v0  }
0x67: {  	[tilespmem:$0x300] =	vst v18;
	v58 =	vadd.s32 v50, v57;
	v63 =	vsel vm10, $0x0, v0;
	vm7 =	vlt.s32 v3, $0x6800  }
0x68: {  	[tilespmem:$0x320] =	vst v20;
	vm10 =	vlt.s32 v34, $0x6800;
	v7 =	vadd.s32 v7, v47;
	v6 =	vadd.s32 v6, v49  }
0x69: {  	[tilespmem:$0x330] =	vst v17;
	vm12 =	vlt.s32 v58, $0x6800;
	v1 =	vadd.s32 v22, v63;
	v39 =	vsel vm7, $0x0, v0  }
0x6a: {  	[tilespmem:$0x2E0] =	vst v15;
	v42 =	vsel vm10, $0x0, v0;
	vm5 =	vlt.s32 v7, $0x6800;
	vm6 =	vlt.s32 v6, $0x6800  }
0x6b: {  	[tilespmem:$0x310] =	vst v19;
	vm7 =	vlt.s32 v46, $0x6800;
	v61 =	vsel vm12, $0x0, v0;
	v3 =	vadd.s32 v3, v39  }
0x6c: {  	[tilespmem:$0x360] =	vst v2;
	v9 =	vadd.s32 v34, v42;
	v52 =	vsel vm5, $0x0, v0;
	v53 =	vsel vm6, $0x0, v0  }
0x6d: {  	[tilespmem:$0x340] =	vst v1;
	v55 =	vsel vm7, $0x0, v0;
	vm13 =	vlt.s32 v9, $0x6800;
	v1 =	vadd.s32 v7, v52  }
0x6e: {  	v54 =	vadd.s32 v6, v53;
	v2 =	vadd.s32 v46, v55;
	[tilespmem:$0x370] =	vst v3;
	v3 =	vadd.s32 v48, v56  }
0x6f: {  	[tilespmem:$0x350] =	vst v28;
	v45 =	vsel vm13, $0x0, v0;
	vm10 =	vlt.s32 v2, $0x6800;
	vm11 =	vlt.s32 v3, $0x6800  }
0x70: {  	[tilespmem:$0x3B0] =	vst v1;
	v1 =	vadd.s32 v58, v61;
	v9 =	vadd.s32 v9, v45;
	v59 =	vsel vm10, $0x0, v0  }
0x71: {  	[tilespmem:$0x380] =	vst v4;
	v60 =	vsel vm11, $0x0, v0;
	vm4 =	vlt.s32 v9, $0x6800;
	v2 =	vadd.s32 v2, v59  }
0x72: {  	[tilespmem:$0x390] =	vst v8;
	v3 =	vadd.s32 v3, v60;
	v51 =	vsel vm4, $0x0, v0;
	vm13 =	vlt.s32 v2, $0x6800  }
0x73: {  	[tilespmem:$0x3C0] =	vst v54;
	vm14 =	vlt.s32 v3, $0x6800;
	v9 =	vadd.s32 v9, v51;
	v62 =	vsel vm13, $0x0, v0  }
0x74: {  	vm15 =	vlt.s32 v1, $0x6800;
	v63 =	vsel vm14, $0x0, v0;
	[tilespmem:$0x3A0] =	vst v9;
	v2 =	vadd.s32 v2, v62  }
0x75: {  	[tilespmem:$0x3D0] =	vst v2;
	v2 =	vadd.s32 v3, v63;
	v3 =	vsel vm15, $0x0, v0  }
0x76: {  	[tilespmem:$0x3E0] =	vst v2;
	v1 =	vadd.s32 v1, v3  }
0x77: {  	[tilespmem:$0x3F0] =	vst v1  }
0x78: {  	[tilespmem:s10], [sflag:$0x1] =	stream.indirect.gather [hbm4b:s3+s8], $0x80, s9, s8, $0xb8;
	[tilespmem:$0x10400] =	vst v63  }
0x79: {  	_ = 	snop  }
0x7a: {  	[tilespmem:s12], [sflag:$0x1] =	stream.indirect.gather [hbm4b:s3+s8], $0x80, s11, s8, $0xb8;
	[tilespmem:$0x10400] =	vst v63  }
0x7b: {  	_ = 	snop  }
0x7c: {  	[tilespmem:s14], [sflag:$0x1] =	stream.indirect.gather [hbm4b:s3+s8], $0x80, s13, s8, $0xb8;
	[tilespmem:$0x10400] =	vst v63  }
0x7d: {  	_ = 	snop  }
0x7e: {  	[tilespmem:s16], [sflag:$0x1] =	stream.indirect.gather [hbm4b:s3+s8], $0x80, s15, s8, $0xb8;
	[tilespmem:$0x10400] =	vst v63  }
0x7f: {  	_ =	swait.ge [sflag:s17], $0x4000  }
0x80: {  	[sflag:s17] =	ssyncset.done $0x0  }
0x81: {  	[sflag:s17] =	ssyncadd.s32 $0xFFFFC000  }
0x82: {  	_ =	swait.ge [sflag:s17], $0x4000  }
0x83: {  	[sflag:s17] =	ssyncset.done $0x0  }
0x84: {  	[sflag:s17] =	ssyncadd.s32 $0xFFFFC000  }
0x85: {  	_ =	swait.ge [sflag:s17], $0x4000  }
0x86: {  	[sflag:s17] =	ssyncset.done $0x0  }
0x87: {  	[sflag:s17] =	ssyncadd.s32 $0xFFFFC000  }
0x88: {  	_ =	swait.ge [sflag:s17], $0x4000  }
0x89: {  	p0 =	sne.s32 s6, $0x1;
	[sflag:s17] =	ssyncset.done $0x0  }
.Ltmp0:
0x8a: {  	[sflag:s17] =	ssyncadd.s32 $0xFFFFC000;
	(pc) =	sbr.rel @p0 .LBB2_1-.Ltmp0, $4  }
0x8b: {  	[hbm4b:s5+s2] =	stream.linear.scatter [tilespmem:s10], [sflag:$0x2], $0x10000, $0x38;
	[tilespmem:$0x10400] =	vst v63  }
0x8c: {  	_ =	swait.ge [sflag:s7], $0x10000  }
0x8d: {  	[sflag:s7] =	ssyncset.done $0x0  }
0x8e: {  	s6 =	sadd.s32 $0xFFFFFFFF, s6;
	[sflag:s7] =	ssyncadd.s32 $0xFFFF0000  }
0x8f: {  	_ =	sfence.sel $0x180000  }
0x90: {  	[bflag:$0x0] =	sbarrier.arrive $0xFFFF  }
0x91: {  	p0 =	sne.s32 s1, $0x0;
	_ =	strace $0x9000004A  }
0x92: {  	s0 =	sadd.s32 @!p0 $0x100000, s0;
	[bflag:$0x2] =	sbarrier.arrive $0xFFFF  }
0x93: {  	[sflag:s0] =	ssyncadd.tile.s32 @!p0 $0x1;
	_ =	shalt  }
.Lfunc_end2:
_tile_overlayer_lowered:
.L_overlay_start_2:
0x94: {  	(tag) =	ssettag $0x2  }
0x95: {  	s0 =	rddreg [dreg:$0x0];
	s2 =	stileid.u32  }
0x96: {  	s1 =	rddreg [dreg:$0x1];
	p0 =	sne.s32 s2, $0x0  }
0x97: {  	s3 =	rddreg [dreg:$0x2];
	[bflag:$0x3] =	sbarrier.arrive $0xFFFF;
	s2 =	simm.s32 @!p0 $0x1C02  }
0x98: {  	[timem:s3], [sflag:s2] =	dma.local @!p0 [hbm:s0], s1  }
0x99: {  	s0 =	simm.s32 @!p0 $0x2  }
0x9a: {  	_ =	swait.ge @!p0 [sflag:s0], s1  }
0x9b: {  	s1 =	ssub.s32 @!p0 $0x0, s1;
	[sflag:s0] =	ssyncset.done @!p0 $0x0  }
0x9c: {  	[sflag:s0] =	ssyncadd.s32 @!p0 s1  }
0x9d: {  	[bflag:$0x3] =	sbarrier.arrive $0xFFFF  }
0x9e: {  	_ =	shalt  }

</sc_bundles>
